<compile_context>
chip_gen: v7x
topology: tpu7x:2x2x1
jax: 0.10.2.dev20260603
libtpu: 0.0.44.dev20260713+nightly
codegen_flags: <defaults>
</compile_context>

<pallas_src>
import functools

import jax
import jax.numpy as jnp
from jax import lax
from jax.experimental import pallas as pl
from jax.experimental.pallas import tpu as pltpu
from jax.experimental.pallas import tpu_sc as plsc

ALPHA = 0.6
B = 16384
C = 1000

CB = 2048

NW = 16
CH = B // NW
CL = CH // 16
NPASS = 4


def _ce_kernel(x_ref, y_ref, out_ref):
    i = pl.program_id(0)
    x = x_ref[...]
    y = y_ref[...]
    row = lax.broadcasted_iota(jnp.int32, (C, CB), 0)
    m = jnp.max(x, axis=0, keepdims=True)
    lse = jnp.log(jnp.sum(jnp.exp(x - m), axis=0, keepdims=True)) + m
    tgt = jnp.sum(jnp.where(row == y, x, 0.0), axis=0, keepdims=True)
    part = jnp.sum(lse - tgt).reshape(1, 1)

    @pl.when(i == 0)
    def _():
        out_ref[...] = jnp.zeros((1, 1), jnp.float32)

    out_ref[...] += part


def _vlog(x):
    bits = plsc.bitcast(x, jnp.int32)
    e = lax.shift_right_logical(bits, 23) - 127
    m = plsc.bitcast((bits & 0x7FFFFF) | 0x3F800000, jnp.float32)
    big = m > 1.4142135
    m = jnp.where(big, m * 0.5, m)
    ef = (e + big.astype(jnp.int32)).astype(jnp.float32)
    s = (m - 1.0) / (m + 1.0)
    s2 = s * s
    p = 2.0 + s2 * (0.6666666666666667 + s2 * (0.4 + s2 * (0.2857142857142857
                                                           + s2 * 0.2222222222222222)))
    return ef * 0.6931471805599453 + s * p


def _cox_sc_body(dur_hbm, cox_hbm, ev_hbm, out_hbm,
                 ska, skb, sva, svb, sghw, stot, spm, spc,
                 keych, valch, posbuf, hist3, counts3, ghwloc, histw, epw,
                 riskloc, evch, redloc, vbuf):
    wid = lax.axis_index("s") + lax.axis_index("c") * 0
    base = wid * CH
    lane = lax.iota(jnp.int32, 16)
    z16 = jnp.zeros((16,), jnp.int32)
    ones16 = jnp.ones((16,), jnp.int32)

    pltpu.sync_copy(dur_hbm.at[pl.ds(base, CH)], riskloc)

    def kinit(t, _):
        bits = plsc.bitcast(riskloc[pl.ds(t * 16, 16)], jnp.int32)
        sign = lax.shift_right_arithmetic(bits, 31)
        ub = bits ^ (sign | jnp.int32(-2147483648))
        keych[pl.ds(t * 16, 16)] = ~ub
        return 0

    lax.fori_loop(0, CL, kinit, 0)
    pltpu.sync_copy(cox_hbm.at[pl.ds(base, CH)], valch)

    bufs = ((ska, sva), (skb, svb))
    for p in range(NPASS):
        cur_k, cur_v = bufs[p % 2]
        nxt_k, nxt_v = bufs[(p + 1) % 2]
        if p > 0:
            pltpu.sync_copy(cur_k.at[pl.ds(base, CH)], keych)
            pltpu.sync_copy(cur_v.at[pl.ds(base, CH)], valch)
        shift = 8 * p

        def hzero(t, _):
            hist3[pl.ds(t * 16, 16)] = z16
            return 0

        lax.fori_loop(0, 256, hzero, 0)

        def hbody(i, _):
            idx = lane * CL + i
            k = plsc.load_gather(keych, [idx])
            d = lax.shift_right_logical(k, shift) & 255
            plsc.addupdate_scatter(hist3, [lane * 256 + d], ones16)
            return 0

        lax.fori_loop(0, CL, hbody, 0)

        def wsum(g, _):
            def lsum(l, acc):
                return acc + hist3[pl.ds(l * 256 + g * 16, 16)]

            histw[pl.ds(g * 16, 16)] = lax.fori_loop(0, 16, lsum, z16)
            return 0

        lax.fori_loop(0, 16, wsum, 0)
        pltpu.sync_copy(histw, sghw.at[pl.ds(wid * 256, 256)])
        plsc.subcore_barrier()
        pltpu.sync_copy(sghw, ghwloc)

        def gbody(g, carry):
            def wacc(w2, tp):
                t_acc, p_acc = tp
                row = ghwloc[pl.ds(w2 * 256 + g * 16, 16)]
                return (t_acc + row,
                        p_acc + row * (w2 < wid).astype(jnp.int32))

            t_tot, p_pre = lax.fori_loop(0, NW, wacc, (z16, z16))
            ex = plsc.cumsum(t_tot) - t_tot
            epw[pl.ds(g * 16, 16)] = ex + p_pre + carry
            return carry + jnp.sum(t_tot)

        lax.fori_loop(0, 16, gbody, jnp.int32(0))

        def cinit(g, _):
            e_slice = epw[pl.ds(g * 16, 16)]

            def linit(l, run):
                counts3[pl.ds(l * 256 + g * 16, 16)] = e_slice + run
                return run + hist3[pl.ds(l * 256 + g * 16, 16)]

            lax.fori_loop(0, 16, linit, z16)
            return 0

        lax.fori_loop(0, 16, cinit, 0)

        def pbody(i, _):
            idx = lane * CL + i
            k = plsc.load_gather(keych, [idx])
            d = lax.shift_right_logical(k, shift) & 255
            fl = lane * 256 + d
            c = plsc.load_gather(counts3, [fl])
            plsc.addupdate_scatter(counts3, [fl], ones16)
            plsc.store_scatter(posbuf, [idx], c)
            return 0

        lax.fori_loop(0, CL, pbody, 0)
        pltpu.sync_copy(keych, nxt_k.at[posbuf])
        pltpu.sync_copy(valch, nxt_v.at[posbuf])
        plsc.subcore_barrier()

    fin_v = bufs[NPASS % 2][1]
    pltpu.sync_copy(fin_v.at[pl.ds(base, CH)], valch)
    pltpu.sync_copy(ev_hbm.at[pl.ds(base, CH)], evch)

    def cumb(t, carry):
        h = jnp.exp(valch[pl.ds(t * 16, 16)])
        riskloc[pl.ds(t * 16, 16)] = plsc.cumsum(h) + carry
        return carry + jnp.sum(h)

    tot = lax.fori_loop(0, CL, cumb, jnp.float32(0.0))
    vbuf[...] = jnp.zeros((16,), jnp.float32) + tot
    pltpu.sync_copy(vbuf, stot.at[pl.ds(wid * 16, 16)])
    plsc.subcore_barrier()
    pltpu.sync_copy(stot, redloc)

    def prb(w2, acc):
        return acc + redloc[pl.ds(w2 * 16, 16)] * (w2 < wid).astype(jnp.float32)

    prevec = lax.fori_loop(0, NW, prb, jnp.zeros((16,), jnp.float32))

    def fbody(t, accs):
        am, ac = accs
        risk = riskloc[pl.ds(t * 16, 16)] + prevec
        lr = _vlog(risk + 1e-8)
        e = evch[pl.ds(t * 16, 16)].astype(jnp.float32)
        return (am + e * (valch[pl.ds(t * 16, 16)] - lr), ac + e)

    am, ac = lax.fori_loop(0, CL, fbody,
                           (jnp.zeros((16,), jnp.float32),
                            jnp.zeros((16,), jnp.float32)))
    vbuf[...] = am
    pltpu.sync_copy(vbuf, spm.at[pl.ds(wid * 16, 16)])
    vbuf[...] = ac
    pltpu.sync_copy(vbuf, spc.at[pl.ds(wid * 16, 16)])
    plsc.subcore_barrier()

    @pl.when(wid == 0)
    def _():
        pltpu.sync_copy(spm, redloc)

        def rsum(w2, acc):
            return acc + redloc[pl.ds(w2 * 16, 16)]

        zf = jnp.zeros((16,), jnp.float32)
        msv = zf + jnp.sum(lax.fori_loop(0, NW, rsum, zf))
        pltpu.sync_copy(spc, redloc)
        cntv = zf + jnp.sum(lax.fori_loop(0, NW, rsum, zf))
        vbuf[...] = jnp.where(cntv == 0.0, zf,
                              -(msv / jnp.maximum(cntv, 1.0)))
        pltpu.sync_copy(vbuf, out_hbm)


@jax.jit
def _cox_sc(durations, cox_out, ev32):
    mesh = plsc.VectorSubcoreMesh(core_axis_name="c", subcore_axis_name="s",
                                  num_cores=1)
    f = pl.kernel(
        _cox_sc_body,
        out_type=jax.ShapeDtypeStruct((16,), jnp.float32),
        mesh=mesh,
        compiler_params=pltpu.CompilerParams(needs_layout_passes=False),
        scratch_types=[
            pltpu.VMEM_SHARED((B,), jnp.int32),
            pltpu.VMEM_SHARED((B,), jnp.int32),
            pltpu.VMEM_SHARED((B,), jnp.float32),
            pltpu.VMEM_SHARED((B,), jnp.float32),
            pltpu.VMEM_SHARED((NW * 256,), jnp.int32),
            pltpu.VMEM_SHARED((NW * 16,), jnp.float32),
            pltpu.VMEM_SHARED((NW * 16,), jnp.float32),
            pltpu.VMEM_SHARED((NW * 16,), jnp.float32),
            pltpu.VMEM((CH,), jnp.int32),
            pltpu.VMEM((CH,), jnp.float32),
            pltpu.VMEM((CH,), jnp.int32),
            pltpu.VMEM((16 * 256,), jnp.int32),
            pltpu.VMEM((16 * 256,), jnp.int32),
            pltpu.VMEM((NW * 256,), jnp.int32),
            pltpu.VMEM((256,), jnp.int32),
            pltpu.VMEM((256,), jnp.int32),
            pltpu.VMEM((CH,), jnp.float32),
            pltpu.VMEM((CH,), jnp.int32),
            pltpu.VMEM((NW * 16,), jnp.float32),
            pltpu.VMEM((16,), jnp.float32),
        ],
    )
    return f(durations, cox_out, ev32)


def kernel(cls_out, y_cls, cox_out, durations, events):
    y_row = y_cls.astype(jnp.int32).reshape(1, B)
    ce_sum = pl.pallas_call(
        _ce_kernel,
        grid=(B // CB,),
        in_specs=[
            pl.BlockSpec((C, CB), lambda i: (0, i)),
            pl.BlockSpec((1, CB), lambda i: (0, i)),
        ],
        out_specs=pl.BlockSpec((1, 1), lambda i: (0, 0)),
        out_shape=jax.ShapeDtypeStruct((1, 1), jnp.float32),
    )(cls_out.T, y_row)

    cox_vec = _cox_sc(durations, cox_out, events.astype(jnp.int32))

    loss_cls = ce_sum[0, 0] / jnp.float32(B)
    loss_cox = cox_vec[0]
    total = ALPHA * loss_cls + (1.0 - ALPHA) * loss_cox
    return (total, loss_cls, loss_cox)

# --- scband reference (transcript-rebuilt; emitter-appended) ---
"""Pipeline reference for scband-multi-task-loss-52089363366626 (READ-ONLY COPY).

The authoritative reference and input builder live on the scoring server;
editing this copy changes nothing except your own understanding.
"""

import jax, jax.numpy as jnp
import numpy as np

ALPHA = 0.6

def setup_inputs(seed: int = 0) -> dict:
    key = jax.random.key(seed)
    k1, k2, k3, k4, k5 = jax.random.split(key, 5)
    B, C = 16384, 1000
    cls_out = jax.random.normal(k1, (B, C), dtype=jnp.float32)
    y_cls = jax.random.randint(k2, (B,), 0, C, dtype=jnp.int64)
    cox_out = jax.random.normal(k3, (B,), dtype=jnp.float32)
    durations = jax.random.uniform(k4, (B,), dtype=jnp.float32)
    events = jax.random.randint(k5, (B,), 0, 2, dtype=jnp.int64)
    return {"cls_out": cls_out, "y_cls": y_cls, "cox_out": cox_out, "durations": durations, "events": events}

def reference(cls_out, y_cls, cox_out, durations, events):
    # CrossEntropyLoss (mean reduction)
    logp = jax.nn.log_softmax(cls_out, axis=-1)
    nll = -jnp.take_along_axis(logp, y_cls[:, None], axis=1)[:, 0]
    loss_cls = nll.mean()
    # Cox partial likelihood (faithful to torch code, including unsorted events mask)
    hazard = jnp.exp(cox_out)
    idx = jnp.argsort(-durations)
    hazard_sorted = hazard[idx]
    risk_sum = jnp.cumsum(hazard_sorted, axis=0)
    log_risk = jnp.log(risk_sum + 1e-08)
    uncensored = events.astype(bool)
    cnt = uncensored.sum()
    diff = cox_out[idx] - log_risk
    masked_sum = jnp.where(uncensored, diff, 0.0).sum()
    loss_cox = jnp.where(cnt == 0, jnp.float32(0.0), -(masked_sum / jnp.maximum(cnt, 1).astype(jnp.float32)))
    total_loss = ALPHA * loss_cls + (1.0 - ALPHA) * loss_cox
    return (total_loss, loss_cls, loss_cox)

if __name__ == "__main__":
    import jax
    _d = setup_inputs()
    print(jax.jit(kernel)(*tuple(_d.values())))

</pallas_src>

<mosaic_0001>
#map = affine_map<(d0, d1) -> (0)>
module attributes {stable_mosaic.version = 14 : i64} {
  func.func @_cox_sc_body(%arg0: i32, %arg1: i32, %arg2: memref<16384xf32, #tpu.memory_space<hbm>>, %arg3: memref<16384xf32, #tpu.memory_space<hbm>>, %arg4: memref<16384xi32, #tpu.memory_space<hbm>>, %arg5: memref<16xf32, #tpu.memory_space<hbm>>, %arg6: memref<16384xi32, #tpu.memory_space<vmem_shared>>, %arg7: memref<16384xi32, #tpu.memory_space<vmem_shared>>, %arg8: memref<16384xf32, #tpu.memory_space<vmem_shared>>, %arg9: memref<16384xf32, #tpu.memory_space<vmem_shared>>, %arg10: memref<4096xi32, #tpu.memory_space<vmem_shared>>, %arg11: memref<256xf32, #tpu.memory_space<vmem_shared>>, %arg12: memref<256xf32, #tpu.memory_space<vmem_shared>>, %arg13: memref<256xf32, #tpu.memory_space<vmem_shared>>, %arg14: memref<1024xi32, #tpu.memory_space<vmem>>, %arg15: memref<1024xf32, #tpu.memory_space<vmem>>, %arg16: memref<1024xi32, #tpu.memory_space<vmem>>, %arg17: memref<4096xi32, #tpu.memory_space<vmem>>, %arg18: memref<4096xi32, #tpu.memory_space<vmem>>, %arg19: memref<4096xi32, #tpu.memory_space<vmem>>, %arg20: memref<256xi32, #tpu.memory_space<vmem>>, %arg21: memref<256xi32, #tpu.memory_space<vmem>>, %arg22: memref<1024xf32, #tpu.memory_space<vmem>>, %arg23: memref<1024xi32, #tpu.memory_space<vmem>>, %arg24: memref<256xf32, #tpu.memory_space<vmem>>, %arg25: memref<16xf32, #tpu.memory_space<vmem>>) attributes {dimension_semantics = [#tpu.dimension_semantics<core_parallel>, #tpu.dimension_semantics<subcore_parallel>], iteration_bounds = array<i64: 1, 16>, scalar_prefetch = 0 : i64, scratch_operands = 20 : i64, tpu.core_type = #tpu.core_type<sc_vector_subcore>, window_params = [{transform_indices = #map}, {transform_indices = #map}, {transform_indices = #map}, {transform_indices = #map}]} {
    %mul3A = arith.constant 0 : i32
    %mul3A_0 = arith.muli %arg0, %mul3A : i32
    %add3A = arith.addi %arg1, %mul3A_0 : i32
    %mul3A_1 = arith.constant 1024 : i32
    %mul3A_2 = arith.muli %add3A, %mul3A_1 : i32
    %iota3A = tpu.iota {dimensions = array<i32: 0>} : vector<16xi32>
    %broadcast_in_dim3A = arith.constant 0 : i32
    %broadcast_in_dim3A_3 = vector.broadcast %broadcast_in_dim3A : i32 to vector<16xi32>
    %broadcast_in_dim3A_4 = arith.constant 1 : i32
    %broadcast_in_dim3A_5 = vector.broadcast %broadcast_in_dim3A_4 : i32 to vector<16xi32>
    "tpu.region"() ({
      %run_scoped3A = tpu.sem_alloc : memref<!tpu.dma_semaphore, #tpu.memory_space<semaphore_mem>>
      %dma_start3A = tpu.memref_slice %arg2[%mul3A_2] : memref<16384xf32, #tpu.memory_space<hbm>> -> memref<1024xf32, #tpu.memory_space<hbm>>
      %dma_start3A_239 = tpu.memref_slice %arg2[%mul3A_2] : memref<16384xf32, #tpu.memory_space<hbm>> -> memref<1024xf32, #tpu.memory_space<hbm>>
      tpu.enqueue_dma source(%dma_start3A_239 : memref<1024xf32, #tpu.memory_space<hbm>>) target(%arg22 : memref<1024xf32, #tpu.memory_space<vmem>>) target_semaphore(%run_scoped3A : memref<!tpu.dma_semaphore, #tpu.memory_space<semaphore_mem>>)
      %dma_wait3A = tpu.memref_slice %arg2[%mul3A_2] : memref<16384xf32, #tpu.memory_space<hbm>> -> memref<1024xf32, #tpu.memory_space<hbm>>
      %dma_wait3A_240 = tpu.memref_slice %arg2[%mul3A_2] : memref<16384xf32, #tpu.memory_space<hbm>> -> memref<1024xf32, #tpu.memory_space<hbm>>
      tpu.wait_dma2 semaphore(%run_scoped3A : memref<!tpu.dma_semaphore, #tpu.memory_space<semaphore_mem>>) src(%dma_wait3A_240 : memref<1024xf32, #tpu.memory_space<hbm>>) dst(%arg22 : memref<1024xf32, #tpu.memory_space<vmem>>)
      tpu.yield
    }) : () -> ()
    %scan3A = arith.constant 0 : i32
    %scan3A_6 = arith.constant 0 : i32
    %scan3A_7 = arith.constant 64 : i32
    %scan3A_8 = arith.addi %scan3A_6, %scan3A_7 : i32
    %scan3A_9 = arith.constant 1 : i32
    %scan3A_10 = scf.for %scan3A_239 = %scan3A_6 to %scan3A_8 step %scan3A_9 iter_args(%scan3A_240 = %scan3A) -> (i32)  : i32 {
      %mul3A_241 = arith.constant 16 : i32
      %mul3A_242 = arith.muli %scan3A_239, %mul3A_241 : i32
      %get3A = arith.index_cast %mul3A_242 : i32 to index
      %get3A_243 = tpu.vector_load %arg22[%get3A] {strides = array<i32>} : memref<1024xf32, #tpu.memory_space<vmem>>, vector<16xf32>,
      %bitcast3A = vector.bitcast %get3A_243 : vector<16xf32> to vector<16xi32>
      %shift_right_arithmetic3A = arith.constant 31 : i32
      %shift_right_arithmetic3A_244 = vector.broadcast %shift_right_arithmetic3A : i32 to vector<16xi32>
      %shift_right_arithmetic3A_245 = arith.shrsi %bitcast3A, %shift_right_arithmetic3A_244 : vector<16xi32>
      %or3A = arith.constant -2147483648 : i32
      %or3A_246 = vector.broadcast %or3A : i32 to vector<16xi32>
      %or3A_247 = arith.ori %shift_right_arithmetic3A_245, %or3A_246 : vector<16xi32>
      %xor3A = arith.xori %bitcast3A, %or3A_247 : vector<16xi32>
      %not3A = arith.constant dense<-1> : vector<16xi32>
      %not3A_248 = arith.xori %xor3A, %not3A : vector<16xi32>
      %mul3A_249 = arith.constant 16 : i32
      %mul3A_250 = arith.muli %scan3A_239, %mul3A_249 : i32
      %swap3A_251 = arith.index_cast %mul3A_250 : i32 to index
      %swap3A_252 = tpu.vector_load %arg14[%swap3A_251] {strides = array<i32>} : memref<1024xi32, #tpu.memory_space<vmem>>, vector<16xi32>,
      tpu.vector_store %arg14[%swap3A_251], %not3A_248 {strides = array<i32>} : memref<1024xi32, #tpu.memory_space<vmem>>, vector<16xi32>,
      %scan3A_253 = arith.constant 0 : i32
      scf.yield %scan3A_253 : i32
    }
    %scan3A_11 = arith.constant 64 : i32
    "tpu.region"() ({
      %run_scoped3A = tpu.sem_alloc : memref<!tpu.dma_semaphore, #tpu.memory_space<semaphore_mem>>
      %dma_start3A = tpu.memref_slice %arg3[%mul3A_2] : memref<16384xf32, #tpu.memory_space<hbm>> -> memref<1024xf32, #tpu.memory_space<hbm>>
      %dma_start3A_239 = tpu.memref_slice %arg3[%mul3A_2] : memref<16384xf32, #tpu.memory_space<hbm>> -> memref<1024xf32, #tpu.memory_space<hbm>>
      tpu.enqueue_dma source(%dma_start3A_239 : memref<1024xf32, #tpu.memory_space<hbm>>) target(%arg15 : memref<1024xf32, #tpu.memory_space<vmem>>) target_semaphore(%run_scoped3A : memref<!tpu.dma_semaphore, #tpu.memory_space<semaphore_mem>>)
      %dma_wait3A = tpu.memref_slice %arg3[%mul3A_2] : memref<16384xf32, #tpu.memory_space<hbm>> -> memref<1024xf32, #tpu.memory_space<hbm>>
      %dma_wait3A_240 = tpu.memref_slice %arg3[%mul3A_2] : memref<16384xf32, #tpu.memory_space<hbm>> -> memref<1024xf32, #tpu.memory_space<hbm>>
      tpu.wait_dma2 semaphore(%run_scoped3A : memref<!tpu.dma_semaphore, #tpu.memory_space<semaphore_mem>>) src(%dma_wait3A_240 : memref<1024xf32, #tpu.memory_space<hbm>>) dst(%arg15 : memref<1024xf32, #tpu.memory_space<vmem>>)
      tpu.yield
    }) : () -> ()
    %scan3A_12 = arith.constant 0 : i32
    %scan3A_13 = arith.constant 0 : i32
    %scan3A_14 = arith.constant 256 : i32
    %scan3A_15 = arith.addi %scan3A_13, %scan3A_14 : i32
    %scan3A_16 = arith.constant 1 : i32
    %scan3A_17 = scf.for %scan3A_239 = %scan3A_13 to %scan3A_15 step %scan3A_16 iter_args(%scan3A_240 = %scan3A_12) -> (i32)  : i32 {
      %mul3A_241 = arith.constant 16 : i32
      %mul3A_242 = arith.muli %scan3A_239, %mul3A_241 : i32
      %swap3A_243 = arith.index_cast %mul3A_242 : i32 to index
      %swap3A_244 = tpu.vector_load %arg17[%swap3A_243] {strides = array<i32>} : memref<4096xi32, #tpu.memory_space<vmem>>, vector<16xi32>,
      tpu.vector_store %arg17[%swap3A_243], %broadcast_in_dim3A_3 {strides = array<i32>} : memref<4096xi32, #tpu.memory_space<vmem>>, vector<16xi32>,
      %scan3A_245 = arith.constant 0 : i32
      scf.yield %scan3A_245 : i32
    }
    %scan3A_18 = arith.constant 256 : i32
    %scan3A_19 = arith.constant 0 : i32
    %scan3A_20 = arith.constant 0 : i32
    %scan3A_21 = arith.constant 64 : i32
    %scan3A_22 = arith.addi %scan3A_20, %scan3A_21 : i32
    %scan3A_23 = arith.constant 1 : i32
    %scan3A_24 = scf.for %scan3A_239 = %scan3A_20 to %scan3A_22 step %scan3A_23 iter_args(%scan3A_240 = %scan3A_19) -> (i32)  : i32 {
      %mul3A_241 = arith.constant 64 : i32
      %mul3A_242 = vector.broadcast %mul3A_241 : i32 to vector<16xi32>
      %mul3A_243 = arith.muli %iota3A, %mul3A_242 : vector<16xi32>
      %add3A_244 = vector.broadcast %scan3A_239 : i32 to vector<16xi32>
      %add3A_245 = arith.addi %mul3A_243, %add3A_244 : vector<16xi32>
      %gather3A = tpu.vector_load_idx %arg14[%add3A_245] : memref<1024xi32, #tpu.memory_space<vmem>>[vector<16xi32>], vector<16xi32>,
      %shift_right_logical3A = arith.constant 0 : i32
      %shift_right_logical3A_246 = vector.broadcast %shift_right_logical3A : i32 to vector<16xi32>
      %shift_right_logical3A_247 = arith.shrui %gather3A, %shift_right_logical3A_246 : vector<16xi32>
      %and3A = arith.constant 255 : i32
      %and3A_248 = vector.broadcast %and3A : i32 to vector<16xi32>
      %and3A_249 = arith.andi %shift_right_logical3A_247, %and3A_248 : vector<16xi32>
      %mul3A_250 = arith.constant 256 : i32
      %mul3A_251 = vector.broadcast %mul3A_250 : i32 to vector<16xi32>
      %mul3A_252 = arith.muli %iota3A, %mul3A_251 : vector<16xi32>
      %add3A_253 = arith.addi %mul3A_252, %and3A_249 : vector<16xi32>
      tpu.vector_store_idx %arg17[%add3A_253], %broadcast_in_dim3A_5 {add = true} : memref<4096xi32, #tpu.memory_space<vmem>>[vector<16xi32>], vector<16xi32>,
      %scan3A_254 = arith.constant 0 : i32
      scf.yield %scan3A_254 : i32
    }
    %scan3A_25 = arith.constant 64 : i32
    %scan3A_26 = arith.constant 0 : i32
    %scan3A_27 = arith.constant 0 : i32
    %scan3A_28 = arith.constant 16 : i32
    %scan3A_29 = arith.addi %scan3A_27, %scan3A_28 : i32
    %scan3A_30 = arith.constant 1 : i32
    %scan3A_31 = scf.for %scan3A_239 = %scan3A_27 to %scan3A_29 step %scan3A_30 iter_args(%scan3A_240 = %scan3A_26) -> (i32)  : i32 {
      %scan3A_241 = arith.constant 0 : i32
      %scan3A_242 = arith.constant 16 : i32
      %scan3A_243 = arith.addi %scan3A_241, %scan3A_242 : i32
      %scan3A_244 = arith.constant 1 : i32
      %scan3A_245 = scf.for %scan3A_252 = %scan3A_241 to %scan3A_243 step %scan3A_244 iter_args(%scan3A_253 = %broadcast_in_dim3A_3) -> (vector<16xi32>)  : i32 {
        %mul3A_254 = arith.constant 256 : i32
        %mul3A_255 = arith.muli %scan3A_252, %mul3A_254 : i32
        %mul3A_256 = arith.constant 16 : i32
        %mul3A_257 = arith.muli %scan3A_239, %mul3A_256 : i32
        %add3A_258 = arith.addi %mul3A_255, %mul3A_257 : i32
        %get3A = arith.index_cast %add3A_258 : i32 to index
        %get3A_259 = tpu.vector_load %arg17[%get3A] {strides = array<i32>} : memref<4096xi32, #tpu.memory_space<vmem>>, vector<16xi32>,
        %add3A_260 = arith.addi %scan3A_253, %get3A_259 : vector<16xi32>
        scf.yield %add3A_260 : vector<16xi32>
      }
      %scan3A_246 = arith.constant 16 : i32
      %mul3A_247 = arith.constant 16 : i32
      %mul3A_248 = arith.muli %scan3A_239, %mul3A_247 : i32
      %swap3A_249 = arith.index_cast %mul3A_248 : i32 to index
      %swap3A_250 = tpu.vector_load %arg20[%swap3A_249] {strides = array<i32>} : memref<256xi32, #tpu.memory_space<vmem>>, vector<16xi32>,
      tpu.vector_store %arg20[%swap3A_249], %scan3A_245 {strides = array<i32>} : memref<256xi32, #tpu.memory_space<vmem>>, vector<16xi32>,
      %scan3A_251 = arith.constant 0 : i32
      scf.yield %scan3A_251 : i32
    }
    %scan3A_32 = arith.constant 16 : i32
    %mul3A_33 = arith.constant 256 : i32
    %mul3A_34 = arith.muli %add3A, %mul3A_33 : i32
    "tpu.region"() ({
      %run_scoped3A = tpu.sem_alloc : memref<!tpu.dma_semaphore, #tpu.memory_space<semaphore_mem>>
      %dma_start3A = tpu.memref_slice %arg10[%mul3A_34] : memref<4096xi32, #tpu.memory_space<vmem_shared>> -> memref<256xi32, #tpu.memory_space<vmem_shared>>
      %dma_start3A_239 = tpu.memref_slice %arg10[%mul3A_34] : memref<4096xi32, #tpu.memory_space<vmem_shared>> -> memref<256xi32, #tpu.memory_space<vmem_shared>>
      tpu.enqueue_dma source(%arg20 : memref<256xi32, #tpu.memory_space<vmem>>) target(%dma_start3A_239 : memref<256xi32, #tpu.memory_space<vmem_shared>>) target_semaphore(%run_scoped3A : memref<!tpu.dma_semaphore, #tpu.memory_space<semaphore_mem>>)
      %dma_wait3A = tpu.memref_slice %arg10[%mul3A_34] : memref<4096xi32, #tpu.memory_space<vmem_shared>> -> memref<256xi32, #tpu.memory_space<vmem_shared>>
      %dma_wait3A_240 = tpu.memref_slice %arg10[%mul3A_34] : memref<4096xi32, #tpu.memory_space<vmem_shared>> -> memref<256xi32, #tpu.memory_space<vmem_shared>>
      tpu.wait_dma2 semaphore(%run_scoped3A : memref<!tpu.dma_semaphore, #tpu.memory_space<semaphore_mem>>) src(%arg20 : memref<256xi32, #tpu.memory_space<vmem>>) dst(%dma_wait3A_240 : memref<256xi32, #tpu.memory_space<vmem_shared>>)
      tpu.yield
    }) : () -> ()
    %barrier3A = arith.constant 0 : index
    tpu.barrier barrier_id(%barrier3A)
    "tpu.region"() ({
      %run_scoped3A = tpu.sem_alloc : memref<!tpu.dma_semaphore, #tpu.memory_space<semaphore_mem>>
      tpu.enqueue_dma source(%arg10 : memref<4096xi32, #tpu.memory_space<vmem_shared>>) target(%arg19 : memref<4096xi32, #tpu.memory_space<vmem>>) target_semaphore(%run_scoped3A : memref<!tpu.dma_semaphore, #tpu.memory_space<semaphore_mem>>)
      tpu.wait_dma2 semaphore(%run_scoped3A : memref<!tpu.dma_semaphore, #tpu.memory_space<semaphore_mem>>) src(%arg10 : memref<4096xi32, #tpu.memory_space<vmem_shared>>) dst(%arg19 : memref<4096xi32, #tpu.memory_space<vmem>>)
      tpu.yield
    }) : () -> ()
    %scan3A_35 = arith.constant 0 : i32
    %scan3A_36 = arith.constant 0 : i32
    %scan3A_37 = arith.constant 16 : i32
    %scan3A_38 = arith.addi %scan3A_36, %scan3A_37 : i32
    %scan3A_39 = arith.constant 1 : i32
    %scan3A_40 = scf.for %scan3A_239 = %scan3A_36 to %scan3A_38 step %scan3A_39 iter_args(%scan3A_240 = %scan3A_35) -> (i32)  : i32 {
      %scan3A_241 = arith.constant 0 : i32
      %scan3A_242 = arith.constant 16 : i32
      %scan3A_243 = arith.addi %scan3A_241, %scan3A_242 : i32
      %scan3A_244 = arith.constant 1 : i32
      %scan3A_245:2 = scf.for %scan3A_260 = %scan3A_241 to %scan3A_243 step %scan3A_244 iter_args(%scan3A_261 = %broadcast_in_dim3A_3, %scan3A_262 = %broadcast_in_dim3A_3) -> (vector<16xi32>, vector<16xi32>)  : i32 {
        %mul3A_263 = arith.constant 256 : i32
        %mul3A_264 = arith.muli %scan3A_260, %mul3A_263 : i32
        %mul3A_265 = arith.constant 16 : i32
        %mul3A_266 = arith.muli %scan3A_239, %mul3A_265 : i32
        %add3A_267 = arith.addi %mul3A_264, %mul3A_266 : i32
        %get3A = arith.index_cast %add3A_267 : i32 to index
        %get3A_268 = tpu.vector_load %arg19[%get3A] {strides = array<i32>} : memref<4096xi32, #tpu.memory_space<vmem>>, vector<16xi32>,
        %add3A_269 = arith.addi %scan3A_261, %get3A_268 : vector<16xi32>
        %lt3A = arith.cmpi slt, %scan3A_260, %add3A : i32
        %convert_element_type3A_270 = arith.extui %lt3A : i1 to i32
        %mul3A_271 = vector.broadcast %convert_element_type3A_270 : i32 to vector<16xi32>
        %mul3A_272 = arith.muli %get3A_268, %mul3A_271 : vector<16xi32>
        %add3A_273 = arith.addi %scan3A_262, %mul3A_272 : vector<16xi32>
        scf.yield %add3A_269, %add3A_273 : vector<16xi32>, vector<16xi32>
      }
      %scan3A_246 = arith.constant 16 : i32
      %broadcast_in_dim3A_247 = arith.constant true
      %broadcast_in_dim3A_248 = vector.broadcast %broadcast_in_dim3A_247 : i1 to vector<16xi1>
      %masked_cumsum3A = tpu.scan <sum>, %scan3A_245#0 masked %broadcast_in_dim3A_248 : vector<16xi32>, vector<16xi1> -> vector<16xi32>
      %sub3A = arith.subi %masked_cumsum3A, %scan3A_245#0 : vector<16xi32>
      %add3A_249 = arith.addi %sub3A, %scan3A_245#1 : vector<16xi32>
      %add3A_250 = vector.broadcast %scan3A_240 : i32 to vector<16xi32>
      %add3A_251 = arith.addi %add3A_249, %add3A_250 : vector<16xi32>
      %mul3A_252 = arith.constant 16 : i32
      %mul3A_253 = arith.muli %scan3A_239, %mul3A_252 : i32
      %swap3A_254 = arith.index_cast %mul3A_253 : i32 to index
      %swap3A_255 = tpu.vector_load %arg21[%swap3A_254] {strides = array<i32>} : memref<256xi32, #tpu.memory_space<vmem>>, vector<16xi32>,
      tpu.vector_store %arg21[%swap3A_254], %add3A_251 {strides = array<i32>} : memref<256xi32, #tpu.memory_space<vmem>>, vector<16xi32>,
      %reduce_sum3A = arith.constant true
      %reduce_sum3A_256 = vector.broadcast %reduce_sum3A : i1 to vector<16xi1>
      %reduce_sum3A_257 = tpu.scan <sum>, %scan3A_245#0 masked %reduce_sum3A_256 : vector<16xi32>, vector<16xi1> -> vector<16xi32>
      %reduce_sum3A_258 = vector.extract %reduce_sum3A_257[15] : i32 from vector<16xi32>
      %add3A_259 = arith.addi %scan3A_240, %reduce_sum3A_258 : i32
      scf.yield %add3A_259 : i32
    }
    %scan3A_41 = arith.constant 16 : i32
    %scan3A_42 = arith.constant 0 : i32
    %scan3A_43 = arith.constant 0 : i32
    %scan3A_44 = arith.constant 16 : i32
    %scan3A_45 = arith.addi %scan3A_43, %scan3A_44 : i32
    %scan3A_46 = arith.constant 1 : i32
    %scan3A_47 = scf.for %scan3A_239 = %scan3A_43 to %scan3A_45 step %scan3A_46 iter_args(%scan3A_240 = %scan3A_42) -> (i32)  : i32 {
      %mul3A_241 = arith.constant 16 : i32
      %mul3A_242 = arith.muli %scan3A_239, %mul3A_241 : i32
      %get3A = arith.index_cast %mul3A_242 : i32 to index
      %get3A_243 = tpu.vector_load %arg21[%get3A] {strides = array<i32>} : memref<256xi32, #tpu.memory_space<vmem>>, vector<16xi32>,
      %scan3A_244 = arith.constant 0 : i32
      %scan3A_245 = arith.constant 16 : i32
      %scan3A_246 = arith.addi %scan3A_244, %scan3A_245 : i32
      %scan3A_247 = arith.constant 1 : i32
      %scan3A_248 = scf.for %scan3A_251 = %scan3A_244 to %scan3A_246 step %scan3A_247 iter_args(%scan3A_252 = %broadcast_in_dim3A_3) -> (vector<16xi32>)  : i32 {
        %add3A_253 = arith.addi %get3A_243, %scan3A_252 : vector<16xi32>
        %mul3A_254 = arith.constant 256 : i32
        %mul3A_255 = arith.muli %scan3A_251, %mul3A_254 : i32
        %mul3A_256 = arith.constant 16 : i32
        %mul3A_257 = arith.muli %scan3A_239, %mul3A_256 : i32
        %add3A_258 = arith.addi %mul3A_255, %mul3A_257 : i32
        %swap3A_259 = arith.index_cast %add3A_258 : i32 to index
        %swap3A_260 = tpu.vector_load %arg18[%swap3A_259] {strides = array<i32>} : memref<4096xi32, #tpu.memory_space<vmem>>, vector<16xi32>,
        tpu.vector_store %arg18[%swap3A_259], %add3A_253 {strides = array<i32>} : memref<4096xi32, #tpu.memory_space<vmem>>, vector<16xi32>,
        %mul3A_261 = arith.constant 256 : i32
        %mul3A_262 = arith.muli %scan3A_251, %mul3A_261 : i32
        %mul3A_263 = arith.constant 16 : i32
        %mul3A_264 = arith.muli %scan3A_239, %mul3A_263 : i32
        %add3A_265 = arith.addi %mul3A_262, %mul3A_264 : i32
        %get3A_266 = arith.index_cast %add3A_265 : i32 to index
        %get3A_267 = tpu.vector_load %arg17[%get3A_266] {strides = array<i32>} : memref<4096xi32, #tpu.memory_space<vmem>>, vector<16xi32>,
        %add3A_268 = arith.addi %scan3A_252, %get3A_267 : vector<16xi32>
        scf.yield %add3A_268 : vector<16xi32>
      }
      %scan3A_249 = arith.constant 16 : i32
      %scan3A_250 = arith.constant 0 : i32
      scf.yield %scan3A_250 : i32
    }
    %scan3A_48 = arith.constant 16 : i32
    %scan3A_49 = arith.constant 0 : i32
    %scan3A_50 = arith.constant 0 : i32
    %scan3A_51 = arith.constant 64 : i32
    %scan3A_52 = arith.addi %scan3A_50, %scan3A_51 : i32
    %scan3A_53 = arith.constant 1 : i32
    %scan3A_54 = scf.for %scan3A_239 = %scan3A_50 to %scan3A_52 step %scan3A_53 iter_args(%scan3A_240 = %scan3A_49) -> (i32)  : i32 {
      %mul3A_241 = arith.constant 64 : i32
      %mul3A_242 = vector.broadcast %mul3A_241 : i32 to vector<16xi32>
      %mul3A_243 = arith.muli %iota3A, %mul3A_242 : vector<16xi32>
      %add3A_244 = vector.broadcast %scan3A_239 : i32 to vector<16xi32>
      %add3A_245 = arith.addi %mul3A_243, %add3A_244 : vector<16xi32>
      %gather3A = tpu.vector_load_idx %arg14[%add3A_245] : memref<1024xi32, #tpu.memory_space<vmem>>[vector<16xi32>], vector<16xi32>,
      %shift_right_logical3A = arith.constant 0 : i32
      %shift_right_logical3A_246 = vector.broadcast %shift_right_logical3A : i32 to vector<16xi32>
      %shift_right_logical3A_247 = arith.shrui %gather3A, %shift_right_logical3A_246 : vector<16xi32>
      %and3A = arith.constant 255 : i32
      %and3A_248 = vector.broadcast %and3A : i32 to vector<16xi32>
      %and3A_249 = arith.andi %shift_right_logical3A_247, %and3A_248 : vector<16xi32>
      %mul3A_250 = arith.constant 256 : i32
      %mul3A_251 = vector.broadcast %mul3A_250 : i32 to vector<16xi32>
      %mul3A_252 = arith.muli %iota3A, %mul3A_251 : vector<16xi32>
      %add3A_253 = arith.addi %mul3A_252, %and3A_249 : vector<16xi32>
      %gather3A_254 = tpu.vector_load_idx %arg18[%add3A_253] : memref<4096xi32, #tpu.memory_space<vmem>>[vector<16xi32>], vector<16xi32>,
      tpu.vector_store_idx %arg18[%add3A_253], %broadcast_in_dim3A_5 {add = true} : memref<4096xi32, #tpu.memory_space<vmem>>[vector<16xi32>], vector<16xi32>,
      tpu.vector_store_idx %arg16[%add3A_245], %gather3A_254 : memref<1024xi32, #tpu.memory_space<vmem>>[vector<16xi32>], vector<16xi32>,
      %scan3A_255 = arith.constant 0 : i32
      scf.yield %scan3A_255 : i32
    }
    %scan3A_55 = arith.constant 64 : i32
    "tpu.region"() ({
      %run_scoped3A = tpu.sem_alloc : memref<!tpu.dma_semaphore, #tpu.memory_space<semaphore_mem>>
      %dma_start3A = arith.constant 0 : i32
      %dma_start3A_239 = tpu.memref_slice %arg7[%dma_start3A] : memref<16384xi32, #tpu.memory_space<vmem_shared>> -> memref<16384xi32, #tpu.memory_space<vmem_shared>>
      tpu.enqueue_indirect_dma source(%arg14 : memref<1024xi32, #tpu.memory_space<vmem>>) target(%dma_start3A_239 : memref<16384xi32, #tpu.memory_space<vmem_shared>>) offsets(%arg16 : memref<1024xi32, #tpu.memory_space<vmem>>) semaphore(%run_scoped3A : memref<!tpu.dma_semaphore, #tpu.memory_space<semaphore_mem>>)
      %dma_wait3A = arith.constant 0 : i32
      %dma_wait3A_240 = tpu.memref_slice %arg7[%dma_wait3A] : memref<16384xi32, #tpu.memory_space<vmem_shared>> -> memref<16384xi32, #tpu.memory_space<vmem_shared>>
      tpu.wait_indirect_dma semaphore(%run_scoped3A : memref<!tpu.dma_semaphore, #tpu.memory_space<semaphore_mem>>) src(%arg14 : memref<1024xi32, #tpu.memory_space<vmem>>) dst(%dma_wait3A_240 : memref<16384xi32, #tpu.memory_space<vmem_shared>>)
      tpu.yield
    }) : () -> ()
    "tpu.region"() ({
      %run_scoped3A = tpu.sem_alloc : memref<!tpu.dma_semaphore, #tpu.memory_space<semaphore_mem>>
      %dma_start3A = arith.constant 0 : i32
      %dma_start3A_239 = tpu.memref_slice %arg9[%dma_start3A] : memref<16384xf32, #tpu.memory_space<vmem_shared>> -> memref<16384xf32, #tpu.memory_space<vmem_shared>>
      tpu.enqueue_indirect_dma source(%arg15 : memref<1024xf32, #tpu.memory_space<vmem>>) target(%dma_start3A_239 : memref<16384xf32, #tpu.memory_space<vmem_shared>>) offsets(%arg16 : memref<1024xi32, #tpu.memory_space<vmem>>) semaphore(%run_scoped3A : memref<!tpu.dma_semaphore, #tpu.memory_space<semaphore_mem>>)
      %dma_wait3A = arith.constant 0 : i32
      %dma_wait3A_240 = tpu.memref_slice %arg9[%dma_wait3A] : memref<16384xf32, #tpu.memory_space<vmem_shared>> -> memref<16384xf32, #tpu.memory_space<vmem_shared>>
      tpu.wait_indirect_dma semaphore(%run_scoped3A : memref<!tpu.dma_semaphore, #tpu.memory_space<semaphore_mem>>) src(%arg15 : memref<1024xf32, #tpu.memory_space<vmem>>) dst(%dma_wait3A_240 : memref<16384xf32, #tpu.memory_space<vmem_shared>>)
      tpu.yield
    }) : () -> ()
    %barrier3A_56 = arith.constant 0 : index
    tpu.barrier barrier_id(%barrier3A_56)
    "tpu.region"() ({
      %run_scoped3A = tpu.sem_alloc : memref<!tpu.dma_semaphore, #tpu.memory_space<semaphore_mem>>
      %dma_start3A = tpu.memref_slice %arg7[%mul3A_2] : memref<16384xi32, #tpu.memory_space<vmem_shared>> -> memref<1024xi32, #tpu.memory_space<vmem_shared>>
      %dma_start3A_239 = tpu.memref_slice %arg7[%mul3A_2] : memref<16384xi32, #tpu.memory_space<vmem_shared>> -> memref<1024xi32, #tpu.memory_space<vmem_shared>>
      tpu.enqueue_dma source(%dma_start3A_239 : memref<1024xi32, #tpu.memory_space<vmem_shared>>) target(%arg14 : memref<1024xi32, #tpu.memory_space<vmem>>) target_semaphore(%run_scoped3A : memref<!tpu.dma_semaphore, #tpu.memory_space<semaphore_mem>>)
      %dma_wait3A = tpu.memref_slice %arg7[%mul3A_2] : memref<16384xi32, #tpu.memory_space<vmem_shared>> -> memref<1024xi32, #tpu.memory_space<vmem_shared>>
      %dma_wait3A_240 = tpu.memref_slice %arg7[%mul3A_2] : memref<16384xi32, #tpu.memory_space<vmem_shared>> -> memref<1024xi32, #tpu.memory_space<vmem_shared>>
      tpu.wait_dma2 semaphore(%run_scoped3A : memref<!tpu.dma_semaphore, #tpu.memory_space<semaphore_mem>>) src(%dma_wait3A_240 : memref<1024xi32, #tpu.memory_space<vmem_shared>>) dst(%arg14 : memref<1024xi32, #tpu.memory_space<vmem>>)
      tpu.yield
    }) : () -> ()
    "tpu.region"() ({
      %run_scoped3A = tpu.sem_alloc : memref<!tpu.dma_semaphore, #tpu.memory_space<semaphore_mem>>
      %dma_start3A = tpu.memref_slice %arg9[%mul3A_2] : memref<16384xf32, #tpu.memory_space<vmem_shared>> -> memref<1024xf32, #tpu.memory_space<vmem_shared>>
      %dma_start3A_239 = tpu.memref_slice %arg9[%mul3A_2] : memref<16384xf32, #tpu.memory_space<vmem_shared>> -> memref<1024xf32, #tpu.memory_space<vmem_shared>>
      tpu.enqueue_dma source(%dma_start3A_239 : memref<1024xf32, #tpu.memory_space<vmem_shared>>) target(%arg15 : memref<1024xf32, #tpu.memory_space<vmem>>) target_semaphore(%run_scoped3A : memref<!tpu.dma_semaphore, #tpu.memory_space<semaphore_mem>>)
      %dma_wait3A = tpu.memref_slice %arg9[%mul3A_2] : memref<16384xf32, #tpu.memory_space<vmem_shared>> -> memref<1024xf32, #tpu.memory_space<vmem_shared>>
      %dma_wait3A_240 = tpu.memref_slice %arg9[%mul3A_2] : memref<16384xf32, #tpu.memory_space<vmem_shared>> -> memref<1024xf32, #tpu.memory_space<vmem_shared>>
      tpu.wait_dma2 semaphore(%run_scoped3A : memref<!tpu.dma_semaphore, #tpu.memory_space<semaphore_mem>>) src(%dma_wait3A_240 : memref<1024xf32, #tpu.memory_space<vmem_shared>>) dst(%arg15 : memref<1024xf32, #tpu.memory_space<vmem>>)
      tpu.yield
    }) : () -> ()
    %scan3A_57 = arith.constant 0 : i32
    %scan3A_58 = arith.constant 0 : i32
    %scan3A_59 = arith.constant 256 : i32
    %scan3A_60 = arith.addi %scan3A_58, %scan3A_59 : i32
    %scan3A_61 = arith.constant 1 : i32
    %scan3A_62 = scf.for %scan3A_239 = %scan3A_58 to %scan3A_60 step %scan3A_61 iter_args(%scan3A_240 = %scan3A_57) -> (i32)  : i32 {
      %mul3A_241 = arith.constant 16 : i32
      %mul3A_242 = arith.muli %scan3A_239, %mul3A_241 : i32
      %swap3A_243 = arith.index_cast %mul3A_242 : i32 to index
      %swap3A_244 = tpu.vector_load %arg17[%swap3A_243] {strides = array<i32>} : memref<4096xi32, #tpu.memory_space<vmem>>, vector<16xi32>,
      tpu.vector_store %arg17[%swap3A_243], %broadcast_in_dim3A_3 {strides = array<i32>} : memref<4096xi32, #tpu.memory_space<vmem>>, vector<16xi32>,
      %scan3A_245 = arith.constant 0 : i32
      scf.yield %scan3A_245 : i32
    }
    %scan3A_63 = arith.constant 256 : i32
    %scan3A_64 = arith.constant 0 : i32
    %scan3A_65 = arith.constant 0 : i32
    %scan3A_66 = arith.constant 64 : i32
    %scan3A_67 = arith.addi %scan3A_65, %scan3A_66 : i32
    %scan3A_68 = arith.constant 1 : i32
    %scan3A_69 = scf.for %scan3A_239 = %scan3A_65 to %scan3A_67 step %scan3A_68 iter_args(%scan3A_240 = %scan3A_64) -> (i32)  : i32 {
      %mul3A_241 = arith.constant 64 : i32
      %mul3A_242 = vector.broadcast %mul3A_241 : i32 to vector<16xi32>
      %mul3A_243 = arith.muli %iota3A, %mul3A_242 : vector<16xi32>
      %add3A_244 = vector.broadcast %scan3A_239 : i32 to vector<16xi32>
      %add3A_245 = arith.addi %mul3A_243, %add3A_244 : vector<16xi32>
      %gather3A = tpu.vector_load_idx %arg14[%add3A_245] : memref<1024xi32, #tpu.memory_space<vmem>>[vector<16xi32>], vector<16xi32>,
      %shift_right_logical3A = arith.constant 8 : i32
      %shift_right_logical3A_246 = vector.broadcast %shift_right_logical3A : i32 to vector<16xi32>
      %shift_right_logical3A_247 = arith.shrui %gather3A, %shift_right_logical3A_246 : vector<16xi32>
      %and3A = arith.constant 255 : i32
      %and3A_248 = vector.broadcast %and3A : i32 to vector<16xi32>
      %and3A_249 = arith.andi %shift_right_logical3A_247, %and3A_248 : vector<16xi32>
      %mul3A_250 = arith.constant 256 : i32
      %mul3A_251 = vector.broadcast %mul3A_250 : i32 to vector<16xi32>
      %mul3A_252 = arith.muli %iota3A, %mul3A_251 : vector<16xi32>
      %add3A_253 = arith.addi %mul3A_252, %and3A_249 : vector<16xi32>
      tpu.vector_store_idx %arg17[%add3A_253], %broadcast_in_dim3A_5 {add = true} : memref<4096xi32, #tpu.memory_space<vmem>>[vector<16xi32>], vector<16xi32>,
      %scan3A_254 = arith.constant 0 : i32
      scf.yield %scan3A_254 : i32
    }
    %scan3A_70 = arith.constant 64 : i32
    %scan3A_71 = arith.constant 0 : i32
    %scan3A_72 = arith.constant 0 : i32
    %scan3A_73 = arith.constant 16 : i32
    %scan3A_74 = arith.addi %scan3A_72, %scan3A_73 : i32
    %scan3A_75 = arith.constant 1 : i32
    %scan3A_76 = scf.for %scan3A_239 = %scan3A_72 to %scan3A_74 step %scan3A_75 iter_args(%scan3A_240 = %scan3A_71) -> (i32)  : i32 {
      %scan3A_241 = arith.constant 0 : i32
      %scan3A_242 = arith.constant 16 : i32
      %scan3A_243 = arith.addi %scan3A_241, %scan3A_242 : i32
      %scan3A_244 = arith.constant 1 : i32
      %scan3A_245 = scf.for %scan3A_252 = %scan3A_241 to %scan3A_243 step %scan3A_244 iter_args(%scan3A_253 = %broadcast_in_dim3A_3) -> (vector<16xi32>)  : i32 {
        %mul3A_254 = arith.constant 256 : i32
        %mul3A_255 = arith.muli %scan3A_252, %mul3A_254 : i32
        %mul3A_256 = arith.constant 16 : i32
        %mul3A_257 = arith.muli %scan3A_239, %mul3A_256 : i32
        %add3A_258 = arith.addi %mul3A_255, %mul3A_257 : i32
        %get3A = arith.index_cast %add3A_258 : i32 to index
        %get3A_259 = tpu.vector_load %arg17[%get3A] {strides = array<i32>} : memref<4096xi32, #tpu.memory_space<vmem>>, vector<16xi32>,
        %add3A_260 = arith.addi %scan3A_253, %get3A_259 : vector<16xi32>
        scf.yield %add3A_260 : vector<16xi32>
      }
      %scan3A_246 = arith.constant 16 : i32
      %mul3A_247 = arith.constant 16 : i32
      %mul3A_248 = arith.muli %scan3A_239, %mul3A_247 : i32
      %swap3A_249 = arith.index_cast %mul3A_248 : i32 to index
      %swap3A_250 = tpu.vector_load %arg20[%swap3A_249] {strides = array<i32>} : memref<256xi32, #tpu.memory_space<vmem>>, vector<16xi32>,
      tpu.vector_store %arg20[%swap3A_249], %scan3A_245 {strides = array<i32>} : memref<256xi32, #tpu.memory_space<vmem>>, vector<16xi32>,
      %scan3A_251 = arith.constant 0 : i32
      scf.yield %scan3A_251 : i32
    }
    %scan3A_77 = arith.constant 16 : i32
    %mul3A_78 = arith.constant 256 : i32
    %mul3A_79 = arith.muli %add3A, %mul3A_78 : i32
    "tpu.region"() ({
      %run_scoped3A = tpu.sem_alloc : memref<!tpu.dma_semaphore, #tpu.memory_space<semaphore_mem>>
      %dma_start3A = tpu.memref_slice %arg10[%mul3A_79] : memref<4096xi32, #tpu.memory_space<vmem_shared>> -> memref<256xi32, #tpu.memory_space<vmem_shared>>
      %dma_start3A_239 = tpu.memref_slice %arg10[%mul3A_79] : memref<4096xi32, #tpu.memory_space<vmem_shared>> -> memref<256xi32, #tpu.memory_space<vmem_shared>>
      tpu.enqueue_dma source(%arg20 : memref<256xi32, #tpu.memory_space<vmem>>) target(%dma_start3A_239 : memref<256xi32, #tpu.memory_space<vmem_shared>>) target_semaphore(%run_scoped3A : memref<!tpu.dma_semaphore, #tpu.memory_space<semaphore_mem>>)
      %dma_wait3A = tpu.memref_slice %arg10[%mul3A_79] : memref<4096xi32, #tpu.memory_space<vmem_shared>> -> memref<256xi32, #tpu.memory_space<vmem_shared>>
      %dma_wait3A_240 = tpu.memref_slice %arg10[%mul3A_79] : memref<4096xi32, #tpu.memory_space<vmem_shared>> -> memref<256xi32, #tpu.memory_space<vmem_shared>>
      tpu.wait_dma2 semaphore(%run_scoped3A : memref<!tpu.dma_semaphore, #tpu.memory_space<semaphore_mem>>) src(%arg20 : memref<256xi32, #tpu.memory_space<vmem>>) dst(%dma_wait3A_240 : memref<256xi32, #tpu.memory_space<vmem_shared>>)
      tpu.yield
    }) : () -> ()
    %barrier3A_80 = arith.constant 0 : index
    tpu.barrier barrier_id(%barrier3A_80)
    "tpu.region"() ({
      %run_scoped3A = tpu.sem_alloc : memref<!tpu.dma_semaphore, #tpu.memory_space<semaphore_mem>>
      tpu.enqueue_dma source(%arg10 : memref<4096xi32, #tpu.memory_space<vmem_shared>>) target(%arg19 : memref<4096xi32, #tpu.memory_space<vmem>>) target_semaphore(%run_scoped3A : memref<!tpu.dma_semaphore, #tpu.memory_space<semaphore_mem>>)
      tpu.wait_dma2 semaphore(%run_scoped3A : memref<!tpu.dma_semaphore, #tpu.memory_space<semaphore_mem>>) src(%arg10 : memref<4096xi32, #tpu.memory_space<vmem_shared>>) dst(%arg19 : memref<4096xi32, #tpu.memory_space<vmem>>)
      tpu.yield
    }) : () -> ()
    %scan3A_81 = arith.constant 0 : i32
    %scan3A_82 = arith.constant 0 : i32
    %scan3A_83 = arith.constant 16 : i32
    %scan3A_84 = arith.addi %scan3A_82, %scan3A_83 : i32
    %scan3A_85 = arith.constant 1 : i32
    %scan3A_86 = scf.for %scan3A_239 = %scan3A_82 to %scan3A_84 step %scan3A_85 iter_args(%scan3A_240 = %scan3A_81) -> (i32)  : i32 {
      %scan3A_241 = arith.constant 0 : i32
      %scan3A_242 = arith.constant 16 : i32
      %scan3A_243 = arith.addi %scan3A_241, %scan3A_242 : i32
      %scan3A_244 = arith.constant 1 : i32
      %scan3A_245:2 = scf.for %scan3A_260 = %scan3A_241 to %scan3A_243 step %scan3A_244 iter_args(%scan3A_261 = %broadcast_in_dim3A_3, %scan3A_262 = %broadcast_in_dim3A_3) -> (vector<16xi32>, vector<16xi32>)  : i32 {
        %mul3A_263 = arith.constant 256 : i32
        %mul3A_264 = arith.muli %scan3A_260, %mul3A_263 : i32
        %mul3A_265 = arith.constant 16 : i32
        %mul3A_266 = arith.muli %scan3A_239, %mul3A_265 : i32
        %add3A_267 = arith.addi %mul3A_264, %mul3A_266 : i32
        %get3A = arith.index_cast %add3A_267 : i32 to index
        %get3A_268 = tpu.vector_load %arg19[%get3A] {strides = array<i32>} : memref<4096xi32, #tpu.memory_space<vmem>>, vector<16xi32>,
        %add3A_269 = arith.addi %scan3A_261, %get3A_268 : vector<16xi32>
        %lt3A = arith.cmpi slt, %scan3A_260, %add3A : i32
        %convert_element_type3A_270 = arith.extui %lt3A : i1 to i32
        %mul3A_271 = vector.broadcast %convert_element_type3A_270 : i32 to vector<16xi32>
        %mul3A_272 = arith.muli %get3A_268, %mul3A_271 : vector<16xi32>
        %add3A_273 = arith.addi %scan3A_262, %mul3A_272 : vector<16xi32>
        scf.yield %add3A_269, %add3A_273 : vector<16xi32>, vector<16xi32>
      }
      %scan3A_246 = arith.constant 16 : i32
      %broadcast_in_dim3A_247 = arith.constant true
      %broadcast_in_dim3A_248 = vector.broadcast %broadcast_in_dim3A_247 : i1 to vector<16xi1>
      %masked_cumsum3A = tpu.scan <sum>, %scan3A_245#0 masked %broadcast_in_dim3A_248 : vector<16xi32>, vector<16xi1> -> vector<16xi32>
      %sub3A = arith.subi %masked_cumsum3A, %scan3A_245#0 : vector<16xi32>
      %add3A_249 = arith.addi %sub3A, %scan3A_245#1 : vector<16xi32>
      %add3A_250 = vector.broadcast %scan3A_240 : i32 to vector<16xi32>
      %add3A_251 = arith.addi %add3A_249, %add3A_250 : vector<16xi32>
      %mul3A_252 = arith.constant 16 : i32
      %mul3A_253 = arith.muli %scan3A_239, %mul3A_252 : i32
      %swap3A_254 = arith.index_cast %mul3A_253 : i32 to index
      %swap3A_255 = tpu.vector_load %arg21[%swap3A_254] {strides = array<i32>} : memref<256xi32, #tpu.memory_space<vmem>>, vector<16xi32>,
      tpu.vector_store %arg21[%swap3A_254], %add3A_251 {strides = array<i32>} : memref<256xi32, #tpu.memory_space<vmem>>, vector<16xi32>,
      %reduce_sum3A = arith.constant true
      %reduce_sum3A_256 = vector.broadcast %reduce_sum3A : i1 to vector<16xi1>
      %reduce_sum3A_257 = tpu.scan <sum>, %scan3A_245#0 masked %reduce_sum3A_256 : vector<16xi32>, vector<16xi1> -> vector<16xi32>
      %reduce_sum3A_258 = vector.extract %reduce_sum3A_257[15] : i32 from vector<16xi32>
      %add3A_259 = arith.addi %scan3A_240, %reduce_sum3A_258 : i32
      scf.yield %add3A_259 : i32
    }
    %scan3A_87 = arith.constant 16 : i32
    %scan3A_88 = arith.constant 0 : i32
    %scan3A_89 = arith.constant 0 : i32
    %scan3A_90 = arith.constant 16 : i32
    %scan3A_91 = arith.addi %scan3A_89, %scan3A_90 : i32
    %scan3A_92 = arith.constant 1 : i32
    %scan3A_93 = scf.for %scan3A_239 = %scan3A_89 to %scan3A_91 step %scan3A_92 iter_args(%scan3A_240 = %scan3A_88) -> (i32)  : i32 {
      %mul3A_241 = arith.constant 16 : i32
      %mul3A_242 = arith.muli %scan3A_239, %mul3A_241 : i32
      %get3A = arith.index_cast %mul3A_242 : i32 to index
      %get3A_243 = tpu.vector_load %arg21[%get3A] {strides = array<i32>} : memref<256xi32, #tpu.memory_space<vmem>>, vector<16xi32>,
      %scan3A_244 = arith.constant 0 : i32
      %scan3A_245 = arith.constant 16 : i32
      %scan3A_246 = arith.addi %scan3A_244, %scan3A_245 : i32
      %scan3A_247 = arith.constant 1 : i32
      %scan3A_248 = scf.for %scan3A_251 = %scan3A_244 to %scan3A_246 step %scan3A_247 iter_args(%scan3A_252 = %broadcast_in_dim3A_3) -> (vector<16xi32>)  : i32 {
        %add3A_253 = arith.addi %get3A_243, %scan3A_252 : vector<16xi32>
        %mul3A_254 = arith.constant 256 : i32
        %mul3A_255 = arith.muli %scan3A_251, %mul3A_254 : i32
        %mul3A_256 = arith.constant 16 : i32
        %mul3A_257 = arith.muli %scan3A_239, %mul3A_256 : i32
        %add3A_258 = arith.addi %mul3A_255, %mul3A_257 : i32
        %swap3A_259 = arith.index_cast %add3A_258 : i32 to index
        %swap3A_260 = tpu.vector_load %arg18[%swap3A_259] {strides = array<i32>} : memref<4096xi32, #tpu.memory_space<vmem>>, vector<16xi32>,
        tpu.vector_store %arg18[%swap3A_259], %add3A_253 {strides = array<i32>} : memref<4096xi32, #tpu.memory_space<vmem>>, vector<16xi32>,
        %mul3A_261 = arith.constant 256 : i32
        %mul3A_262 = arith.muli %scan3A_251, %mul3A_261 : i32
        %mul3A_263 = arith.constant 16 : i32
        %mul3A_264 = arith.muli %scan3A_239, %mul3A_263 : i32
        %add3A_265 = arith.addi %mul3A_262, %mul3A_264 : i32
        %get3A_266 = arith.index_cast %add3A_265 : i32 to index
        %get3A_267 = tpu.vector_load %arg17[%get3A_266] {strides = array<i32>} : memref<4096xi32, #tpu.memory_space<vmem>>, vector<16xi32>,
        %add3A_268 = arith.addi %scan3A_252, %get3A_267 : vector<16xi32>
        scf.yield %add3A_268 : vector<16xi32>
      }
      %scan3A_249 = arith.constant 16 : i32
      %scan3A_250 = arith.constant 0 : i32
      scf.yield %scan3A_250 : i32
    }
    %scan3A_94 = arith.constant 16 : i32
    %scan3A_95 = arith.constant 0 : i32
    %scan3A_96 = arith.constant 0 : i32
    %scan3A_97 = arith.constant 64 : i32
    %scan3A_98 = arith.addi %scan3A_96, %scan3A_97 : i32
    %scan3A_99 = arith.constant 1 : i32
    %scan3A_100 = scf.for %scan3A_239 = %scan3A_96 to %scan3A_98 step %scan3A_99 iter_args(%scan3A_240 = %scan3A_95) -> (i32)  : i32 {
      %mul3A_241 = arith.constant 64 : i32
      %mul3A_242 = vector.broadcast %mul3A_241 : i32 to vector<16xi32>
      %mul3A_243 = arith.muli %iota3A, %mul3A_242 : vector<16xi32>
      %add3A_244 = vector.broadcast %scan3A_239 : i32 to vector<16xi32>
      %add3A_245 = arith.addi %mul3A_243, %add3A_244 : vector<16xi32>
      %gather3A = tpu.vector_load_idx %arg14[%add3A_245] : memref<1024xi32, #tpu.memory_space<vmem>>[vector<16xi32>], vector<16xi32>,
      %shift_right_logical3A = arith.constant 8 : i32
      %shift_right_logical3A_246 = vector.broadcast %shift_right_logical3A : i32 to vector<16xi32>
      %shift_right_logical3A_247 = arith.shrui %gather3A, %shift_right_logical3A_246 : vector<16xi32>
      %and3A = arith.constant 255 : i32
      %and3A_248 = vector.broadcast %and3A : i32 to vector<16xi32>
      %and3A_249 = arith.andi %shift_right_logical3A_247, %and3A_248 : vector<16xi32>
      %mul3A_250 = arith.constant 256 : i32
      %mul3A_251 = vector.broadcast %mul3A_250 : i32 to vector<16xi32>
      %mul3A_252 = arith.muli %iota3A, %mul3A_251 : vector<16xi32>
      %add3A_253 = arith.addi %mul3A_252, %and3A_249 : vector<16xi32>
      %gather3A_254 = tpu.vector_load_idx %arg18[%add3A_253] : memref<4096xi32, #tpu.memory_space<vmem>>[vector<16xi32>], vector<16xi32>,
      tpu.vector_store_idx %arg18[%add3A_253], %broadcast_in_dim3A_5 {add = true} : memref<4096xi32, #tpu.memory_space<vmem>>[vector<16xi32>], vector<16xi32>,
      tpu.vector_store_idx %arg16[%add3A_245], %gather3A_254 : memref<1024xi32, #tpu.memory_space<vmem>>[vector<16xi32>], vector<16xi32>,
      %scan3A_255 = arith.constant 0 : i32
      scf.yield %scan3A_255 : i32
    }
    %scan3A_101 = arith.constant 64 : i32
    "tpu.region"() ({
      %run_scoped3A = tpu.sem_alloc : memref<!tpu.dma_semaphore, #tpu.memory_space<semaphore_mem>>
      %dma_start3A = arith.constant 0 : i32
      %dma_start3A_239 = tpu.memref_slice %arg6[%dma_start3A] : memref<16384xi32, #tpu.memory_space<vmem_shared>> -> memref<16384xi32, #tpu.memory_space<vmem_shared>>
      tpu.enqueue_indirect_dma source(%arg14 : memref<1024xi32, #tpu.memory_space<vmem>>) target(%dma_start3A_239 : memref<16384xi32, #tpu.memory_space<vmem_shared>>) offsets(%arg16 : memref<1024xi32, #tpu.memory_space<vmem>>) semaphore(%run_scoped3A : memref<!tpu.dma_semaphore, #tpu.memory_space<semaphore_mem>>)
      %dma_wait3A = arith.constant 0 : i32
      %dma_wait3A_240 = tpu.memref_slice %arg6[%dma_wait3A] : memref<16384xi32, #tpu.memory_space<vmem_shared>> -> memref<16384xi32, #tpu.memory_space<vmem_shared>>
      tpu.wait_indirect_dma semaphore(%run_scoped3A : memref<!tpu.dma_semaphore, #tpu.memory_space<semaphore_mem>>) src(%arg14 : memref<1024xi32, #tpu.memory_space<vmem>>) dst(%dma_wait3A_240 : memref<16384xi32, #tpu.memory_space<vmem_shared>>)
      tpu.yield
    }) : () -> ()
    "tpu.region"() ({
      %run_scoped3A = tpu.sem_alloc : memref<!tpu.dma_semaphore, #tpu.memory_space<semaphore_mem>>
      %dma_start3A = arith.constant 0 : i32
      %dma_start3A_239 = tpu.memref_slice %arg8[%dma_start3A] : memref<16384xf32, #tpu.memory_space<vmem_shared>> -> memref<16384xf32, #tpu.memory_space<vmem_shared>>
      tpu.enqueue_indirect_dma source(%arg15 : memref<1024xf32, #tpu.memory_space<vmem>>) target(%dma_start3A_239 : memref<16384xf32, #tpu.memory_space<vmem_shared>>) offsets(%arg16 : memref<1024xi32, #tpu.memory_space<vmem>>) semaphore(%run_scoped3A : memref<!tpu.dma_semaphore, #tpu.memory_space<semaphore_mem>>)
      %dma_wait3A = arith.constant 0 : i32
      %dma_wait3A_240 = tpu.memref_slice %arg8[%dma_wait3A] : memref<16384xf32, #tpu.memory_space<vmem_shared>> -> memref<16384xf32, #tpu.memory_space<vmem_shared>>
      tpu.wait_indirect_dma semaphore(%run_scoped3A : memref<!tpu.dma_semaphore, #tpu.memory_space<semaphore_mem>>) src(%arg15 : memref<1024xf32, #tpu.memory_space<vmem>>) dst(%dma_wait3A_240 : memref<16384xf32, #tpu.memory_space<vmem_shared>>)
      tpu.yield
    }) : () -> ()
    %barrier3A_102 = arith.constant 0 : index
    tpu.barrier barrier_id(%barrier3A_102)
    "tpu.region"() ({
      %run_scoped3A = tpu.sem_alloc : memref<!tpu.dma_semaphore, #tpu.memory_space<semaphore_mem>>
      %dma_start3A = tpu.memref_slice %arg6[%mul3A_2] : memref<16384xi32, #tpu.memory_space<vmem_shared>> -> memref<1024xi32, #tpu.memory_space<vmem_shared>>
      %dma_start3A_239 = tpu.memref_slice %arg6[%mul3A_2] : memref<16384xi32, #tpu.memory_space<vmem_shared>> -> memref<1024xi32, #tpu.memory_space<vmem_shared>>
      tpu.enqueue_dma source(%dma_start3A_239 : memref<1024xi32, #tpu.memory_space<vmem_shared>>) target(%arg14 : memref<1024xi32, #tpu.memory_space<vmem>>) target_semaphore(%run_scoped3A : memref<!tpu.dma_semaphore, #tpu.memory_space<semaphore_mem>>)
      %dma_wait3A = tpu.memref_slice %arg6[%mul3A_2] : memref<16384xi32, #tpu.memory_space<vmem_shared>> -> memref<1024xi32, #tpu.memory_space<vmem_shared>>
      %dma_wait3A_240 = tpu.memref_slice %arg6[%mul3A_2] : memref<16384xi32, #tpu.memory_space<vmem_shared>> -> memref<1024xi32, #tpu.memory_space<vmem_shared>>
      tpu.wait_dma2 semaphore(%run_scoped3A : memref<!tpu.dma_semaphore, #tpu.memory_space<semaphore_mem>>) src(%dma_wait3A_240 : memref<1024xi32, #tpu.memory_space<vmem_shared>>) dst(%arg14 : memref<1024xi32, #tpu.memory_space<vmem>>)
      tpu.yield
    }) : () -> ()
    "tpu.region"() ({
      %run_scoped3A = tpu.sem_alloc : memref<!tpu.dma_semaphore, #tpu.memory_space<semaphore_mem>>
      %dma_start3A = tpu.memref_slice %arg8[%mul3A_2] : memref<16384xf32, #tpu.memory_space<vmem_shared>> -> memref<1024xf32, #tpu.memory_space<vmem_shared>>
      %dma_start3A_239 = tpu.memref_slice %arg8[%mul3A_2] : memref<16384xf32, #tpu.memory_space<vmem_shared>> -> memref<1024xf32, #tpu.memory_space<vmem_shared>>
      tpu.enqueue_dma source(%dma_start3A_239 : memref<1024xf32, #tpu.memory_space<vmem_shared>>) target(%arg15 : memref<1024xf32, #tpu.memory_space<vmem>>) target_semaphore(%run_scoped3A : memref<!tpu.dma_semaphore, #tpu.memory_space<semaphore_mem>>)
      %dma_wait3A = tpu.memref_slice %arg8[%mul3A_2] : memref<16384xf32, #tpu.memory_space<vmem_shared>> -> memref<1024xf32, #tpu.memory_space<vmem_shared>>
      %dma_wait3A_240 = tpu.memref_slice %arg8[%mul3A_2] : memref<16384xf32, #tpu.memory_space<vmem_shared>> -> memref<1024xf32, #tpu.memory_space<vmem_shared>>
      tpu.wait_dma2 semaphore(%run_scoped3A : memref<!tpu.dma_semaphore, #tpu.memory_space<semaphore_mem>>) src(%dma_wait3A_240 : memref<1024xf32, #tpu.memory_space<vmem_shared>>) dst(%arg15 : memref<1024xf32, #tpu.memory_space<vmem>>)
      tpu.yield
    }) : () -> ()
    %scan3A_103 = arith.constant 0 : i32
    %scan3A_104 = arith.constant 0 : i32
    %scan3A_105 = arith.constant 256 : i32
    %scan3A_106 = arith.addi %scan3A_104, %scan3A_105 : i32
    %scan3A_107 = arith.constant 1 : i32
    %scan3A_108 = scf.for %scan3A_239 = %scan3A_104 to %scan3A_106 step %scan3A_107 iter_args(%scan3A_240 = %scan3A_103) -> (i32)  : i32 {
      %mul3A_241 = arith.constant 16 : i32
      %mul3A_242 = arith.muli %scan3A_239, %mul3A_241 : i32
      %swap3A_243 = arith.index_cast %mul3A_242 : i32 to index
      %swap3A_244 = tpu.vector_load %arg17[%swap3A_243] {strides = array<i32>} : memref<4096xi32, #tpu.memory_space<vmem>>, vector<16xi32>,
      tpu.vector_store %arg17[%swap3A_243], %broadcast_in_dim3A_3 {strides = array<i32>} : memref<4096xi32, #tpu.memory_space<vmem>>, vector<16xi32>,
      %scan3A_245 = arith.constant 0 : i32
      scf.yield %scan3A_245 : i32
    }
    %scan3A_109 = arith.constant 256 : i32
    %scan3A_110 = arith.constant 0 : i32
    %scan3A_111 = arith.constant 0 : i32
    %scan3A_112 = arith.constant 64 : i32
    %scan3A_113 = arith.addi %scan3A_111, %scan3A_112 : i32
    %scan3A_114 = arith.constant 1 : i32
    %scan3A_115 = scf.for %scan3A_239 = %scan3A_111 to %scan3A_113 step %scan3A_114 iter_args(%scan3A_240 = %scan3A_110) -> (i32)  : i32 {
      %mul3A_241 = arith.constant 64 : i32
      %mul3A_242 = vector.broadcast %mul3A_241 : i32 to vector<16xi32>
      %mul3A_243 = arith.muli %iota3A, %mul3A_242 : vector<16xi32>
      %add3A_244 = vector.broadcast %scan3A_239 : i32 to vector<16xi32>
      %add3A_245 = arith.addi %mul3A_243, %add3A_244 : vector<16xi32>
      %gather3A = tpu.vector_load_idx %arg14[%add3A_245] : memref<1024xi32, #tpu.memory_space<vmem>>[vector<16xi32>], vector<16xi32>,
      %shift_right_logical3A = arith.constant 16 : i32
      %shift_right_logical3A_246 = vector.broadcast %shift_right_logical3A : i32 to vector<16xi32>
      %shift_right_logical3A_247 = arith.shrui %gather3A, %shift_right_logical3A_246 : vector<16xi32>
      %and3A = arith.constant 255 : i32
      %and3A_248 = vector.broadcast %and3A : i32 to vector<16xi32>
      %and3A_249 = arith.andi %shift_right_logical3A_247, %and3A_248 : vector<16xi32>
      %mul3A_250 = arith.constant 256 : i32
      %mul3A_251 = vector.broadcast %mul3A_250 : i32 to vector<16xi32>
      %mul3A_252 = arith.muli %iota3A, %mul3A_251 : vector<16xi32>
      %add3A_253 = arith.addi %mul3A_252, %and3A_249 : vector<16xi32>
      tpu.vector_store_idx %arg17[%add3A_253], %broadcast_in_dim3A_5 {add = true} : memref<4096xi32, #tpu.memory_space<vmem>>[vector<16xi32>], vector<16xi32>,
      %scan3A_254 = arith.constant 0 : i32
      scf.yield %scan3A_254 : i32
    }
    %scan3A_116 = arith.constant 64 : i32
    %scan3A_117 = arith.constant 0 : i32
    %scan3A_118 = arith.constant 0 : i32
    %scan3A_119 = arith.constant 16 : i32
    %scan3A_120 = arith.addi %scan3A_118, %scan3A_119 : i32
    %scan3A_121 = arith.constant 1 : i32
    %scan3A_122 = scf.for %scan3A_239 = %scan3A_118 to %scan3A_120 step %scan3A_121 iter_args(%scan3A_240 = %scan3A_117) -> (i32)  : i32 {
      %scan3A_241 = arith.constant 0 : i32
      %scan3A_242 = arith.constant 16 : i32
      %scan3A_243 = arith.addi %scan3A_241, %scan3A_242 : i32
      %scan3A_244 = arith.constant 1 : i32
      %scan3A_245 = scf.for %scan3A_252 = %scan3A_241 to %scan3A_243 step %scan3A_244 iter_args(%scan3A_253 = %broadcast_in_dim3A_3) -> (vector<16xi32>)  : i32 {
        %mul3A_254 = arith.constant 256 : i32
        %mul3A_255 = arith.muli %scan3A_252, %mul3A_254 : i32
        %mul3A_256 = arith.constant 16 : i32
        %mul3A_257 = arith.muli %scan3A_239, %mul3A_256 : i32
        %add3A_258 = arith.addi %mul3A_255, %mul3A_257 : i32
        %get3A = arith.index_cast %add3A_258 : i32 to index
        %get3A_259 = tpu.vector_load %arg17[%get3A] {strides = array<i32>} : memref<4096xi32, #tpu.memory_space<vmem>>, vector<16xi32>,
        %add3A_260 = arith.addi %scan3A_253, %get3A_259 : vector<16xi32>
        scf.yield %add3A_260 : vector<16xi32>
      }
      %scan3A_246 = arith.constant 16 : i32
      %mul3A_247 = arith.constant 16 : i32
      %mul3A_248 = arith.muli %scan3A_239, %mul3A_247 : i32
      %swap3A_249 = arith.index_cast %mul3A_248 : i32 to index
      %swap3A_250 = tpu.vector_load %arg20[%swap3A_249] {strides = array<i32>} : memref<256xi32, #tpu.memory_space<vmem>>, vector<16xi32>,
      tpu.vector_store %arg20[%swap3A_249], %scan3A_245 {strides = array<i32>} : memref<256xi32, #tpu.memory_space<vmem>>, vector<16xi32>,
      %scan3A_251 = arith.constant 0 : i32
      scf.yield %scan3A_251 : i32
    }
    %scan3A_123 = arith.constant 16 : i32
    %mul3A_124 = arith.constant 256 : i32
    %mul3A_125 = arith.muli %add3A, %mul3A_124 : i32
    "tpu.region"() ({
      %run_scoped3A = tpu.sem_alloc : memref<!tpu.dma_semaphore, #tpu.memory_space<semaphore_mem>>
      %dma_start3A = tpu.memref_slice %arg10[%mul3A_125] : memref<4096xi32, #tpu.memory_space<vmem_shared>> -> memref<256xi32, #tpu.memory_space<vmem_shared>>
      %dma_start3A_239 = tpu.memref_slice %arg10[%mul3A_125] : memref<4096xi32, #tpu.memory_space<vmem_shared>> -> memref<256xi32, #tpu.memory_space<vmem_shared>>
      tpu.enqueue_dma source(%arg20 : memref<256xi32, #tpu.memory_space<vmem>>) target(%dma_start3A_239 : memref<256xi32, #tpu.memory_space<vmem_shared>>) target_semaphore(%run_scoped3A : memref<!tpu.dma_semaphore, #tpu.memory_space<semaphore_mem>>)
      %dma_wait3A = tpu.memref_slice %arg10[%mul3A_125] : memref<4096xi32, #tpu.memory_space<vmem_shared>> -> memref<256xi32, #tpu.memory_space<vmem_shared>>
      %dma_wait3A_240 = tpu.memref_slice %arg10[%mul3A_125] : memref<4096xi32, #tpu.memory_space<vmem_shared>> -> memref<256xi32, #tpu.memory_space<vmem_shared>>
      tpu.wait_dma2 semaphore(%run_scoped3A : memref<!tpu.dma_semaphore, #tpu.memory_space<semaphore_mem>>) src(%arg20 : memref<256xi32, #tpu.memory_space<vmem>>) dst(%dma_wait3A_240 : memref<256xi32, #tpu.memory_space<vmem_shared>>)
      tpu.yield
    }) : () -> ()
    %barrier3A_126 = arith.constant 0 : index
    tpu.barrier barrier_id(%barrier3A_126)
    "tpu.region"() ({
      %run_scoped3A = tpu.sem_alloc : memref<!tpu.dma_semaphore, #tpu.memory_space<semaphore_mem>>
      tpu.enqueue_dma source(%arg10 : memref<4096xi32, #tpu.memory_space<vmem_shared>>) target(%arg19 : memref<4096xi32, #tpu.memory_space<vmem>>) target_semaphore(%run_scoped3A : memref<!tpu.dma_semaphore, #tpu.memory_space<semaphore_mem>>)
      tpu.wait_dma2 semaphore(%run_scoped3A : memref<!tpu.dma_semaphore, #tpu.memory_space<semaphore_mem>>) src(%arg10 : memref<4096xi32, #tpu.memory_space<vmem_shared>>) dst(%arg19 : memref<4096xi32, #tpu.memory_space<vmem>>)
      tpu.yield
    }) : () -> ()
    %scan3A_127 = arith.constant 0 : i32
    %scan3A_128 = arith.constant 0 : i32
    %scan3A_129 = arith.constant 16 : i32
    %scan3A_130 = arith.addi %scan3A_128, %scan3A_129 : i32
    %scan3A_131 = arith.constant 1 : i32
    %scan3A_132 = scf.for %scan3A_239 = %scan3A_128 to %scan3A_130 step %scan3A_131 iter_args(%scan3A_240 = %scan3A_127) -> (i32)  : i32 {
      %scan3A_241 = arith.constant 0 : i32
      %scan3A_242 = arith.constant 16 : i32
      %scan3A_243 = arith.addi %scan3A_241, %scan3A_242 : i32
      %scan3A_244 = arith.constant 1 : i32
      %scan3A_245:2 = scf.for %scan3A_260 = %scan3A_241 to %scan3A_243 step %scan3A_244 iter_args(%scan3A_261 = %broadcast_in_dim3A_3, %scan3A_262 = %broadcast_in_dim3A_3) -> (vector<16xi32>, vector<16xi32>)  : i32 {
        %mul3A_263 = arith.constant 256 : i32
        %mul3A_264 = arith.muli %scan3A_260, %mul3A_263 : i32
        %mul3A_265 = arith.constant 16 : i32
        %mul3A_266 = arith.muli %scan3A_239, %mul3A_265 : i32
        %add3A_267 = arith.addi %mul3A_264, %mul3A_266 : i32
        %get3A = arith.index_cast %add3A_267 : i32 to index
        %get3A_268 = tpu.vector_load %arg19[%get3A] {strides = array<i32>} : memref<4096xi32, #tpu.memory_space<vmem>>, vector<16xi32>,
        %add3A_269 = arith.addi %scan3A_261, %get3A_268 : vector<16xi32>
        %lt3A = arith.cmpi slt, %scan3A_260, %add3A : i32
        %convert_element_type3A_270 = arith.extui %lt3A : i1 to i32
        %mul3A_271 = vector.broadcast %convert_element_type3A_270 : i32 to vector<16xi32>
        %mul3A_272 = arith.muli %get3A_268, %mul3A_271 : vector<16xi32>
        %add3A_273 = arith.addi %scan3A_262, %mul3A_272 : vector<16xi32>
        scf.yield %add3A_269, %add3A_273 : vector<16xi32>, vector<16xi32>
      }
      %scan3A_246 = arith.constant 16 : i32
      %broadcast_in_dim3A_247 = arith.constant true
      %broadcast_in_dim3A_248 = vector.broadcast %broadcast_in_dim3A_247 : i1 to vector<16xi1>
      %masked_cumsum3A = tpu.scan <sum>, %scan3A_245#0 masked %broadcast_in_dim3A_248 : vector<16xi32>, vector<16xi1> -> vector<16xi32>
      %sub3A = arith.subi %masked_cumsum3A, %scan3A_245#0 : vector<16xi32>
      %add3A_249 = arith.addi %sub3A, %scan3A_245#1 : vector<16xi32>
      %add3A_250 = vector.broadcast %scan3A_240 : i32 to vector<16xi32>
      %add3A_251 = arith.addi %add3A_249, %add3A_250 : vector<16xi32>
      %mul3A_252 = arith.constant 16 : i32
      %mul3A_253 = arith.muli %scan3A_239, %mul3A_252 : i32
      %swap3A_254 = arith.index_cast %mul3A_253 : i32 to index
      %swap3A_255 = tpu.vector_load %arg21[%swap3A_254] {strides = array<i32>} : memref<256xi32, #tpu.memory_space<vmem>>, vector<16xi32>,
      tpu.vector_store %arg21[%swap3A_254], %add3A_251 {strides = array<i32>} : memref<256xi32, #tpu.memory_space<vmem>>, vector<16xi32>,
      %reduce_sum3A = arith.constant true
      %reduce_sum3A_256 = vector.broadcast %reduce_sum3A : i1 to vector<16xi1>
      %reduce_sum3A_257 = tpu.scan <sum>, %scan3A_245#0 masked %reduce_sum3A_256 : vector<16xi32>, vector<16xi1> -> vector<16xi32>
      %reduce_sum3A_258 = vector.extract %reduce_sum3A_257[15] : i32 from vector<16xi32>
      %add3A_259 = arith.addi %scan3A_240, %reduce_sum3A_258 : i32
      scf.yield %add3A_259 : i32
    }
    %scan3A_133 = arith.constant 16 : i32
    %scan3A_134 = arith.constant 0 : i32
    %scan3A_135 = arith.constant 0 : i32
    %scan3A_136 = arith.constant 16 : i32
    %scan3A_137 = arith.addi %scan3A_135, %scan3A_136 : i32
    %scan3A_138 = arith.constant 1 : i32
    %scan3A_139 = scf.for %scan3A_239 = %scan3A_135 to %scan3A_137 step %scan3A_138 iter_args(%scan3A_240 = %scan3A_134) -> (i32)  : i32 {
      %mul3A_241 = arith.constant 16 : i32
      %mul3A_242 = arith.muli %scan3A_239, %mul3A_241 : i32
      %get3A = arith.index_cast %mul3A_242 : i32 to index
      %get3A_243 = tpu.vector_load %arg21[%get3A] {strides = array<i32>} : memref<256xi32, #tpu.memory_space<vmem>>, vector<16xi32>,
      %scan3A_244 = arith.constant 0 : i32
      %scan3A_245 = arith.constant 16 : i32
      %scan3A_246 = arith.addi %scan3A_244, %scan3A_245 : i32
      %scan3A_247 = arith.constant 1 : i32
      %scan3A_248 = scf.for %scan3A_251 = %scan3A_244 to %scan3A_246 step %scan3A_247 iter_args(%scan3A_252 = %broadcast_in_dim3A_3) -> (vector<16xi32>)  : i32 {
        %add3A_253 = arith.addi %get3A_243, %scan3A_252 : vector<16xi32>
        %mul3A_254 = arith.constant 256 : i32
        %mul3A_255 = arith.muli %scan3A_251, %mul3A_254 : i32
        %mul3A_256 = arith.constant 16 : i32
        %mul3A_257 = arith.muli %scan3A_239, %mul3A_256 : i32
        %add3A_258 = arith.addi %mul3A_255, %mul3A_257 : i32
        %swap3A_259 = arith.index_cast %add3A_258 : i32 to index
        %swap3A_260 = tpu.vector_load %arg18[%swap3A_259] {strides = array<i32>} : memref<4096xi32, #tpu.memory_space<vmem>>, vector<16xi32>,
        tpu.vector_store %arg18[%swap3A_259], %add3A_253 {strides = array<i32>} : memref<4096xi32, #tpu.memory_space<vmem>>, vector<16xi32>,
        %mul3A_261 = arith.constant 256 : i32
        %mul3A_262 = arith.muli %scan3A_251, %mul3A_261 : i32
        %mul3A_263 = arith.constant 16 : i32
        %mul3A_264 = arith.muli %scan3A_239, %mul3A_263 : i32
        %add3A_265 = arith.addi %mul3A_262, %mul3A_264 : i32
        %get3A_266 = arith.index_cast %add3A_265 : i32 to index
        %get3A_267 = tpu.vector_load %arg17[%get3A_266] {strides = array<i32>} : memref<4096xi32, #tpu.memory_space<vmem>>, vector<16xi32>,
        %add3A_268 = arith.addi %scan3A_252, %get3A_267 : vector<16xi32>
        scf.yield %add3A_268 : vector<16xi32>
      }
      %scan3A_249 = arith.constant 16 : i32
      %scan3A_250 = arith.constant 0 : i32
      scf.yield %scan3A_250 : i32
    }
    %scan3A_140 = arith.constant 16 : i32
    %scan3A_141 = arith.constant 0 : i32
    %scan3A_142 = arith.constant 0 : i32
    %scan3A_143 = arith.constant 64 : i32
    %scan3A_144 = arith.addi %scan3A_142, %scan3A_143 : i32
    %scan3A_145 = arith.constant 1 : i32
    %scan3A_146 = scf.for %scan3A_239 = %scan3A_142 to %scan3A_144 step %scan3A_145 iter_args(%scan3A_240 = %scan3A_141) -> (i32)  : i32 {
      %mul3A_241 = arith.constant 64 : i32
      %mul3A_242 = vector.broadcast %mul3A_241 : i32 to vector<16xi32>
      %mul3A_243 = arith.muli %iota3A, %mul3A_242 : vector<16xi32>
      %add3A_244 = vector.broadcast %scan3A_239 : i32 to vector<16xi32>
      %add3A_245 = arith.addi %mul3A_243, %add3A_244 : vector<16xi32>
      %gather3A = tpu.vector_load_idx %arg14[%add3A_245] : memref<1024xi32, #tpu.memory_space<vmem>>[vector<16xi32>], vector<16xi32>,
      %shift_right_logical3A = arith.constant 16 : i32
      %shift_right_logical3A_246 = vector.broadcast %shift_right_logical3A : i32 to vector<16xi32>
      %shift_right_logical3A_247 = arith.shrui %gather3A, %shift_right_logical3A_246 : vector<16xi32>
      %and3A = arith.constant 255 : i32
      %and3A_248 = vector.broadcast %and3A : i32 to vector<16xi32>
      %and3A_249 = arith.andi %shift_right_logical3A_247, %and3A_248 : vector<16xi32>
      %mul3A_250 = arith.constant 256 : i32
      %mul3A_251 = vector.broadcast %mul3A_250 : i32 to vector<16xi32>
      %mul3A_252 = arith.muli %iota3A, %mul3A_251 : vector<16xi32>
      %add3A_253 = arith.addi %mul3A_252, %and3A_249 : vector<16xi32>
      %gather3A_254 = tpu.vector_load_idx %arg18[%add3A_253] : memref<4096xi32, #tpu.memory_space<vmem>>[vector<16xi32>], vector<16xi32>,
      tpu.vector_store_idx %arg18[%add3A_253], %broadcast_in_dim3A_5 {add = true} : memref<4096xi32, #tpu.memory_space<vmem>>[vector<16xi32>], vector<16xi32>,
      tpu.vector_store_idx %arg16[%add3A_245], %gather3A_254 : memref<1024xi32, #tpu.memory_space<vmem>>[vector<16xi32>], vector<16xi32>,
      %scan3A_255 = arith.constant 0 : i32
      scf.yield %scan3A_255 : i32
    }
    %scan3A_147 = arith.constant 64 : i32
    "tpu.region"() ({
      %run_scoped3A = tpu.sem_alloc : memref<!tpu.dma_semaphore, #tpu.memory_space<semaphore_mem>>
      %dma_start3A = arith.constant 0 : i32
      %dma_start3A_239 = tpu.memref_slice %arg7[%dma_start3A] : memref<16384xi32, #tpu.memory_space<vmem_shared>> -> memref<16384xi32, #tpu.memory_space<vmem_shared>>
      tpu.enqueue_indirect_dma source(%arg14 : memref<1024xi32, #tpu.memory_space<vmem>>) target(%dma_start3A_239 : memref<16384xi32, #tpu.memory_space<vmem_shared>>) offsets(%arg16 : memref<1024xi32, #tpu.memory_space<vmem>>) semaphore(%run_scoped3A : memref<!tpu.dma_semaphore, #tpu.memory_space<semaphore_mem>>)
      %dma_wait3A = arith.constant 0 : i32
      %dma_wait3A_240 = tpu.memref_slice %arg7[%dma_wait3A] : memref<16384xi32, #tpu.memory_space<vmem_shared>> -> memref<16384xi32, #tpu.memory_space<vmem_shared>>
      tpu.wait_indirect_dma semaphore(%run_scoped3A : memref<!tpu.dma_semaphore, #tpu.memory_space<semaphore_mem>>) src(%arg14 : memref<1024xi32, #tpu.memory_space<vmem>>) dst(%dma_wait3A_240 : memref<16384xi32, #tpu.memory_space<vmem_shared>>)
      tpu.yield
    }) : () -> ()
    "tpu.region"() ({
      %run_scoped3A = tpu.sem_alloc : memref<!tpu.dma_semaphore, #tpu.memory_space<semaphore_mem>>
      %dma_start3A = arith.constant 0 : i32
      %dma_start3A_239 = tpu.memref_slice %arg9[%dma_start3A] : memref<16384xf32, #tpu.memory_space<vmem_shared>> -> memref<16384xf32, #tpu.memory_space<vmem_shared>>
      tpu.enqueue_indirect_dma source(%arg15 : memref<1024xf32, #tpu.memory_space<vmem>>) target(%dma_start3A_239 : memref<16384xf32, #tpu.memory_space<vmem_shared>>) offsets(%arg16 : memref<1024xi32, #tpu.memory_space<vmem>>) semaphore(%run_scoped3A : memref<!tpu.dma_semaphore, #tpu.memory_space<semaphore_mem>>)
      %dma_wait3A = arith.constant 0 : i32
      %dma_wait3A_240 = tpu.memref_slice %arg9[%dma_wait3A] : memref<16384xf32, #tpu.memory_space<vmem_shared>> -> memref<16384xf32, #tpu.memory_space<vmem_shared>>
      tpu.wait_indirect_dma semaphore(%run_scoped3A : memref<!tpu.dma_semaphore, #tpu.memory_space<semaphore_mem>>) src(%arg15 : memref<1024xf32, #tpu.memory_space<vmem>>) dst(%dma_wait3A_240 : memref<16384xf32, #tpu.memory_space<vmem_shared>>)
      tpu.yield
    }) : () -> ()
    %barrier3A_148 = arith.constant 0 : index
    tpu.barrier barrier_id(%barrier3A_148)
    "tpu.region"() ({
      %run_scoped3A = tpu.sem_alloc : memref<!tpu.dma_semaphore, #tpu.memory_space<semaphore_mem>>
      %dma_start3A = tpu.memref_slice %arg7[%mul3A_2] : memref<16384xi32, #tpu.memory_space<vmem_shared>> -> memref<1024xi32, #tpu.memory_space<vmem_shared>>
      %dma_start3A_239 = tpu.memref_slice %arg7[%mul3A_2] : memref<16384xi32, #tpu.memory_space<vmem_shared>> -> memref<1024xi32, #tpu.memory_space<vmem_shared>>
      tpu.enqueue_dma source(%dma_start3A_239 : memref<1024xi32, #tpu.memory_space<vmem_shared>>) target(%arg14 : memref<1024xi32, #tpu.memory_space<vmem>>) target_semaphore(%run_scoped3A : memref<!tpu.dma_semaphore, #tpu.memory_space<semaphore_mem>>)
      %dma_wait3A = tpu.memref_slice %arg7[%mul3A_2] : memref<16384xi32, #tpu.memory_space<vmem_shared>> -> memref<1024xi32, #tpu.memory_space<vmem_shared>>
      %dma_wait3A_240 = tpu.memref_slice %arg7[%mul3A_2] : memref<16384xi32, #tpu.memory_space<vmem_shared>> -> memref<1024xi32, #tpu.memory_space<vmem_shared>>
      tpu.wait_dma2 semaphore(%run_scoped3A : memref<!tpu.dma_semaphore, #tpu.memory_space<semaphore_mem>>) src(%dma_wait3A_240 : memref<1024xi32, #tpu.memory_space<vmem_shared>>) dst(%arg14 : memref<1024xi32, #tpu.memory_space<vmem>>)
      tpu.yield
    }) : () -> ()
    "tpu.region"() ({
      %run_scoped3A = tpu.sem_alloc : memref<!tpu.dma_semaphore, #tpu.memory_space<semaphore_mem>>
      %dma_start3A = tpu.memref_slice %arg9[%mul3A_2] : memref<16384xf32, #tpu.memory_space<vmem_shared>> -> memref<1024xf32, #tpu.memory_space<vmem_shared>>
      %dma_start3A_239 = tpu.memref_slice %arg9[%mul3A_2] : memref<16384xf32, #tpu.memory_space<vmem_shared>> -> memref<1024xf32, #tpu.memory_space<vmem_shared>>
      tpu.enqueue_dma source(%dma_start3A_239 : memref<1024xf32, #tpu.memory_space<vmem_shared>>) target(%arg15 : memref<1024xf32, #tpu.memory_space<vmem>>) target_semaphore(%run_scoped3A : memref<!tpu.dma_semaphore, #tpu.memory_space<semaphore_mem>>)
      %dma_wait3A = tpu.memref_slice %arg9[%mul3A_2] : memref<16384xf32, #tpu.memory_space<vmem_shared>> -> memref<1024xf32, #tpu.memory_space<vmem_shared>>
      %dma_wait3A_240 = tpu.memref_slice %arg9[%mul3A_2] : memref<16384xf32, #tpu.memory_space<vmem_shared>> -> memref<1024xf32, #tpu.memory_space<vmem_shared>>
      tpu.wait_dma2 semaphore(%run_scoped3A : memref<!tpu.dma_semaphore, #tpu.memory_space<semaphore_mem>>) src(%dma_wait3A_240 : memref<1024xf32, #tpu.memory_space<vmem_shared>>) dst(%arg15 : memref<1024xf32, #tpu.memory_space<vmem>>)
      tpu.yield
    }) : () -> ()
    %scan3A_149 = arith.constant 0 : i32
    %scan3A_150 = arith.constant 0 : i32
    %scan3A_151 = arith.constant 256 : i32
    %scan3A_152 = arith.addi %scan3A_150, %scan3A_151 : i32
    %scan3A_153 = arith.constant 1 : i32
    %scan3A_154 = scf.for %scan3A_239 = %scan3A_150 to %scan3A_152 step %scan3A_153 iter_args(%scan3A_240 = %scan3A_149) -> (i32)  : i32 {
      %mul3A_241 = arith.constant 16 : i32
      %mul3A_242 = arith.muli %scan3A_239, %mul3A_241 : i32
      %swap3A_243 = arith.index_cast %mul3A_242 : i32 to index
      %swap3A_244 = tpu.vector_load %arg17[%swap3A_243] {strides = array<i32>} : memref<4096xi32, #tpu.memory_space<vmem>>, vector<16xi32>,
      tpu.vector_store %arg17[%swap3A_243], %broadcast_in_dim3A_3 {strides = array<i32>} : memref<4096xi32, #tpu.memory_space<vmem>>, vector<16xi32>,
      %scan3A_245 = arith.constant 0 : i32
      scf.yield %scan3A_245 : i32
    }
    %scan3A_155 = arith.constant 256 : i32
    %scan3A_156 = arith.constant 0 : i32
    %scan3A_157 = arith.constant 0 : i32
    %scan3A_158 = arith.constant 64 : i32
    %scan3A_159 = arith.addi %scan3A_157, %scan3A_158 : i32
    %scan3A_160 = arith.constant 1 : i32
    %scan3A_161 = scf.for %scan3A_239 = %scan3A_157 to %scan3A_159 step %scan3A_160 iter_args(%scan3A_240 = %scan3A_156) -> (i32)  : i32 {
      %mul3A_241 = arith.constant 64 : i32
      %mul3A_242 = vector.broadcast %mul3A_241 : i32 to vector<16xi32>
      %mul3A_243 = arith.muli %iota3A, %mul3A_242 : vector<16xi32>
      %add3A_244 = vector.broadcast %scan3A_239 : i32 to vector<16xi32>
      %add3A_245 = arith.addi %mul3A_243, %add3A_244 : vector<16xi32>
      %gather3A = tpu.vector_load_idx %arg14[%add3A_245] : memref<1024xi32, #tpu.memory_space<vmem>>[vector<16xi32>], vector<16xi32>,
      %shift_right_logical3A = arith.constant 24 : i32
      %shift_right_logical3A_246 = vector.broadcast %shift_right_logical3A : i32 to vector<16xi32>
      %shift_right_logical3A_247 = arith.shrui %gather3A, %shift_right_logical3A_246 : vector<16xi32>
      %and3A = arith.constant 255 : i32
      %and3A_248 = vector.broadcast %and3A : i32 to vector<16xi32>
      %and3A_249 = arith.andi %shift_right_logical3A_247, %and3A_248 : vector<16xi32>
      %mul3A_250 = arith.constant 256 : i32
      %mul3A_251 = vector.broadcast %mul3A_250 : i32 to vector<16xi32>
      %mul3A_252 = arith.muli %iota3A, %mul3A_251 : vector<16xi32>
      %add3A_253 = arith.addi %mul3A_252, %and3A_249 : vector<16xi32>
      tpu.vector_store_idx %arg17[%add3A_253], %broadcast_in_dim3A_5 {add = true} : memref<4096xi32, #tpu.memory_space<vmem>>[vector<16xi32>], vector<16xi32>,
      %scan3A_254 = arith.constant 0 : i32
      scf.yield %scan3A_254 : i32
    }
    %scan3A_162 = arith.constant 64 : i32
    %scan3A_163 = arith.constant 0 : i32
    %scan3A_164 = arith.constant 0 : i32
    %scan3A_165 = arith.constant 16 : i32
    %scan3A_166 = arith.addi %scan3A_164, %scan3A_165 : i32
    %scan3A_167 = arith.constant 1 : i32
    %scan3A_168 = scf.for %scan3A_239 = %scan3A_164 to %scan3A_166 step %scan3A_167 iter_args(%scan3A_240 = %scan3A_163) -> (i32)  : i32 {
      %scan3A_241 = arith.constant 0 : i32
      %scan3A_242 = arith.constant 16 : i32
      %scan3A_243 = arith.addi %scan3A_241, %scan3A_242 : i32
      %scan3A_244 = arith.constant 1 : i32
      %scan3A_245 = scf.for %scan3A_252 = %scan3A_241 to %scan3A_243 step %scan3A_244 iter_args(%scan3A_253 = %broadcast_in_dim3A_3) -> (vector<16xi32>)  : i32 {
        %mul3A_254 = arith.constant 256 : i32
        %mul3A_255 = arith.muli %scan3A_252, %mul3A_254 : i32
        %mul3A_256 = arith.constant 16 : i32
        %mul3A_257 = arith.muli %scan3A_239, %mul3A_256 : i32
        %add3A_258 = arith.addi %mul3A_255, %mul3A_257 : i32
        %get3A = arith.index_cast %add3A_258 : i32 to index
        %get3A_259 = tpu.vector_load %arg17[%get3A] {strides = array<i32>} : memref<4096xi32, #tpu.memory_space<vmem>>, vector<16xi32>,
        %add3A_260 = arith.addi %scan3A_253, %get3A_259 : vector<16xi32>
        scf.yield %add3A_260 : vector<16xi32>
      }
      %scan3A_246 = arith.constant 16 : i32
      %mul3A_247 = arith.constant 16 : i32
      %mul3A_248 = arith.muli %scan3A_239, %mul3A_247 : i32
      %swap3A_249 = arith.index_cast %mul3A_248 : i32 to index
      %swap3A_250 = tpu.vector_load %arg20[%swap3A_249] {strides = array<i32>} : memref<256xi32, #tpu.memory_space<vmem>>, vector<16xi32>,
      tpu.vector_store %arg20[%swap3A_249], %scan3A_245 {strides = array<i32>} : memref<256xi32, #tpu.memory_space<vmem>>, vector<16xi32>,
      %scan3A_251 = arith.constant 0 : i32
      scf.yield %scan3A_251 : i32
    }
    %scan3A_169 = arith.constant 16 : i32
    %mul3A_170 = arith.constant 256 : i32
    %mul3A_171 = arith.muli %add3A, %mul3A_170 : i32
    "tpu.region"() ({
      %run_scoped3A = tpu.sem_alloc : memref<!tpu.dma_semaphore, #tpu.memory_space<semaphore_mem>>
      %dma_start3A = tpu.memref_slice %arg10[%mul3A_171] : memref<4096xi32, #tpu.memory_space<vmem_shared>> -> memref<256xi32, #tpu.memory_space<vmem_shared>>
      %dma_start3A_239 = tpu.memref_slice %arg10[%mul3A_171] : memref<4096xi32, #tpu.memory_space<vmem_shared>> -> memref<256xi32, #tpu.memory_space<vmem_shared>>
      tpu.enqueue_dma source(%arg20 : memref<256xi32, #tpu.memory_space<vmem>>) target(%dma_start3A_239 : memref<256xi32, #tpu.memory_space<vmem_shared>>) target_semaphore(%run_scoped3A : memref<!tpu.dma_semaphore, #tpu.memory_space<semaphore_mem>>)
      %dma_wait3A = tpu.memref_slice %arg10[%mul3A_171] : memref<4096xi32, #tpu.memory_space<vmem_shared>> -> memref<256xi32, #tpu.memory_space<vmem_shared>>
      %dma_wait3A_240 = tpu.memref_slice %arg10[%mul3A_171] : memref<4096xi32, #tpu.memory_space<vmem_shared>> -> memref<256xi32, #tpu.memory_space<vmem_shared>>
      tpu.wait_dma2 semaphore(%run_scoped3A : memref<!tpu.dma_semaphore, #tpu.memory_space<semaphore_mem>>) src(%arg20 : memref<256xi32, #tpu.memory_space<vmem>>) dst(%dma_wait3A_240 : memref<256xi32, #tpu.memory_space<vmem_shared>>)
      tpu.yield
    }) : () -> ()
    %barrier3A_172 = arith.constant 0 : index
    tpu.barrier barrier_id(%barrier3A_172)
    "tpu.region"() ({
      %run_scoped3A = tpu.sem_alloc : memref<!tpu.dma_semaphore, #tpu.memory_space<semaphore_mem>>
      tpu.enqueue_dma source(%arg10 : memref<4096xi32, #tpu.memory_space<vmem_shared>>) target(%arg19 : memref<4096xi32, #tpu.memory_space<vmem>>) target_semaphore(%run_scoped3A : memref<!tpu.dma_semaphore, #tpu.memory_space<semaphore_mem>>)
      tpu.wait_dma2 semaphore(%run_scoped3A : memref<!tpu.dma_semaphore, #tpu.memory_space<semaphore_mem>>) src(%arg10 : memref<4096xi32, #tpu.memory_space<vmem_shared>>) dst(%arg19 : memref<4096xi32, #tpu.memory_space<vmem>>)
      tpu.yield
    }) : () -> ()
    %scan3A_173 = arith.constant 0 : i32
    %scan3A_174 = arith.constant 0 : i32
    %scan3A_175 = arith.constant 16 : i32
    %scan3A_176 = arith.addi %scan3A_174, %scan3A_175 : i32
    %scan3A_177 = arith.constant 1 : i32
    %scan3A_178 = scf.for %scan3A_239 = %scan3A_174 to %scan3A_176 step %scan3A_177 iter_args(%scan3A_240 = %scan3A_173) -> (i32)  : i32 {
      %scan3A_241 = arith.constant 0 : i32
      %scan3A_242 = arith.constant 16 : i32
      %scan3A_243 = arith.addi %scan3A_241, %scan3A_242 : i32
      %scan3A_244 = arith.constant 1 : i32
      %scan3A_245:2 = scf.for %scan3A_260 = %scan3A_241 to %scan3A_243 step %scan3A_244 iter_args(%scan3A_261 = %broadcast_in_dim3A_3, %scan3A_262 = %broadcast_in_dim3A_3) -> (vector<16xi32>, vector<16xi32>)  : i32 {
        %mul3A_263 = arith.constant 256 : i32
        %mul3A_264 = arith.muli %scan3A_260, %mul3A_263 : i32
        %mul3A_265 = arith.constant 16 : i32
        %mul3A_266 = arith.muli %scan3A_239, %mul3A_265 : i32
        %add3A_267 = arith.addi %mul3A_264, %mul3A_266 : i32
        %get3A = arith.index_cast %add3A_267 : i32 to index
        %get3A_268 = tpu.vector_load %arg19[%get3A] {strides = array<i32>} : memref<4096xi32, #tpu.memory_space<vmem>>, vector<16xi32>,
        %add3A_269 = arith.addi %scan3A_261, %get3A_268 : vector<16xi32>
        %lt3A = arith.cmpi slt, %scan3A_260, %add3A : i32
        %convert_element_type3A_270 = arith.extui %lt3A : i1 to i32
        %mul3A_271 = vector.broadcast %convert_element_type3A_270 : i32 to vector<16xi32>
        %mul3A_272 = arith.muli %get3A_268, %mul3A_271 : vector<16xi32>
        %add3A_273 = arith.addi %scan3A_262, %mul3A_272 : vector<16xi32>
        scf.yield %add3A_269, %add3A_273 : vector<16xi32>, vector<16xi32>
      }
      %scan3A_246 = arith.constant 16 : i32
      %broadcast_in_dim3A_247 = arith.constant true
      %broadcast_in_dim3A_248 = vector.broadcast %broadcast_in_dim3A_247 : i1 to vector<16xi1>
      %masked_cumsum3A = tpu.scan <sum>, %scan3A_245#0 masked %broadcast_in_dim3A_248 : vector<16xi32>, vector<16xi1> -> vector<16xi32>
      %sub3A = arith.subi %masked_cumsum3A, %scan3A_245#0 : vector<16xi32>
      %add3A_249 = arith.addi %sub3A, %scan3A_245#1 : vector<16xi32>
      %add3A_250 = vector.broadcast %scan3A_240 : i32 to vector<16xi32>
      %add3A_251 = arith.addi %add3A_249, %add3A_250 : vector<16xi32>
      %mul3A_252 = arith.constant 16 : i32
      %mul3A_253 = arith.muli %scan3A_239, %mul3A_252 : i32
      %swap3A_254 = arith.index_cast %mul3A_253 : i32 to index
      %swap3A_255 = tpu.vector_load %arg21[%swap3A_254] {strides = array<i32>} : memref<256xi32, #tpu.memory_space<vmem>>, vector<16xi32>,
      tpu.vector_store %arg21[%swap3A_254], %add3A_251 {strides = array<i32>} : memref<256xi32, #tpu.memory_space<vmem>>, vector<16xi32>,
      %reduce_sum3A = arith.constant true
      %reduce_sum3A_256 = vector.broadcast %reduce_sum3A : i1 to vector<16xi1>
      %reduce_sum3A_257 = tpu.scan <sum>, %scan3A_245#0 masked %reduce_sum3A_256 : vector<16xi32>, vector<16xi1> -> vector<16xi32>
      %reduce_sum3A_258 = vector.extract %reduce_sum3A_257[15] : i32 from vector<16xi32>
      %add3A_259 = arith.addi %scan3A_240, %reduce_sum3A_258 : i32
      scf.yield %add3A_259 : i32
    }
    %scan3A_179 = arith.constant 16 : i32
    %scan3A_180 = arith.constant 0 : i32
    %scan3A_181 = arith.constant 0 : i32
    %scan3A_182 = arith.constant 16 : i32
    %scan3A_183 = arith.addi %scan3A_181, %scan3A_182 : i32
    %scan3A_184 = arith.constant 1 : i32
    %scan3A_185 = scf.for %scan3A_239 = %scan3A_181 to %scan3A_183 step %scan3A_184 iter_args(%scan3A_240 = %scan3A_180) -> (i32)  : i32 {
      %mul3A_241 = arith.constant 16 : i32
      %mul3A_242 = arith.muli %scan3A_239, %mul3A_241 : i32
      %get3A = arith.index_cast %mul3A_242 : i32 to index
      %get3A_243 = tpu.vector_load %arg21[%get3A] {strides = array<i32>} : memref<256xi32, #tpu.memory_space<vmem>>, vector<16xi32>,
      %scan3A_244 = arith.constant 0 : i32
      %scan3A_245 = arith.constant 16 : i32
      %scan3A_246 = arith.addi %scan3A_244, %scan3A_245 : i32
      %scan3A_247 = arith.constant 1 : i32
      %scan3A_248 = scf.for %scan3A_251 = %scan3A_244 to %scan3A_246 step %scan3A_247 iter_args(%scan3A_252 = %broadcast_in_dim3A_3) -> (vector<16xi32>)  : i32 {
        %add3A_253 = arith.addi %get3A_243, %scan3A_252 : vector<16xi32>
        %mul3A_254 = arith.constant 256 : i32
        %mul3A_255 = arith.muli %scan3A_251, %mul3A_254 : i32
        %mul3A_256 = arith.constant 16 : i32
        %mul3A_257 = arith.muli %scan3A_239, %mul3A_256 : i32
        %add3A_258 = arith.addi %mul3A_255, %mul3A_257 : i32
        %swap3A_259 = arith.index_cast %add3A_258 : i32 to index
        %swap3A_260 = tpu.vector_load %arg18[%swap3A_259] {strides = array<i32>} : memref<4096xi32, #tpu.memory_space<vmem>>, vector<16xi32>,
        tpu.vector_store %arg18[%swap3A_259], %add3A_253 {strides = array<i32>} : memref<4096xi32, #tpu.memory_space<vmem>>, vector<16xi32>,
        %mul3A_261 = arith.constant 256 : i32
        %mul3A_262 = arith.muli %scan3A_251, %mul3A_261 : i32
        %mul3A_263 = arith.constant 16 : i32
        %mul3A_264 = arith.muli %scan3A_239, %mul3A_263 : i32
        %add3A_265 = arith.addi %mul3A_262, %mul3A_264 : i32
        %get3A_266 = arith.index_cast %add3A_265 : i32 to index
        %get3A_267 = tpu.vector_load %arg17[%get3A_266] {strides = array<i32>} : memref<4096xi32, #tpu.memory_space<vmem>>, vector<16xi32>,
        %add3A_268 = arith.addi %scan3A_252, %get3A_267 : vector<16xi32>
        scf.yield %add3A_268 : vector<16xi32>
      }
      %scan3A_249 = arith.constant 16 : i32
      %scan3A_250 = arith.constant 0 : i32
      scf.yield %scan3A_250 : i32
    }
    %scan3A_186 = arith.constant 16 : i32
    %scan3A_187 = arith.constant 0 : i32
    %scan3A_188 = arith.constant 0 : i32
    %scan3A_189 = arith.constant 64 : i32
    %scan3A_190 = arith.addi %scan3A_188, %scan3A_189 : i32
    %scan3A_191 = arith.constant 1 : i32
    %scan3A_192 = scf.for %scan3A_239 = %scan3A_188 to %scan3A_190 step %scan3A_191 iter_args(%scan3A_240 = %scan3A_187) -> (i32)  : i32 {
      %mul3A_241 = arith.constant 64 : i32
      %mul3A_242 = vector.broadcast %mul3A_241 : i32 to vector<16xi32>
      %mul3A_243 = arith.muli %iota3A, %mul3A_242 : vector<16xi32>
      %add3A_244 = vector.broadcast %scan3A_239 : i32 to vector<16xi32>
      %add3A_245 = arith.addi %mul3A_243, %add3A_244 : vector<16xi32>
      %gather3A = tpu.vector_load_idx %arg14[%add3A_245] : memref<1024xi32, #tpu.memory_space<vmem>>[vector<16xi32>], vector<16xi32>,
      %shift_right_logical3A = arith.constant 24 : i32
      %shift_right_logical3A_246 = vector.broadcast %shift_right_logical3A : i32 to vector<16xi32>
      %shift_right_logical3A_247 = arith.shrui %gather3A, %shift_right_logical3A_246 : vector<16xi32>
      %and3A = arith.constant 255 : i32
      %and3A_248 = vector.broadcast %and3A : i32 to vector<16xi32>
      %and3A_249 = arith.andi %shift_right_logical3A_247, %and3A_248 : vector<16xi32>
      %mul3A_250 = arith.constant 256 : i32
      %mul3A_251 = vector.broadcast %mul3A_250 : i32 to vector<16xi32>
      %mul3A_252 = arith.muli %iota3A, %mul3A_251 : vector<16xi32>
      %add3A_253 = arith.addi %mul3A_252, %and3A_249 : vector<16xi32>
      %gather3A_254 = tpu.vector_load_idx %arg18[%add3A_253] : memref<4096xi32, #tpu.memory_space<vmem>>[vector<16xi32>], vector<16xi32>,
      tpu.vector_store_idx %arg18[%add3A_253], %broadcast_in_dim3A_5 {add = true} : memref<4096xi32, #tpu.memory_space<vmem>>[vector<16xi32>], vector<16xi32>,
      tpu.vector_store_idx %arg16[%add3A_245], %gather3A_254 : memref<1024xi32, #tpu.memory_space<vmem>>[vector<16xi32>], vector<16xi32>,
      %scan3A_255 = arith.constant 0 : i32
      scf.yield %scan3A_255 : i32
    }
    %scan3A_193 = arith.constant 64 : i32
    "tpu.region"() ({
      %run_scoped3A = tpu.sem_alloc : memref<!tpu.dma_semaphore, #tpu.memory_space<semaphore_mem>>
      %dma_start3A = arith.constant 0 : i32
      %dma_start3A_239 = tpu.memref_slice %arg6[%dma_start3A] : memref<16384xi32, #tpu.memory_space<vmem_shared>> -> memref<16384xi32, #tpu.memory_space<vmem_shared>>
      tpu.enqueue_indirect_dma source(%arg14 : memref<1024xi32, #tpu.memory_space<vmem>>) target(%dma_start3A_239 : memref<16384xi32, #tpu.memory_space<vmem_shared>>) offsets(%arg16 : memref<1024xi32, #tpu.memory_space<vmem>>) semaphore(%run_scoped3A : memref<!tpu.dma_semaphore, #tpu.memory_space<semaphore_mem>>)
      %dma_wait3A = arith.constant 0 : i32
      %dma_wait3A_240 = tpu.memref_slice %arg6[%dma_wait3A] : memref<16384xi32, #tpu.memory_space<vmem_shared>> -> memref<16384xi32, #tpu.memory_space<vmem_shared>>
      tpu.wait_indirect_dma semaphore(%run_scoped3A : memref<!tpu.dma_semaphore, #tpu.memory_space<semaphore_mem>>) src(%arg14 : memref<1024xi32, #tpu.memory_space<vmem>>) dst(%dma_wait3A_240 : memref<16384xi32, #tpu.memory_space<vmem_shared>>)
      tpu.yield
    }) : () -> ()
    "tpu.region"() ({
      %run_scoped3A = tpu.sem_alloc : memref<!tpu.dma_semaphore, #tpu.memory_space<semaphore_mem>>
      %dma_start3A = arith.constant 0 : i32
      %dma_start3A_239 = tpu.memref_slice %arg8[%dma_start3A] : memref<16384xf32, #tpu.memory_space<vmem_shared>> -> memref<16384xf32, #tpu.memory_space<vmem_shared>>
      tpu.enqueue_indirect_dma source(%arg15 : memref<1024xf32, #tpu.memory_space<vmem>>) target(%dma_start3A_239 : memref<16384xf32, #tpu.memory_space<vmem_shared>>) offsets(%arg16 : memref<1024xi32, #tpu.memory_space<vmem>>) semaphore(%run_scoped3A : memref<!tpu.dma_semaphore, #tpu.memory_space<semaphore_mem>>)
      %dma_wait3A = arith.constant 0 : i32
      %dma_wait3A_240 = tpu.memref_slice %arg8[%dma_wait3A] : memref<16384xf32, #tpu.memory_space<vmem_shared>> -> memref<16384xf32, #tpu.memory_space<vmem_shared>>
      tpu.wait_indirect_dma semaphore(%run_scoped3A : memref<!tpu.dma_semaphore, #tpu.memory_space<semaphore_mem>>) src(%arg15 : memref<1024xf32, #tpu.memory_space<vmem>>) dst(%dma_wait3A_240 : memref<16384xf32, #tpu.memory_space<vmem_shared>>)
      tpu.yield
    }) : () -> ()
    %barrier3A_194 = arith.constant 0 : index
    tpu.barrier barrier_id(%barrier3A_194)
    "tpu.region"() ({
      %run_scoped3A = tpu.sem_alloc : memref<!tpu.dma_semaphore, #tpu.memory_space<semaphore_mem>>
      %dma_start3A = tpu.memref_slice %arg8[%mul3A_2] : memref<16384xf32, #tpu.memory_space<vmem_shared>> -> memref<1024xf32, #tpu.memory_space<vmem_shared>>
      %dma_start3A_239 = tpu.memref_slice %arg8[%mul3A_2] : memref<16384xf32, #tpu.memory_space<vmem_shared>> -> memref<1024xf32, #tpu.memory_space<vmem_shared>>
      tpu.enqueue_dma source(%dma_start3A_239 : memref<1024xf32, #tpu.memory_space<vmem_shared>>) target(%arg15 : memref<1024xf32, #tpu.memory_space<vmem>>) target_semaphore(%run_scoped3A : memref<!tpu.dma_semaphore, #tpu.memory_space<semaphore_mem>>)
      %dma_wait3A = tpu.memref_slice %arg8[%mul3A_2] : memref<16384xf32, #tpu.memory_space<vmem_shared>> -> memref<1024xf32, #tpu.memory_space<vmem_shared>>
      %dma_wait3A_240 = tpu.memref_slice %arg8[%mul3A_2] : memref<16384xf32, #tpu.memory_space<vmem_shared>> -> memref<1024xf32, #tpu.memory_space<vmem_shared>>
      tpu.wait_dma2 semaphore(%run_scoped3A : memref<!tpu.dma_semaphore, #tpu.memory_space<semaphore_mem>>) src(%dma_wait3A_240 : memref<1024xf32, #tpu.memory_space<vmem_shared>>) dst(%arg15 : memref<1024xf32, #tpu.memory_space<vmem>>)
      tpu.yield
    }) : () -> ()
    "tpu.region"() ({
      %run_scoped3A = tpu.sem_alloc : memref<!tpu.dma_semaphore, #tpu.memory_space<semaphore_mem>>
      %dma_start3A = tpu.memref_slice %arg4[%mul3A_2] : memref<16384xi32, #tpu.memory_space<hbm>> -> memref<1024xi32, #tpu.memory_space<hbm>>
      %dma_start3A_239 = tpu.memref_slice %arg4[%mul3A_2] : memref<16384xi32, #tpu.memory_space<hbm>> -> memref<1024xi32, #tpu.memory_space<hbm>>
      tpu.enqueue_dma source(%dma_start3A_239 : memref<1024xi32, #tpu.memory_space<hbm>>) target(%arg23 : memref<1024xi32, #tpu.memory_space<vmem>>) target_semaphore(%run_scoped3A : memref<!tpu.dma_semaphore, #tpu.memory_space<semaphore_mem>>)
      %dma_wait3A = tpu.memref_slice %arg4[%mul3A_2] : memref<16384xi32, #tpu.memory_space<hbm>> -> memref<1024xi32, #tpu.memory_space<hbm>>
      %dma_wait3A_240 = tpu.memref_slice %arg4[%mul3A_2] : memref<16384xi32, #tpu.memory_space<hbm>> -> memref<1024xi32, #tpu.memory_space<hbm>>
      tpu.wait_dma2 semaphore(%run_scoped3A : memref<!tpu.dma_semaphore, #tpu.memory_space<semaphore_mem>>) src(%dma_wait3A_240 : memref<1024xi32, #tpu.memory_space<hbm>>) dst(%arg23 : memref<1024xi32, #tpu.memory_space<vmem>>)
      tpu.yield
    }) : () -> ()
    %scan3A_195 = arith.constant 0.000000e+00 : f32
    %scan3A_196 = arith.constant 0 : i32
    %scan3A_197 = arith.constant 64 : i32
    %scan3A_198 = arith.addi %scan3A_196, %scan3A_197 : i32
    %scan3A_199 = arith.constant 1 : i32
    %scan3A_200 = scf.for %scan3A_239 = %scan3A_196 to %scan3A_198 step %scan3A_199 iter_args(%scan3A_240 = %scan3A_195) -> (f32)  : i32 {
      %mul3A_241 = arith.constant 16 : i32
      %mul3A_242 = arith.muli %scan3A_239, %mul3A_241 : i32
      %get3A = arith.index_cast %mul3A_242 : i32 to index
      %get3A_243 = tpu.vector_load %arg15[%get3A] {strides = array<i32>} : memref<1024xf32, #tpu.memory_space<vmem>>, vector<16xf32>,
      %exp3A = math.exp %get3A_243 : vector<16xf32>
      %broadcast_in_dim3A_244 = arith.constant true
      %broadcast_in_dim3A_245 = vector.broadcast %broadcast_in_dim3A_244 : i1 to vector<16xi1>
      %masked_cumsum3A = tpu.scan <sum>, %exp3A masked %broadcast_in_dim3A_245 : vector<16xf32>, vector<16xi1> -> vector<16xf32>
      %add3A_246 = vector.broadcast %scan3A_240 : f32 to vector<16xf32>
      %add3A_247 = arith.addf %masked_cumsum3A, %add3A_246 : vector<16xf32>
      %mul3A_248 = arith.constant 16 : i32
      %mul3A_249 = arith.muli %scan3A_239, %mul3A_248 : i32
      %swap3A_250 = arith.index_cast %mul3A_249 : i32 to index
      %swap3A_251 = tpu.vector_load %arg22[%swap3A_250] {strides = array<i32>} : memref<1024xf32, #tpu.memory_space<vmem>>, vector<16xf32>,
      tpu.vector_store %arg22[%swap3A_250], %add3A_247 {strides = array<i32>} : memref<1024xf32, #tpu.memory_space<vmem>>, vector<16xf32>,
      %reduce_sum3A = arith.constant true
      %reduce_sum3A_252 = vector.broadcast %reduce_sum3A : i1 to vector<16xi1>
      %reduce_sum3A_253 = tpu.scan <sum>, %exp3A masked %reduce_sum3A_252 : vector<16xf32>, vector<16xi1> -> vector<16xf32>
      %reduce_sum3A_254 = vector.extract %reduce_sum3A_253[15] : f32 from vector<16xf32>
      %add3A_255 = arith.addf %scan3A_240, %reduce_sum3A_254 : f32
      scf.yield %add3A_255 : f32
    }
    %scan3A_201 = arith.constant 64 : i32
    %broadcast_in_dim3A_202 = arith.constant 0.000000e+00 : f32
    %broadcast_in_dim3A_203 = vector.broadcast %broadcast_in_dim3A_202 : f32 to vector<16xf32>
    %add3A_204 = vector.broadcast %scan3A_200 : f32 to vector<16xf32>
    %add3A_205 = arith.addf %broadcast_in_dim3A_203, %add3A_204 : vector<16xf32>
    %swap3A = arith.constant 0 : index
    %swap3A_206 = tpu.vector_load %arg25[%swap3A] {strides = array<i32>} : memref<16xf32, #tpu.memory_space<vmem>>, vector<16xf32>,
    tpu.vector_store %arg25[%swap3A], %add3A_205 {strides = array<i32>} : memref<16xf32, #tpu.memory_space<vmem>>, vector<16xf32>,
    %mul3A_207 = arith.constant 16 : i32
    %mul3A_208 = arith.muli %add3A, %mul3A_207 : i32
    "tpu.region"() ({
      %run_scoped3A = tpu.sem_alloc : memref<!tpu.dma_semaphore, #tpu.memory_space<semaphore_mem>>
      %dma_start3A = tpu.memref_slice %arg11[%mul3A_208] : memref<256xf32, #tpu.memory_space<vmem_shared>> -> memref<16xf32, #tpu.memory_space<vmem_shared>>
      %dma_start3A_239 = tpu.memref_slice %arg11[%mul3A_208] : memref<256xf32, #tpu.memory_space<vmem_shared>> -> memref<16xf32, #tpu.memory_space<vmem_shared>>
      tpu.enqueue_dma source(%arg25 : memref<16xf32, #tpu.memory_space<vmem>>) target(%dma_start3A_239 : memref<16xf32, #tpu.memory_space<vmem_shared>>) target_semaphore(%run_scoped3A : memref<!tpu.dma_semaphore, #tpu.memory_space<semaphore_mem>>)
      %dma_wait3A = tpu.memref_slice %arg11[%mul3A_208] : memref<256xf32, #tpu.memory_space<vmem_shared>> -> memref<16xf32, #tpu.memory_space<vmem_shared>>
      %dma_wait3A_240 = tpu.memref_slice %arg11[%mul3A_208] : memref<256xf32, #tpu.memory_space<vmem_shared>> -> memref<16xf32, #tpu.memory_space<vmem_shared>>
      tpu.wait_dma2 semaphore(%run_scoped3A : memref<!tpu.dma_semaphore, #tpu.memory_space<semaphore_mem>>) src(%arg25 : memref<16xf32, #tpu.memory_space<vmem>>) dst(%dma_wait3A_240 : memref<16xf32, #tpu.memory_space<vmem_shared>>)
      tpu.yield
    }) : () -> ()
    %barrier3A_209 = arith.constant 0 : index
    tpu.barrier barrier_id(%barrier3A_209)
    "tpu.region"() ({
      %run_scoped3A = tpu.sem_alloc : memref<!tpu.dma_semaphore, #tpu.memory_space<semaphore_mem>>
      tpu.enqueue_dma source(%arg11 : memref<256xf32, #tpu.memory_space<vmem_shared>>) target(%arg24 : memref<256xf32, #tpu.memory_space<vmem>>) target_semaphore(%run_scoped3A : memref<!tpu.dma_semaphore, #tpu.memory_space<semaphore_mem>>)
      tpu.wait_dma2 semaphore(%run_scoped3A : memref<!tpu.dma_semaphore, #tpu.memory_space<semaphore_mem>>) src(%arg11 : memref<256xf32, #tpu.memory_space<vmem_shared>>) dst(%arg24 : memref<256xf32, #tpu.memory_space<vmem>>)
      tpu.yield
    }) : () -> ()
    %broadcast_in_dim3A_210 = arith.constant 0.000000e+00 : f32
    %broadcast_in_dim3A_211 = vector.broadcast %broadcast_in_dim3A_210 : f32 to vector<16xf32>
    %scan3A_212 = arith.constant 0 : i32
    %scan3A_213 = arith.constant 16 : i32
    %scan3A_214 = arith.addi %scan3A_212, %scan3A_213 : i32
    %scan3A_215 = arith.constant 1 : i32
    %scan3A_216 = scf.for %scan3A_239 = %scan3A_212 to %scan3A_214 step %scan3A_215 iter_args(%scan3A_240 = %broadcast_in_dim3A_211) -> (vector<16xf32>)  : i32 {
      %mul3A_241 = arith.constant 16 : i32
      %mul3A_242 = arith.muli %scan3A_239, %mul3A_241 : i32
      %get3A = arith.index_cast %mul3A_242 : i32 to index
      %get3A_243 = tpu.vector_load %arg24[%get3A] {strides = array<i32>} : memref<256xf32, #tpu.memory_space<vmem>>, vector<16xf32>,
      %lt3A = arith.cmpi slt, %scan3A_239, %add3A : i32
      %convert_element_type3A_244 = arith.extui %lt3A : i1 to i32
      %convert_element_type3A_245 = arith.sitofp %convert_element_type3A_244 : i32 to f32
      %mul3A_246 = vector.broadcast %convert_element_type3A_245 : f32 to vector<16xf32>
      %mul3A_247 = arith.mulf %get3A_243, %mul3A_246 : vector<16xf32>
      %add3A_248 = arith.addf %scan3A_240, %mul3A_247 : vector<16xf32>
      scf.yield %add3A_248 : vector<16xf32>
    }
    %scan3A_217 = arith.constant 16 : i32
    %broadcast_in_dim3A_218 = arith.constant 0.000000e+00 : f32
    %broadcast_in_dim3A_219 = vector.broadcast %broadcast_in_dim3A_218 : f32 to vector<16xf32>
    %broadcast_in_dim3A_220 = arith.constant 0.000000e+00 : f32
    %broadcast_in_dim3A_221 = vector.broadcast %broadcast_in_dim3A_220 : f32 to vector<16xf32>
    %scan3A_222 = arith.constant 0 : i32
    %scan3A_223 = arith.constant 64 : i32
    %scan3A_224 = arith.addi %scan3A_222, %scan3A_223 : i32
    %scan3A_225 = arith.constant 1 : i32
    %scan3A_226:2 = scf.for %scan3A_239 = %scan3A_222 to %scan3A_224 step %scan3A_225 iter_args(%scan3A_240 = %broadcast_in_dim3A_219, %scan3A_241 = %broadcast_in_dim3A_221) -> (vector<16xf32>, vector<16xf32>)  : i32 {
      %mul3A_242 = arith.constant 16 : i32
      %mul3A_243 = arith.muli %scan3A_239, %mul3A_242 : i32
      %get3A = arith.index_cast %mul3A_243 : i32 to index
      %get3A_244 = tpu.vector_load %arg22[%get3A] {strides = array<i32>} : memref<1024xf32, #tpu.memory_space<vmem>>, vector<16xf32>,
      %add3A_245 = arith.addf %get3A_244, %scan3A_216 : vector<16xf32>
      %add3A_246 = arith.constant 9.99999993E-9 : f32
      %add3A_247 = vector.broadcast %add3A_246 : f32 to vector<16xf32>
      %add3A_248 = arith.addf %add3A_245, %add3A_247 : vector<16xf32>
      %bitcast3A = vector.bitcast %add3A_248 : vector<16xf32> to vector<16xi32>
      %shift_right_logical3A = arith.constant 23 : i32
      %shift_right_logical3A_249 = vector.broadcast %shift_right_logical3A : i32 to vector<16xi32>
      %shift_right_logical3A_250 = arith.shrui %bitcast3A, %shift_right_logical3A_249 : vector<16xi32>
      %sub3A = arith.constant 127 : i32
      %sub3A_251 = vector.broadcast %sub3A : i32 to vector<16xi32>
      %sub3A_252 = arith.subi %shift_right_logical3A_250, %sub3A_251 : vector<16xi32>
      %and3A = arith.constant 8388607 : i32
      %and3A_253 = vector.broadcast %and3A : i32 to vector<16xi32>
      %and3A_254 = arith.andi %bitcast3A, %and3A_253 : vector<16xi32>
      %or3A = arith.constant 1065353216 : i32
      %or3A_255 = vector.broadcast %or3A : i32 to vector<16xi32>
      %or3A_256 = arith.ori %and3A_254, %or3A_255 : vector<16xi32>
      %bitcast3A_257 = vector.bitcast %or3A_256 : vector<16xi32> to vector<16xf32>
      %gt3A = arith.constant 1.41421354 : f32
      %gt3A_258 = vector.broadcast %gt3A : f32 to vector<16xf32>
      %gt3A_259 = arith.cmpf ogt, %bitcast3A_257, %gt3A_258 : vector<16xf32>
      %mul3A_260 = arith.constant 5.000000e-01 : f32
      %mul3A_261 = vector.broadcast %mul3A_260 : f32 to vector<16xf32>
      %mul3A_262 = arith.mulf %bitcast3A_257, %mul3A_261 : vector<16xf32>
      %select_n3A = arith.select %gt3A_259, %mul3A_262, %bitcast3A_257 : vector<16xi1>, vector<16xf32>
      %convert_element_type3A_263 = arith.extui %gt3A_259 : vector<16xi1> to vector<16xi32>
      %add3A_264 = arith.addi %sub3A_252, %convert_element_type3A_263 : vector<16xi32>
      %convert_element_type3A_265 = arith.sitofp %add3A_264 : vector<16xi32> to vector<16xf32>
      %sub3A_266 = arith.constant 1.000000e+00 : f32
      %sub3A_267 = vector.broadcast %sub3A_266 : f32 to vector<16xf32>
      %sub3A_268 = arith.subf %select_n3A, %sub3A_267 : vector<16xf32>
      %add3A_269 = arith.constant 1.000000e+00 : f32
      %add3A_270 = vector.broadcast %add3A_269 : f32 to vector<16xf32>
      %add3A_271 = arith.addf %select_n3A, %add3A_270 : vector<16xf32>
      %div3A = arith.divf %sub3A_268, %add3A_271 : vector<16xf32>
      %mul3A_272 = arith.mulf %div3A, %div3A : vector<16xf32>
      %mul3A_273 = arith.constant 0.222222224 : f32
      %mul3A_274 = vector.broadcast %mul3A_273 : f32 to vector<16xf32>
      %mul3A_275 = arith.mulf %mul3A_272, %mul3A_274 : vector<16xf32>
      %add3A_276 = arith.constant 0.285714298 : f32
      %add3A_277 = vector.broadcast %add3A_276 : f32 to vector<16xf32>
      %add3A_278 = arith.addf %add3A_277, %mul3A_275 : vector<16xf32>
      %mul3A_279 = arith.mulf %mul3A_272, %add3A_278 : vector<16xf32>
      %add3A_280 = arith.constant 4.000000e-01 : f32
      %add3A_281 = vector.broadcast %add3A_280 : f32 to vector<16xf32>
      %add3A_282 = arith.addf %add3A_281, %mul3A_279 : vector<16xf32>
      %mul3A_283 = arith.mulf %mul3A_272, %add3A_282 : vector<16xf32>
      %add3A_284 = arith.constant 0.666666686 : f32
      %add3A_285 = vector.broadcast %add3A_284 : f32 to vector<16xf32>
      %add3A_286 = arith.addf %add3A_285, %mul3A_283 : vector<16xf32>
      %mul3A_287 = arith.mulf %mul3A_272, %add3A_286 : vector<16xf32>
      %add3A_288 = arith.constant 2.000000e+00 : f32
      %add3A_289 = vector.broadcast %add3A_288 : f32 to vector<16xf32>
      %add3A_290 = arith.addf %add3A_289, %mul3A_287 : vector<16xf32>
      %mul3A_291 = arith.constant 0.693147182 : f32
      %mul3A_292 = vector.broadcast %mul3A_291 : f32 to vector<16xf32>
      %mul3A_293 = arith.mulf %convert_element_type3A_265, %mul3A_292 : vector<16xf32>
      %mul3A_294 = arith.mulf %div3A, %add3A_290 : vector<16xf32>
      %add3A_295 = arith.addf %mul3A_293, %mul3A_294 : vector<16xf32>
      %mul3A_296 = arith.constant 16 : i32
      %mul3A_297 = arith.muli %scan3A_239, %mul3A_296 : i32
      %get3A_298 = arith.index_cast %mul3A_297 : i32 to index
      %get3A_299 = tpu.vector_load %arg23[%get3A_298] {strides = array<i32>} : memref<1024xi32, #tpu.memory_space<vmem>>, vector<16xi32>,
      %convert_element_type3A_300 = arith.sitofp %get3A_299 : vector<16xi32> to vector<16xf32>
      %mul3A_301 = arith.constant 16 : i32
      %mul3A_302 = arith.muli %scan3A_239, %mul3A_301 : i32
      %get3A_303 = arith.index_cast %mul3A_302 : i32 to index
      %get3A_304 = tpu.vector_load %arg15[%get3A_303] {strides = array<i32>} : memref<1024xf32, #tpu.memory_space<vmem>>, vector<16xf32>,
      %sub3A_305 = arith.subf %get3A_304, %add3A_295 : vector<16xf32>
      %mul3A_306 = arith.mulf %convert_element_type3A_300, %sub3A_305 : vector<16xf32>
      %add3A_307 = arith.addf %scan3A_240, %mul3A_306 : vector<16xf32>
      %add3A_308 = arith.addf %scan3A_241, %convert_element_type3A_300 : vector<16xf32>
      scf.yield %add3A_307, %add3A_308 : vector<16xf32>, vector<16xf32>
    }
    %scan3A_227 = arith.constant 64 : i32
    %swap3A_228 = arith.constant 0 : index
    %swap3A_229 = tpu.vector_load %arg25[%swap3A_228] {strides = array<i32>} : memref<16xf32, #tpu.memory_space<vmem>>, vector<16xf32>,
    tpu.vector_store %arg25[%swap3A_228], %scan3A_226#0 {strides = array<i32>} : memref<16xf32, #tpu.memory_space<vmem>>, vector<16xf32>,
    %mul3A_230 = arith.constant 16 : i32
    %mul3A_231 = arith.muli %add3A, %mul3A_230 : i32
    "tpu.region"() ({
      %run_scoped3A = tpu.sem_alloc : memref<!tpu.dma_semaphore, #tpu.memory_space<semaphore_mem>>
      %dma_start3A = tpu.memref_slice %arg12[%mul3A_231] : memref<256xf32, #tpu.memory_space<vmem_shared>> -> memref<16xf32, #tpu.memory_space<vmem_shared>>
      %dma_start3A_239 = tpu.memref_slice %arg12[%mul3A_231] : memref<256xf32, #tpu.memory_space<vmem_shared>> -> memref<16xf32, #tpu.memory_space<vmem_shared>>
      tpu.enqueue_dma source(%arg25 : memref<16xf32, #tpu.memory_space<vmem>>) target(%dma_start3A_239 : memref<16xf32, #tpu.memory_space<vmem_shared>>) target_semaphore(%run_scoped3A : memref<!tpu.dma_semaphore, #tpu.memory_space<semaphore_mem>>)
      %dma_wait3A = tpu.memref_slice %arg12[%mul3A_231] : memref<256xf32, #tpu.memory_space<vmem_shared>> -> memref<16xf32, #tpu.memory_space<vmem_shared>>
      %dma_wait3A_240 = tpu.memref_slice %arg12[%mul3A_231] : memref<256xf32, #tpu.memory_space<vmem_shared>> -> memref<16xf32, #tpu.memory_space<vmem_shared>>
      tpu.wait_dma2 semaphore(%run_scoped3A : memref<!tpu.dma_semaphore, #tpu.memory_space<semaphore_mem>>) src(%arg25 : memref<16xf32, #tpu.memory_space<vmem>>) dst(%dma_wait3A_240 : memref<16xf32, #tpu.memory_space<vmem_shared>>)
      tpu.yield
    }) : () -> ()
    %swap3A_232 = arith.constant 0 : index
    %swap3A_233 = tpu.vector_load %arg25[%swap3A_232] {strides = array<i32>} : memref<16xf32, #tpu.memory_space<vmem>>, vector<16xf32>,
    tpu.vector_store %arg25[%swap3A_232], %scan3A_226#1 {strides = array<i32>} : memref<16xf32, #tpu.memory_space<vmem>>, vector<16xf32>,
    %mul3A_234 = arith.constant 16 : i32
    %mul3A_235 = arith.muli %add3A, %mul3A_234 : i32
    "tpu.region"() ({
      %run_scoped3A = tpu.sem_alloc : memref<!tpu.dma_semaphore, #tpu.memory_space<semaphore_mem>>
      %dma_start3A = tpu.memref_slice %arg13[%mul3A_235] : memref<256xf32, #tpu.memory_space<vmem_shared>> -> memref<16xf32, #tpu.memory_space<vmem_shared>>
      %dma_start3A_239 = tpu.memref_slice %arg13[%mul3A_235] : memref<256xf32, #tpu.memory_space<vmem_shared>> -> memref<16xf32, #tpu.memory_space<vmem_shared>>
      tpu.enqueue_dma source(%arg25 : memref<16xf32, #tpu.memory_space<vmem>>) target(%dma_start3A_239 : memref<16xf32, #tpu.memory_space<vmem_shared>>) target_semaphore(%run_scoped3A : memref<!tpu.dma_semaphore, #tpu.memory_space<semaphore_mem>>)
      %dma_wait3A = tpu.memref_slice %arg13[%mul3A_235] : memref<256xf32, #tpu.memory_space<vmem_shared>> -> memref<16xf32, #tpu.memory_space<vmem_shared>>
      %dma_wait3A_240 = tpu.memref_slice %arg13[%mul3A_235] : memref<256xf32, #tpu.memory_space<vmem_shared>> -> memref<16xf32, #tpu.memory_space<vmem_shared>>
      tpu.wait_dma2 semaphore(%run_scoped3A : memref<!tpu.dma_semaphore, #tpu.memory_space<semaphore_mem>>) src(%arg25 : memref<16xf32, #tpu.memory_space<vmem>>) dst(%dma_wait3A_240 : memref<16xf32, #tpu.memory_space<vmem_shared>>)
      tpu.yield
    }) : () -> ()
    %barrier3A_236 = arith.constant 0 : index
    tpu.barrier barrier_id(%barrier3A_236)
    %eq3A = arith.constant 0 : i32
    %eq3A_237 = arith.cmpi eq, %add3A, %eq3A : i32
    %convert_element_type3A = arith.extui %eq3A_237 : i1 to i32
    %cond3A = arith.constant 0 : i32
    %cond3A_238 = arith.cmpi ne, %convert_element_type3A, %cond3A : i32
    scf.if %cond3A_238 {
      "tpu.region"() ({
        %run_scoped3A = tpu.sem_alloc : memref<!tpu.dma_semaphore, #tpu.memory_space<semaphore_mem>>
        tpu.enqueue_dma source(%arg12 : memref<256xf32, #tpu.memory_space<vmem_shared>>) target(%arg24 : memref<256xf32, #tpu.memory_space<vmem>>) target_semaphore(%run_scoped3A : memref<!tpu.dma_semaphore, #tpu.memory_space<semaphore_mem>>)
        tpu.wait_dma2 semaphore(%run_scoped3A : memref<!tpu.dma_semaphore, #tpu.memory_space<semaphore_mem>>) src(%arg12 : memref<256xf32, #tpu.memory_space<vmem_shared>>) dst(%arg24 : memref<256xf32, #tpu.memory_space<vmem>>)
        tpu.yield
      }) : () -> ()
      %broadcast_in_dim3A_239 = arith.constant 0.000000e+00 : f32
      %broadcast_in_dim3A_240 = vector.broadcast %broadcast_in_dim3A_239 : f32 to vector<16xf32>
      %scan3A_241 = arith.constant 0 : i32
      %scan3A_242 = arith.constant 16 : i32
      %scan3A_243 = arith.addi %scan3A_241, %scan3A_242 : i32
      %scan3A_244 = arith.constant 1 : i32
      %scan3A_245 = scf.for %scan3A_273 = %scan3A_241 to %scan3A_243 step %scan3A_244 iter_args(%scan3A_274 = %broadcast_in_dim3A_240) -> (vector<16xf32>)  : i32 {
        %mul3A_275 = arith.constant 16 : i32
        %mul3A_276 = arith.muli %scan3A_273, %mul3A_275 : i32
        %get3A = arith.index_cast %mul3A_276 : i32 to index
        %get3A_277 = tpu.vector_load %arg24[%get3A] {strides = array<i32>} : memref<256xf32, #tpu.memory_space<vmem>>, vector<16xf32>,
        %add3A_278 = arith.addf %scan3A_274, %get3A_277 : vector<16xf32>
        scf.yield %add3A_278 : vector<16xf32>
      }
      %scan3A_246 = arith.constant 16 : i32
      %reduce_sum3A = arith.constant true
      %reduce_sum3A_247 = vector.broadcast %reduce_sum3A : i1 to vector<16xi1>
      %reduce_sum3A_248 = tpu.scan <sum>, %scan3A_245 masked %reduce_sum3A_247 : vector<16xf32>, vector<16xi1> -> vector<16xf32>
      %reduce_sum3A_249 = vector.extract %reduce_sum3A_248[15] : f32 from vector<16xf32>
      %add3A_250 = vector.broadcast %reduce_sum3A_249 : f32 to vector<16xf32>
      %add3A_251 = arith.addf %broadcast_in_dim3A_240, %add3A_250 : vector<16xf32>
      "tpu.region"() ({
        %run_scoped3A = tpu.sem_alloc : memref<!tpu.dma_semaphore, #tpu.memory_space<semaphore_mem>>
        tpu.enqueue_dma source(%arg13 : memref<256xf32, #tpu.memory_space<vmem_shared>>) target(%arg24 : memref<256xf32, #tpu.memory_space<vmem>>) target_semaphore(%run_scoped3A : memref<!tpu.dma_semaphore, #tpu.memory_space<semaphore_mem>>)
        tpu.wait_dma2 semaphore(%run_scoped3A : memref<!tpu.dma_semaphore, #tpu.memory_space<semaphore_mem>>) src(%arg13 : memref<256xf32, #tpu.memory_space<vmem_shared>>) dst(%arg24 : memref<256xf32, #tpu.memory_space<vmem>>)
        tpu.yield
      }) : () -> ()
      %scan3A_252 = arith.constant 0 : i32
      %scan3A_253 = arith.constant 16 : i32
      %scan3A_254 = arith.addi %scan3A_252, %scan3A_253 : i32
      %scan3A_255 = arith.constant 1 : i32
      %scan3A_256 = scf.for %scan3A_273 = %scan3A_252 to %scan3A_254 step %scan3A_255 iter_args(%scan3A_274 = %broadcast_in_dim3A_240) -> (vector<16xf32>)  : i32 {
        %mul3A_275 = arith.constant 16 : i32
        %mul3A_276 = arith.muli %scan3A_273, %mul3A_275 : i32
        %get3A = arith.index_cast %mul3A_276 : i32 to index
        %get3A_277 = tpu.vector_load %arg24[%get3A] {strides = array<i32>} : memref<256xf32, #tpu.memory_space<vmem>>, vector<16xf32>,
        %add3A_278 = arith.addf %scan3A_274, %get3A_277 : vector<16xf32>
        scf.yield %add3A_278 : vector<16xf32>
      }
      %scan3A_257 = arith.constant 16 : i32
      %reduce_sum3A_258 = arith.constant true
      %reduce_sum3A_259 = vector.broadcast %reduce_sum3A_258 : i1 to vector<16xi1>
      %reduce_sum3A_260 = tpu.scan <sum>, %scan3A_256 masked %reduce_sum3A_259 : vector<16xf32>, vector<16xi1> -> vector<16xf32>
      %reduce_sum3A_261 = vector.extract %reduce_sum3A_260[15] : f32 from vector<16xf32>
      %add3A_262 = vector.broadcast %reduce_sum3A_261 : f32 to vector<16xf32>
      %add3A_263 = arith.addf %broadcast_in_dim3A_240, %add3A_262 : vector<16xf32>
      %eq3A_264 = arith.constant 0.000000e+00 : f32
      %eq3A_265 = vector.broadcast %eq3A_264 : f32 to vector<16xf32>
      %eq3A_266 = arith.cmpf oeq, %add3A_263, %eq3A_265 : vector<16xf32>
      %max3A = arith.constant 1.000000e+00 : f32
      %max3A_267 = vector.broadcast %max3A : f32 to vector<16xf32>
      %max3A_268 = arith.maximumf %add3A_263, %max3A_267 : vector<16xf32>
      %div3A = arith.divf %add3A_251, %max3A_268 : vector<16xf32>
      %neg3A = arith.constant 0.000000e+00 : f32
      %neg3A_269 = vector.broadcast %neg3A : f32 to vector<16xf32>
      %neg3A_270 = arith.subf %neg3A_269, %div3A : vector<16xf32>
      %select_n3A = arith.select %eq3A_266, %broadcast_in_dim3A_240, %neg3A_270 : vector<16xi1>, vector<16xf32>
      %swap3A_271 = arith.constant 0 : index
      %swap3A_272 = tpu.vector_load %arg25[%swap3A_271] {strides = array<i32>} : memref<16xf32, #tpu.memory_space<vmem>>, vector<16xf32>,
      tpu.vector_store %arg25[%swap3A_271], %select_n3A {strides = array<i32>} : memref<16xf32, #tpu.memory_space<vmem>>, vector<16xf32>,
      "tpu.region"() ({
        %run_scoped3A = tpu.sem_alloc : memref<!tpu.dma_semaphore, #tpu.memory_space<semaphore_mem>>
        tpu.enqueue_dma source(%arg25 : memref<16xf32, #tpu.memory_space<vmem>>) target(%arg5 : memref<16xf32, #tpu.memory_space<hbm>>) target_semaphore(%run_scoped3A : memref<!tpu.dma_semaphore, #tpu.memory_space<semaphore_mem>>)
        tpu.wait_dma2 semaphore(%run_scoped3A : memref<!tpu.dma_semaphore, #tpu.memory_space<semaphore_mem>>) src(%arg25 : memref<16xf32, #tpu.memory_space<vmem>>) dst(%arg5 : memref<16xf32, #tpu.memory_space<hbm>>)
        tpu.yield
      }) : () -> ()
    } else {
    }
    return
  }
}

</mosaic_0001>

<sc_bundles>
// kernel: _cox_sc.3.cloned.1.call-start
scs
__scs_entry_jumppad:
0x0: {  	(pc) =	sbr.rel $0x88, $3  }
0x1: {  	(tag) =	ssettag $0x0;
	lr =	simm.s32 $0x1  }
0x2: {  	[smem:$0x3F9E] =	sst lr;
	_ =	strace $0xD0000000  }
0x3: {  	_ = 	snop  }
0x4: {  	_ = 	snop  }
0x5: {  	_ = 	snop  }
0x6: {  	_ = 	snop  }
0x7: {  	_ = 	snop  }
__scs_overlays_trampoline_lowered:
0x8: {  	[smem:$0x3FAD] =	sst s0  }
0x9: {  	[smem:$0x3FAE] =	sst s1  }
0xa: {  	[smem:$0x3FAF] =	sst s2  }
0xb: {  	[smem:$0x3FB0] =	sst s3  }
0xc: {  	[smem:$0x3FB1] =	sst s4  }
0xd: {  	[smem:$0x3FB2] =	sst s5  }
0xe: {  	[smem:$0x3FB3] =	sst s6  }
0xf: {  	[smem:$0x3FB4] =	sst s7  }
0x10: {  	[smem:$0x3FB5] =	sst s8  }
0x11: {  	[smem:$0x3FB6] =	sst s9;
	s0 =	simm.s32 @!p0 $0x0  }
0x12: {  	s1 =	sld [smem:$0x3F9C];
	s0 =	simm.s32 @p0 $0x1  }
0x13: {  	[smem:$0x3FB7] =	sst s0;
	s0 =	simm.s32 @!p1 $0x0  }
0x14: {  	s2 =	sld [smem:$0x3F9B];
	s0 =	simm.s32 @p1 $0x1  }
0x15: {  	[smem:$0x3FB8] =	sst s0;
	s0 =	simm.s32 @!p2 $0x0  }
0x16: {  	s3 =	sld [smem:$0x3FDB];
	s0 =	simm.s32 @p2 $0x1  }
0x17: {  	s4 =	simm.s32 $0x1BF5;
	[smem:$0x3FBA] =	sst s0  }
0x18: {  	s0 =	sld [smem:$0x3F9D];
	_ =	swait.ge [sflag:s4], $0x0  }
0x19: {  	s7 =	sld [smem:$0x3F9E]  }
0x1a: {  	s8 =	sadd.s32 $0xFFFFE003, lr  }
0x1b: {  	s9 =	sadd.s32 $0xFFFFFEF7, lr;
	s5 =	simm.s32 $0xFFFFFFFF;
	p2 =	slt.u32 s8, $0xFFFFF086  }
0x1c: {  	p1 =	slt.u32 s9, $0xF7A;
	s5 =	simm.s32 @!p2 $0x0  }
0x1d: {  	s5 =	simm.s32 @p1 $0x1;
	p0 =	seq.s32 s7, s2  }
0x1e: {  	s7 =	smul.u32 @!p0 $0xF7A, s2;
	p2 =	seq.s32 @!p0 s5, $0x0  }
0x1f: {  	s9 =	smul.u32 $0xF7A, s1;
	s8 =	simm.s32 @!p0 $0x1BF5;
	p2 =	por !p2, p0  }
0x20: {  	[sflag:s8] =	ssyncset.s32 @!p0 $0xFFFFF086;
	s6 =	sadd.s32 @!p0 s3, s7;
	s7 =	simm.s32 @!p0 $0x108  }
0x21: {  	s3 =	sadd.s32 s3, s9;
	s6 =	sadd.s32 @!p0 $0x88, s6;
	s7 =	simm.s32 @p2 $0x1082  }
0x22: {  	[simem:s7], [sflag:s8] =	dma.local @!p0 [hbm:s6], $0xF7A  }
0x23: {  	s9 =	sor.u32 $0xD0000000, s2;
	s6 =	simm.s32 $0x108;
	_ =	swait.ge @!p0 [sflag:s8], $0x0  }
0x24: {  	s3 =	sadd.s32 $0x88, s3;
	s6 =	simm.s32 @!p1 $0x1082;
	[sflag:s4] =	ssyncset.s32 $0xFFFFF086  }
0x25: {  	[simem:s6], [sflag:s4] =	dma.local [hbm:s3], $0xF7A  }
0x26: {  	[smem:$0x3F9E] =	sst s1;
	(tag) =	ssettag s2;
	_ =	strace s9  }
0x27: {  	s1 =	sld [smem:$0x3FAE]  }
0x28: {  	s2 =	sld [smem:$0x3FAF]  }
0x29: {  	s4 =	sld [smem:$0x3FB1]  }
0x2a: {  	p0 =	seq.s32 s5, $0x0;
	s5 =	sld [smem:$0x3FB2]  }
0x2b: {  	s6 =	sld [smem:$0x3FB3]  }
0x2c: {  	s7 =	sld [smem:$0x3FB4]  }
0x2d: {  	s3 =	simm.s32 $0x108;
	s8 =	sld [smem:$0x3FB5]  }
0x2e: {  	s3 =	simm.s32 @!p0 $0x1082;
	s9 =	sld [smem:$0x3FB6]  }
0x2f: {  	lr =	sadd.s32 s0, s3;
	s0 =	sld [smem:$0x3FAD]  }
0x30: {  	s3 =	sld [smem:$0x3FB0]  }
0x31: {  	[smem:$0x3FB9] =	sst s10  }
0x32: {  	s10 =	sld [smem:$0x3FB7];
	_ =	sdelay $0x3  }
0x33: {  	p0 =	seq.s32 s10, $0x1;
	s10 =	sld [smem:$0x3FB9];
	_ =	sdelay $0x3  }
0x34: {  	[smem:$0x3FB9] =	sst s10  }
0x35: {  	s10 =	sld [smem:$0x3FB8];
	_ =	sdelay $0x3  }
0x36: {  	p1 =	seq.s32 s10, $0x1;
	s10 =	sld [smem:$0x3FB9];
	_ =	sdelay $0x3  }
0x37: {  	[smem:$0x3FB9] =	sst s10  }
0x38: {  	s10 =	sld [smem:$0x3FBA]  }
0x39: {  	_ = 	snop;
	(pc) =	sbr.ind lr, $3  }
0x3a: {  	_ = 	snop  }
0x3b: {  	_ = 	snop  }
0x3c: {  	p2 =	seq.s32 s10, $0x1;
	s10 =	sld [smem:$0x3FB9]  }
0x3d: {  	_ =	shalt  }
0x3e: {  	_ =	shalt  }
0x3f: {  	_ =	shalt  }
0x40: {  	_ =	shalt  }
0x41: {  	_ =	shalt  }
0x42: {  	_ =	shalt  }
0x43: {  	_ =	shalt  }
0x44: {  	_ =	shalt  }
0x45: {  	_ =	shalt  }
0x46: {  	_ =	shalt  }
0x47: {  	_ =	shalt  }
0x48: {  	_ =	shalt  }
0x49: {  	_ =	shalt  }
0x4a: {  	_ =	shalt  }
0x4b: {  	_ =	shalt  }
0x4c: {  	_ =	shalt  }
0x4d: {  	_ =	shalt  }
0x4e: {  	_ =	shalt  }
0x4f: {  	_ =	shalt  }
0x50: {  	_ =	shalt  }
0x51: {  	_ =	shalt  }
0x52: {  	_ =	shalt  }
0x53: {  	_ =	shalt  }
0x54: {  	_ =	shalt  }
0x55: {  	_ =	shalt  }
0x56: {  	_ =	shalt  }
0x57: {  	_ =	shalt  }
0x58: {  	_ =	shalt  }
0x59: {  	_ =	shalt  }
0x5a: {  	_ =	shalt  }
0x5b: {  	_ =	shalt  }
0x5c: {  	_ =	shalt  }
0x5d: {  	_ =	shalt  }
0x5e: {  	_ =	shalt  }
0x5f: {  	_ =	shalt  }
0x60: {  	_ =	shalt  }
0x61: {  	_ =	shalt  }
0x62: {  	_ =	shalt  }
0x63: {  	_ =	shalt  }
0x64: {  	_ =	shalt  }
0x65: {  	_ =	shalt  }
0x66: {  	_ =	shalt  }
0x67: {  	_ =	shalt  }
0x68: {  	_ =	shalt  }
0x69: {  	_ =	shalt  }
0x6a: {  	_ =	shalt  }
0x6b: {  	_ =	shalt  }
0x6c: {  	_ =	shalt  }
0x6d: {  	_ =	shalt  }
0x6e: {  	_ =	shalt  }
0x6f: {  	_ =	shalt  }
0x70: {  	_ =	shalt  }
0x71: {  	_ =	shalt  }
0x72: {  	_ =	shalt  }
0x73: {  	_ =	shalt  }
0x74: {  	_ =	shalt  }
0x75: {  	_ =	shalt  }
0x76: {  	_ =	shalt  }
0x77: {  	_ =	shalt  }
0x78: {  	_ =	shalt  }
0x79: {  	_ =	shalt  }
0x7a: {  	_ =	shalt  }
0x7b: {  	_ =	shalt  }
0x7c: {  	_ =	shalt  }
0x7d: {  	_ =	shalt  }
0x7e: {  	_ =	shalt  }
0x7f: {  	_ =	shalt  }
0x80: {  	_ =	shalt  }
0x81: {  	_ =	shalt  }
0x82: {  	_ =	shalt  }
0x83: {  	_ =	shalt  }
0x84: {  	_ =	shalt  }
0x85: {  	_ =	shalt  }
0x86: {  	_ =	shalt  }
0x87: {  	_ =	shalt  }
.Lfunc_end0:
.L_simem_size_0:
called_computation_lowered:
.L_overlay_start_0:
0x88: {  	s0 =	sld [smem:$0x3FD9]  }
0x89: {  	s1 =	sld [smem:$0x3FFE];
	_ =	sdelay $0x3  }
0x8a: {  	s0 =	sadd.s32 s1, s0  }
0x8b: {  	[smem:$0x3FC5] =	sst s0  }
0x8c: {  	_ = 	snop  }
0x8d: {  	s0 =	sld [smem:$0x3FC9]  }
0x8e: {  	s17 =	sld [smem:$0x3FC8]  }
0x8f: {  	s2 =	sld [smem:$0x3FC7]  }
0x90: {  	s3 =	sld [smem:$0x3FD0];
	(tm) =	ssettm $0x1  }
0x91: {  	s4 =	sld [smem:$0x3FFB];
	_ =	sdelay $0x3  }
0x92: {  	_ =	strace s4  }
0x93: {  	s4 =	sld [smem:$0x3FFC];
	_ =	sdelay $0x3  }
0x94: {  	_ =	strace s4  }
0x95: {  	s4 =	sld [smem:$0x3FFD];
	_ =	sdelay $0x3  }
0x96: {  	_ =	strace s4  }
0x97: {  	_ =	strace $0x8FFFFFFF  }
0x98: {  	s18 =	sld [smem:$0x3FDB];
	_ =	sdelay $0x1  }
0x99: {  	s5 =	simm.s32 $_scs_section_size  }
0x9a: {  	s6 =	simm.s32 $_size__tile_overlayer_lowered;
	s7 =	simm.s32 $_tile_overlayer_lowered  }
0x9b: {  	s21 =	simm.s32 $0x1BFF;
	s20 =	sshll.u32 s7, $0x1;
	s4 =	sadd.s32 s5, s18  }
0x9c: {  	s8 =	simm.s32 $0x0;
	s19 =	sshll.u32 s6, $0x1;
	s6 =	sadd.s32 s20, s4  }
0x9d: {  	[timem:s8], [sflag:s21] =	dma.local [hbm:s6], s19  }
0x9e: {  	_ =	swait.ge [sflag:s21], s19  }
0x9f: {  	s5 =	ssub.s32 $0x0, s19;
	[sflag:s21] =	ssyncset.done $0x0  }
0xa0: {  	[sflag:s21] =	ssyncadd.s32 s5;
	_ =	sdelay $0x1  }
0xa1: {  	s22 =	simm.s32 $0x1B8B  }
0xa2: {  	_ =	swait.ge [sflag:s22], $0x1  }
0xa3: {  	[sflag:s22] =	ssyncset.done $0x0  }
0xa4: {  	s23 =	simm.s32 $0x1B8E;
	[sflag:s22] =	ssyncadd.s32 $0xFFFFFFFF  }
0xa5: {  	s24 =	simm.s32 $execute0_lowered;
	[smem:$0x3FD2] =	sst s23  }
0xa6: {  	s5 =	sshll.u32 s24, $0x1;
	_ =	strace $0x80000046;
	[dreg:$0x1] =	wrdreg $0xFFFFFFFF  }
0xa7: {  	s25 =	simm.s32 $_size_execute0_lowered;
	s4 =	sadd.s32 s4, s5;
	[dreg:$0x0] =	wrdreg $0x0  }
0xa8: {  	s5 =	sshll.u32 s25, $0x1;
	[dreg:$0x2] =	wrdreg s4  }
0xa9: {  	[dreg:$0x3] =	wrdreg s5  }
0xaa: {  	[dreg:$0x4] =	wrdreg $0xC0  }
0xab: {  	_ =	task [dreg:s8], $0x5FFFF  }
0xac: {  	[dreg:$0x1] =	wrdreg $0xFFFFFFFF  }
0xad: {  	[dreg:$0x0] =	wrdreg $0x60  }
0xae: {  	[dreg:$0x2] =	wrdreg s0  }
0xaf: {  	[dreg:$0x3] =	wrdreg s17  }
0xb0: {  	[dreg:$0x4] =	wrdreg s2  }
0xb1: {  	[dreg:$0x5] =	wrdreg s3  }
0xb2: {  	[dreg:$0x6] =	wrdreg $0x10000  }
0xb3: {  	[dreg:$0x7] =	wrdreg $0x4000  }
0xb4: {  	[dreg:$0x8] =	wrdreg $0xC000  }
0xb5: {  	[dreg:$0x9] =	wrdreg $0x0  }
0xb6: {  	[dreg:$0xa] =	wrdreg $0x8000  }
0xb7: {  	[dreg:$0xb] =	wrdreg $0x11000  }
0xb8: {  	[dreg:$0xc] =	wrdreg $0x11100  }
0xb9: {  	[dreg:$0xd] =	wrdreg $0x11200  }
0xba: {  	[dreg:$0xe] =	wrdreg $0x9  }
0xbb: {  	_ =	task.clear_ibuf [dreg:s8], $0xFFFFF;
	_ =	strace $0x90000046  }
0xbc: {  	s26 =	simm.s32 $0x9;
	_ =	strace $0x80000048  }
0xbd: {  	_ =	swait.ge [sflag:s26], $0x1  }
0xbe: {  	[sflag:s26] =	ssyncadd.s32 $0xFFFFFFFF  }
0xbf: {  	_ =	strace $0x90000048  }
0xc0: {  	_ =	sfence  }
0xc1: {  	s28 =	sld [smem:$0x0];
	_ =	sdelay $0x1  }
0xc2: {  	s29 =	srdreg.scid  }
0xc3: {  	s30 =	sshll.u32 s29, $0xD;
	s31 =	sshrl.u32 s29, $0x2  }
0xc4: {  	s1 =	sand.u32 $0x1, s29;
	s2 =	sand.u32 $0x4000, s30;
	s0 =	sadd.s32 s31, s28  }
0xc5: {  	s1 =	sor.u32 s2, s1;
	s0 =	sshll.u32 s0, $0x11  }
0xc6: {  	s0 =	sor.u32 s0, s1  }
0xc7: {  	s0 =	sadd.s32 $0x8F2B, s0  }
0xc8: {  	[sflag:s0] =	ssyncadd.remote.s32 $0x1  }
0xc9: {  	_ =	sfence.sel $0xFFFF  }
0xca: {  	[dreg:$0x0] =	wrdreg $0xFFFFFFFF;
	(pc) =	sbr.abs _section_cstart, $3  }
0xcb: {  	[dreg:$0x1] =	wrdreg $0xFFFFFFFF  }
0xcc: {  	_ =	task.clear_ibuf [dreg:s8], $0x2FFFF;
	_ =	strace $0x9FFFFFFF  }
0xcd: {  	(tm) =	ssettm $0x7FFFFFFF  }
tec
execute0_lowered:
.L_overlay_start_1:
0x0: {  	(tag) =	ssettag $0x1  }
0x1: {  	s14 =	rddreg [dreg:$0x0]  }
0x2: {  	s13 =	rddreg [dreg:$0x1]  }
0x3: {  	s6 =	rddreg [dreg:$0x2]  }
0x4: {  	s0 =	rddreg [dreg:$0x3]  }
0x5: {  	s10 =	rddreg [dreg:$0x4]  }
0x6: {  	s12 =	rddreg [dreg:$0x5]  }
0x7: {  	s11 =	rddreg [dreg:$0x6]  }
0x8: {  	s9 =	rddreg [dreg:$0x7]  }
0x9: {  	s7 =	rddreg [dreg:$0x8]  }
0xa: {  	s5 =	rddreg [dreg:$0x9]  }
0xb: {  	s3 =	rddreg [dreg:$0xa]  }
0xc: {  	s2 =	rddreg [dreg:$0xb]  }
0xd: {  	s1 =	rddreg [dreg:$0xc];
	s15 =	simm.s32 $0x0;
	s4 =	stileid.u32  }
0xe: {  	s16 =	simm.s32 $0x4F30;
	[smem:$0x7FF] =	sst s15;
	s8 =	sshll.u32 s4, $0x7  }
0xf: {  	s31 =	simm.s32 $0x1;
	_ =	strace $0x80000047;
	s14 =	sadd.s32 s14, s8  }
0x10: {  	[tilespmem:s16], [sflag:$0x1] =	stream.linear.gather [hbm4b:s14+s15], $0x400, $0x38;
	[tilespmem:$0x58B0] =	vst v63  }
0x11: {  	_ =	swait.ge [sflag:s31], $0x400  }
0x12: {  	[sflag:s31] =	ssyncset.done $0x0  }
0x13: {  	s14 =	simm.s32 $0x0;
	[sflag:s31] =	ssyncadd.s32 $0xFFFFFC00  }
0x14: {  	v0 =	vld [tilespmem:s14+$0x4F30];
	_ =	sdelay $0x2  }
0x15: {  	s15 =	simm.s32 $0x40  }
.LBB2_1:
0x16: {  	p0 =	sne.s32 s15, $0xFC0  }
.Ltmp0:
0x17: {  	s16 =	sshra.s32 s15, $0x2;
	s15 =	sadd.s32 $0x40, s15;
	v1 =	vshra.s32 v0, $0x1F;
	v2 =	vmov v0;
	(pc) =	sbr.rel @p0 .LBB2_1-.Ltmp0, $4  }
0x18: {  	v0 =	vld [tilespmem:s16+$0x4F30];
	v1 =	vor.u32 $0x80000000, v1  }
0x19: {  	v1 =	vxor.u32 v1, v2  }
0x1a: {  	v1 =	vxor.u32 $0xFFFFFFFF, v1  }
0x1b: {  	[tilespmem:s14+$0x1130] =	vst v1;
	s14 =	smov.u32 s16  }
0x1c: {  	_ = 	snop  }
0x1d: {  	v1 =	vshra.s32 v0, $0x1F  }
0x1e: {  	v1 =	vor.u32 $0x80000000, v1  }
0x1f: {  	v0 =	vxor.u32 v1, v0  }
0x20: {  	s30 =	sadd.s32 s13, s8;
	v0 =	vxor.u32 $0xFFFFFFFF, v0  }
0x21: {  	s13 =	simm.s32 $0x0;
	s15 =	simm.s32 $0x1530;
	s31 =	simm.s32 $0x1;
	[tilespmem:s14+$0x1130] =	vst v0  }
0x22: {  	[tilespmem:s15], [sflag:$0x1] =	stream.linear.gather [hbm4b:s30+s13], $0x400, $0x38;
	[tilespmem:$0x58B0] =	vst v63  }
0x23: {  	_ =	swait.ge [sflag:s31], $0x400  }
0x24: {  	[sflag:s31] =	ssyncset.done $0x0  }
0x25: {  	v0 =	vimm.s32 $0x0;
	s14 =	simm.s32 $0x0;
	[sflag:s31] =	ssyncadd.s32 $0xFFFFFC00  }
.LBB2_3:
0x26: {  	p0 =	sne.s32 s14, $0x3FC0  }
.Ltmp1:
0x27: {  	_ = 	snop;
	(pc) =	sbr.rel @p0 .LBB2_3-.Ltmp1, $3  }
0x28: {  	_ =	sdelay $0x1  }
0x29: {  	s15 =	sshra.s32 s14, $0x2  }
0x2a: {  	s14 =	sadd.s32 $0x40, s14;
	[tilespmem:s15+$0x1D30] =	vst v0  }
0x2b: {  	v1 =	vlaneseq.u32  }
0x2c: {  	v0 =	vmul.u32 $0x40, v1  }
0x2d: {  	s14 =	simm.s32 $0x1130;
	v2 =	vimm.s32 $0x1;
	s15 =	simm.s32 $0x1D30;
	v1 =	vmul.u32 $0x100, v1  }
.LBB2_5:
0x2e: {  	v3 =	vor.u32 s13, v0;
	_ =	sdelay $0x4  }
0x2f: {  	v3 =	vld.idx.msk [tilespmem:v3+s14+$0x0], $0xffff;
	_ =	sdelay $0x4  }
0x30: {  	v3 =	vand.u32 $0xFF, v3  }
0x31: {  	p0 =	sne.s32 s13, $0x3F;
	v3 =	vor.u32 v1, v3  }
.Ltmp2:
0x32: {  	_ = 	snop;
	(pc) =	sbr.rel @p0 .LBB2_5-.Ltmp2, $2  }
0x33: {  	_ =	sdelay $0x2  }
0x34: {  	s13 =	sadd.s32 $0x1, s13;
	[tilespmem:v3+s15+$0x0] =	vst.idx.add.s32.msk $0xffff, v2  }
0x35: {  	s13 =	simm.s32 $0x0  }
0x36: {  	s13 =	sand.u32 $0xF0, s13  }
0x37: {  	v0 =	vld [tilespmem:s13+$0x1E30]  }
0x38: {  	v1 =	vld [tilespmem:s13+$0x1D30]  }
0x39: {  	v2 =	vld [tilespmem:s13+$0x1F30]  }
0x3a: {  	v3 =	vld [tilespmem:s13+$0x2030]  }
0x3b: {  	v4 =	vld [tilespmem:s13+$0x2130]  }
0x3c: {  	v5 =	vld [tilespmem:s13+$0x2230]  }
0x3d: {  	v0 =	vadd.s32 v1, v0;
	v1 =	vld [tilespmem:s13+$0x2330]  }
0x3e: {  	v0 =	vadd.s32 v0, v2;
	v2 =	vld [tilespmem:s13+$0x2430]  }
0x3f: {  	v0 =	vadd.s32 v0, v3;
	v3 =	vld [tilespmem:s13+$0x2530]  }
0x40: {  	v60 =	vld [tilespmem:s13+$0x2630];
	v0 =	vadd.s32 v0, v4  }
0x41: {  	v61 =	vld [tilespmem:s13+$0x2730];
	v0 =	vadd.s32 v0, v5  }
0x42: {  	v0 =	vadd.s32 v0, v1;
	v1 =	vld [tilespmem:s13+$0x2830]  }
0x43: {  	v0 =	vadd.s32 v0, v2;
	v2 =	vld [tilespmem:s13+$0x2930]  }
0x44: {  	v0 =	vadd.s32 v0, v3;
	v3 =	vld [tilespmem:s13+$0x2A30]  }
0x45: {  	v62 =	vld [tilespmem:s13+$0x2B30];
	v0 =	vadd.s32 v0, v60  }
0x46: {  	v63 =	vld [tilespmem:s13+$0x2C30];
	v0 =	vadd.s32 v0, v61  }
0x47: {  	v0 =	vadd.s32 v0, v1  }
0x48: {  	v0 =	vadd.s32 v0, v2  }
0x49: {  	v0 =	vadd.s32 v0, v3  }
0x4a: {  	v0 =	vadd.s32 v0, v62  }
0x4b: {  	s14 =	simm.s32 $0x10;
	s13 =	simm.s32 $0x4D30;
	v0 =	vadd.s32 v0, v63  }
0x4c: {  	s14 =	sand.u32 $0xF0, s14;
	[tilespmem:s13+$0x0] =	vst v0  }
0x4d: {  	s15 =	simm.s32 $0x20;
	v0 =	vld [tilespmem:s14+$0x1E30]  }
.LBB2_7:
0x4e: {  	p0 =	sne.s32 s15, $0xF0;
	v1 =	vld [tilespmem:s14+$0x1D30]  }
0x4f: {  	v2 =	vld [tilespmem:s14+$0x1F30]  }
0x50: {  	v3 =	vld [tilespmem:s14+$0x2030]  }
0x51: {  	v4 =	vld [tilespmem:s14+$0x2130]  }
0x52: {  	v5 =	vld [tilespmem:s14+$0x2230]  }
0x53: {  	v0 =	vadd.s32 v1, v0;
	v1 =	vld [tilespmem:s14+$0x2330]  }
0x54: {  	v0 =	vadd.s32 v0, v2;
	v2 =	vld [tilespmem:s14+$0x2430]  }
0x55: {  	v0 =	vadd.s32 v0, v3;
	v3 =	vld [tilespmem:s14+$0x2530]  }
0x56: {  	v0 =	vadd.s32 v0, v4;
	v4 =	vld [tilespmem:s14+$0x2630]  }
0x57: {  	v0 =	vadd.s32 v0, v5;
	v5 =	vld [tilespmem:s14+$0x2730]  }
0x58: {  	v0 =	vadd.s32 v0, v1;
	v1 =	vld [tilespmem:s14+$0x2830]  }
0x59: {  	v0 =	vadd.s32 v0, v2;
	v2 =	vld [tilespmem:s14+$0x2930]  }
0x5a: {  	v0 =	vadd.s32 v0, v3;
	v3 =	vld [tilespmem:s14+$0x2A30]  }
0x5b: {  	v0 =	vadd.s32 v0, v4;
	v4 =	vld [tilespmem:s14+$0x2B30]  }
0x5c: {  	v0 =	vadd.s32 v0, v5;
	v5 =	vld [tilespmem:s14+$0x2C30]  }
0x5d: {  	v0 =	vadd.s32 v0, v1  }
0x5e: {  	v0 =	vadd.s32 v0, v2  }
.Ltmp3:
0x5f: {  	v0 =	vadd.s32 v0, v3;
	(pc) =	sbr.rel @p0 .LBB2_7-.Ltmp3, $4  }
0x60: {  	v0 =	vadd.s32 v0, v4  }
0x61: {  	s13 =	sadd.s32 $0x10, s13;
	v0 =	vadd.s32 v0, v5  }
0x62: {  	s14 =	sand.u32 $0xF0, s15;
	[tilespmem:s13+$0x0] =	vst v0  }
0x63: {  	s15 =	sadd.s32 $0x10, s15;
	v0 =	vld [tilespmem:s14+$0x1E30]  }
0x64: {  	v1 =	vld [tilespmem:s14+$0x1D30]  }
0x65: {  	v2 =	vld [tilespmem:s14+$0x1F30]  }
0x66: {  	v3 =	vld [tilespmem:s14+$0x2030]  }
0x67: {  	v4 =	vld [tilespmem:s14+$0x2130]  }
0x68: {  	v5 =	vld [tilespmem:s14+$0x2230]  }
0x69: {  	v54 =	vld [tilespmem:s14+$0x2330];
	v0 =	vadd.s32 v1, v0  }
0x6a: {  	v55 =	vld [tilespmem:s14+$0x2430];
	v0 =	vadd.s32 v0, v2  }
0x6b: {  	v56 =	vld [tilespmem:s14+$0x2530];
	v0 =	vadd.s32 v0, v3  }
0x6c: {  	v57 =	vld [tilespmem:s14+$0x2630];
	v0 =	vadd.s32 v0, v4  }
0x6d: {  	v58 =	vld [tilespmem:s14+$0x2730];
	v0 =	vadd.s32 v0, v5  }
0x6e: {  	v59 =	vld [tilespmem:s14+$0x2830];
	v0 =	vadd.s32 v0, v54  }
0x6f: {  	v60 =	vld [tilespmem:s14+$0x2930];
	v0 =	vadd.s32 v0, v55  }
0x70: {  	v61 =	vld [tilespmem:s14+$0x2A30];
	v0 =	vadd.s32 v0, v56  }
0x71: {  	v62 =	vld [tilespmem:s14+$0x2B30];
	v0 =	vadd.s32 v0, v57  }
0x72: {  	v63 =	vld [tilespmem:s14+$0x2C30];
	v0 =	vadd.s32 v0, v58  }
0x73: {  	v0 =	vadd.s32 v0, v59  }
0x74: {  	v0 =	vadd.s32 v0, v60  }
0x75: {  	v0 =	vadd.s32 v0, v61  }
0x76: {  	s14 =	sshll.u32 s4, $0xA;
	v0 =	vadd.s32 v0, v62  }
0x77: {  	s13 =	sadd.s32 $0x10, s13;
	s15 =	sshrl.u32 s14, $0x2;
	v0 =	vadd.s32 v0, v63  }
0x78: {  	s30 =	simm.s32 $0x4D30;
	s31 =	simm.s32 $0x1;
	[tilespmem:s13+$0x0] =	vst v0;
	s13 =	sadd.s32 s15, s10  }
0x79: {  	[spmem:s13] =	stream.linear.scatter [tilespmem:s30], [sflag:$0x1], $0x100, $0x38;
	[tilespmem:$0x58B0] =	vst v63  }
0x7a: {  	_ =	swait.ge [sflag:s31], $0x100  }
0x7b: {  	[sflag:s31] =	ssyncset.done $0x0  }
0x7c: {  	[sflag:s31] =	ssyncadd.s32 $0xFFFFFF00  }
0x7d: {  	s16 =	simm.s32 $0x3D30;
	[bflag:$0x0] =	sbarrier.arrive $0xFFFF  }
0x7e: {  	[tilespmem:s16], [sflag:$0x1] =	stream.linear.gather [spmem:s10], $0x1000, $0x38;
	[tilespmem:$0x58B0] =	vst v63  }
0x7f: {  	_ =	swait.ge [sflag:s31], $0x1000  }
0x80: {  	s17 =	simm.s32 $0x0;
	s18 =	simm.s32 $0x0;
	[sflag:s31] =	ssyncset.done $0x0  }
0x81: {  	s15 =	simm.s32 $0x0;
	s16 =	simm.s32 $0x0;
	[sflag:s31] =	ssyncadd.s32 $0xFFFFF000  }
.LBB2_9:
0x82: {  	s19 =	sshll.u32 s16, $0x2;
	s20 =	sand.u32 $0x7, s15  }
0x83: {  	s19 =	sand.u32 $0xFFFFFE00, s19;
	s20 =	sshll.u32 s20, $0x6  }
0x84: {  	s19 =	sor.u32 s20, s19  }
0x85: {  	s19 =	sshrl.u32 s19, $0x2  }
0x86: {  	s31 =	sadd.s32 $0x3D30, s19  }
0x87: {  	v2 =	vld [tilespmem:s31+$0x0];
	_ =	sdelay $0x2  }
0x88: {  	p0 =	sgt.u32 s4, $0x0;
	s21 =	simm.s32 $0x1  }
0x89: {  	v0 =	vimm.s32 $0x0;
	s21 =	simm.s32 @!p0 $0x0  }
0x8a: {  	s19 =	simm.s32 $0x1;
	s20 =	sadd.s32 $0x100, s31;
	v1 =	vadd.s32 v0, v2;
	v2 =	vmul.u32 s21, v2  }
.LBB2_10:
0x8b: {  	v3 =	vld [tilespmem:s20+$0x0];
	p0 =	sne.s32 s19, $0xF;
	s21 =	smov.u32 s19;
	s19 =	sadd.s32 $0x1, s19  }
.Ltmp4:
0x8c: {  	v0 =	vadd.s32 v0, v2;
	(pc) =	sbr.rel @p0 .LBB2_10-.Ltmp4, $4  }
0x8d: {  	_ = 	snop  }
0x8e: {  	p1 =	slt.u32 s21, s4;
	s21 =	simm.s32 $0x1  }
0x8f: {  	s21 =	simm.s32 @!p1 $0x0  }
0x90: {  	s20 =	sadd.s32 $0x100, s20;
	v1 =	vadd.s32 v1, v3;
	v2 =	vmul.u32 s21, v3  }
0x91: {  	(xrf0) =	vadd.scan.msk.s32 $0xffff, v1;
	_ =	sdelay $0x5  }
0x92: {  	v3, _, _ =	vpop (xrf0)  }
0x93: {  	(v2sf) =	vpush v3, $0xF;
	_ =	sdelay $0x9  }
0x94: {  	s19 =	sshll.u32 s18, $0x4;
	s18 =	sadd.s32 $0x1, s18  }
0x95: {  	p0 =	sne.s32 s18, $0x10  }
.Ltmp5:
0x96: {  	_ = 	snop;
	(pc) =	sbr.rel @p0 .LBB2_9-.Ltmp5, $4  }
0x97: {  	v63 =	vsub.s32 s17, v1;
	v0 =	vadd.s32 v0, v2  }
0x98: {  	v0 =	vadd.s32 v0, v63  }
0x99: {  	s19 =	sand.u32 $0x3FFFFFF0, s19;
	v0 =	vadd.s32 v3, v0;
	s20 =	spop (v2sf)  }
0x9a: {  	s16 =	sadd.s32 $0x10, s16;
	s15 =	sadd.s32 $0x1, s15;
	[tilespmem:s19+$0x4E30] =	vst v0;
	s17 =	sadd.s32 s17, s20  }
0x9b: {  	s15 =	simm.s32 $0x0  }
0x9c: {  	v0 =	vld [tilespmem:s15+$0x4E30]  }
0x9d: {  	v1 =	vld [tilespmem:s15+$0x1D30]  }
0x9e: {  	v2 =	vld [tilespmem:s15+$0x1E30]  }
0x9f: {  	v3 =	vld [tilespmem:s15+$0x1F30]  }
0xa0: {  	v4 =	vld [tilespmem:s15+$0x2030]  }
0xa1: {  	v5 =	vld [tilespmem:s15+$0x2130]  }
0xa2: {  	[tilespmem:s15+$0x2D30] =	vst v0;
	v0 =	vadd.s32 v0, v1;
	v1 =	vld [tilespmem:s15+$0x2230]  }
0xa3: {  	[tilespmem:s15+$0x2E30] =	vst v0;
	v0 =	vadd.s32 v2, v0;
	v2 =	vld [tilespmem:s15+$0x2330]  }
0xa4: {  	[tilespmem:s15+$0x2F30] =	vst v0;
	v0 =	vadd.s32 v3, v0;
	v3 =	vld [tilespmem:s15+$0x2430]  }
0xa5: {  	[tilespmem:s15+$0x3030] =	vst v0;
	v0 =	vadd.s32 v4, v0;
	v4 =	vld [tilespmem:s15+$0x2530]  }
0xa6: {  	[tilespmem:s15+$0x3130] =	vst v0;
	v0 =	vadd.s32 v5, v0;
	v5 =	vld [tilespmem:s15+$0x2630]  }
0xa7: {  	v6 =	vld [tilespmem:s15+$0x2730];
	[tilespmem:s15+$0x3230] =	vst v0;
	v0 =	vadd.s32 v1, v0  }
0xa8: {  	v1 =	vld [tilespmem:s15+$0x2830];
	[tilespmem:s15+$0x3330] =	vst v0;
	v0 =	vadd.s32 v2, v0  }
0xa9: {  	v2 =	vld [tilespmem:s15+$0x2930];
	[tilespmem:s15+$0x3430] =	vst v0;
	v0 =	vadd.s32 v3, v0  }
0xaa: {  	v3 =	vld [tilespmem:s15+$0x2A30];
	[tilespmem:s15+$0x3530] =	vst v0;
	v0 =	vadd.s32 v4, v0  }
0xab: {  	s17 =	simm.s32 $0x10;
	v4 =	vld [tilespmem:s15+$0x2B30];
	[tilespmem:s15+$0x3630] =	vst v0;
	v5 =	vadd.s32 v5, v0  }
0xac: {  	s16 =	simm.s32 $0x0;
	s18 =	simm.s32 $0x80;
	v0 =	vld [tilespmem:s17+$0x4E30];
	[tilespmem:s15+$0x3730] =	vst v5;
	v5 =	vadd.s32 v6, v5  }
.LBB2_13:
0xad: {  	p0 =	sne.s32 s18, $0x3C0;
	v6 =	vld [tilespmem:s17+$0x1D30];
	[tilespmem:s15+$0x3830] =	vst v5;
	v1 =	vadd.s32 v1, v5  }
0xae: {  	v5 =	vld [tilespmem:s17+$0x1E30];
	[tilespmem:s15+$0x3930] =	vst v1;
	v1 =	vadd.s32 v2, v1  }
0xaf: {  	v2 =	vld [tilespmem:s17+$0x1F30];
	[tilespmem:s15+$0x3A30] =	vst v1;
	v1 =	vadd.s32 v3, v1  }
0xb0: {  	v3 =	vld [tilespmem:s17+$0x2030];
	[tilespmem:s15+$0x3B30] =	vst v1;
	v1 =	vadd.s32 v4, v1  }
0xb1: {  	v4 =	vld [tilespmem:s17+$0x2130];
	[tilespmem:s15+$0x3C30] =	vst v1;
	s15 =	smov.u32 s17  }
0xb2: {  	[tilespmem:s15+$0x2D30] =	vst v0;
	v0 =	vadd.s32 v0, v6;
	v1 =	vld [tilespmem:s15+$0x2230]  }
0xb3: {  	[tilespmem:s15+$0x2E30] =	vst v0;
	v0 =	vadd.s32 v5, v0;
	v5 =	vld [tilespmem:s15+$0x2330]  }
0xb4: {  	[tilespmem:s15+$0x2F30] =	vst v0;
	v0 =	vadd.s32 v2, v0;
	v2 =	vld [tilespmem:s15+$0x2430]  }
0xb5: {  	[tilespmem:s15+$0x3030] =	vst v0;
	v0 =	vadd.s32 v3, v0;
	v3 =	vld [tilespmem:s15+$0x2530]  }
0xb6: {  	[tilespmem:s15+$0x3130] =	vst v0;
	v0 =	vadd.s32 v4, v0;
	v4 =	vld [tilespmem:s15+$0x2630]  }
0xb7: {  	[tilespmem:s15+$0x3230] =	vst v0;
	v0 =	vadd.s32 v1, v0;
	v6 =	vld [tilespmem:s15+$0x2730]  }
.Ltmp6:
0xb8: {  	[tilespmem:s15+$0x3330] =	vst v0;
	v0 =	vadd.s32 v5, v0;
	v1 =	vld [tilespmem:s15+$0x2830];
	(pc) =	sbr.rel @p0 .LBB2_13-.Ltmp6, $4  }
0xb9: {  	[tilespmem:s15+$0x3430] =	vst v0;
	v0 =	vadd.s32 v2, v0;
	v2 =	vld [tilespmem:s15+$0x2930]  }
0xba: {  	[tilespmem:s15+$0x3530] =	vst v0;
	v0 =	vadd.s32 v3, v0;
	v3 =	vld [tilespmem:s15+$0x2A30]  }
0xbb: {  	s17 =	sshra.s32 s18, $0x2;
	[tilespmem:s15+$0x3630] =	vst v0;
	v5 =	vadd.s32 v4, v0;
	v4 =	vld [tilespmem:s15+$0x2B30]  }
0xbc: {  	s18 =	sadd.s32 $0x40, s18;
	v0 =	vld [tilespmem:s17+$0x4E30];
	[tilespmem:s15+$0x3730] =	vst v5;
	v5 =	vadd.s32 v6, v5  }
0xbd: {  	v6 =	vld [tilespmem:s17+$0x1D30];
	[tilespmem:s15+$0x3830] =	vst v5;
	v1 =	vadd.s32 v1, v5  }
0xbe: {  	v5 =	vld [tilespmem:s17+$0x1E30];
	[tilespmem:s15+$0x3930] =	vst v1;
	v1 =	vadd.s32 v2, v1  }
0xbf: {  	v2 =	vld [tilespmem:s17+$0x1F30];
	[tilespmem:s15+$0x3A30] =	vst v1;
	v1 =	vadd.s32 v3, v1  }
0xc0: {  	v3 =	vld [tilespmem:s17+$0x2030];
	[tilespmem:s15+$0x3B30] =	vst v1;
	v1 =	vadd.s32 v4, v1  }
0xc1: {  	v4 =	vld [tilespmem:s17+$0x2130];
	[tilespmem:s15+$0x3C30] =	vst v1  }
0xc2: {  	[tilespmem:s17+$0x2D30] =	vst v0;
	v0 =	vadd.s32 v0, v6;
	v1 =	vld [tilespmem:s17+$0x2230]  }
0xc3: {  	[tilespmem:s17+$0x2E30] =	vst v0;
	v0 =	vadd.s32 v5, v0;
	v5 =	vld [tilespmem:s17+$0x2330]  }
0xc4: {  	[tilespmem:s17+$0x2F30] =	vst v0;
	v0 =	vadd.s32 v2, v0;
	v2 =	vld [tilespmem:s17+$0x2430]  }
0xc5: {  	[tilespmem:s17+$0x3030] =	vst v0;
	v0 =	vadd.s32 v3, v0;
	v3 =	vld [tilespmem:s17+$0x2530]  }
0xc6: {  	[tilespmem:s17+$0x3130] =	vst v0;
	v0 =	vadd.s32 v4, v0;
	v4 =	vld [tilespmem:s17+$0x2630]  }
0xc7: {  	[tilespmem:s17+$0x3230] =	vst v0;
	v0 =	vadd.s32 v1, v0;
	v1 =	vld [tilespmem:s17+$0x2730]  }
0xc8: {  	[tilespmem:s17+$0x3330] =	vst v0;
	v0 =	vadd.s32 v5, v0;
	v5 =	vld [tilespmem:s17+$0x2830]  }
0xc9: {  	[tilespmem:s17+$0x3430] =	vst v0;
	v0 =	vadd.s32 v2, v0;
	v2 =	vld [tilespmem:s17+$0x2930]  }
0xca: {  	v6 =	vlaneseq.u32;
	[tilespmem:s17+$0x3530] =	vst v0;
	v0 =	vadd.s32 v3, v0;
	v3 =	vld [tilespmem:s17+$0x2A30]  }
0xcb: {  	v7 =	vld [tilespmem:s17+$0x2B30];
	[tilespmem:s17+$0x3630] =	vst v0;
	v4 =	vadd.s32 v4, v0;
	v0 =	vmul.u32 $0x40, v6  }
0xcc: {  	[tilespmem:s17+$0x3730] =	vst v4;
	v1 =	vadd.s32 v1, v4  }
0xcd: {  	[tilespmem:s17+$0x3830] =	vst v1;
	v4 =	vadd.s32 v5, v1;
	v1 =	vor.u32 s16, v0  }
0xce: {  	[tilespmem:s17+$0x3930] =	vst v4;
	v2 =	vadd.s32 v2, v4  }
0xcf: {  	[tilespmem:s17+$0x3A30] =	vst v2;
	v2 =	vadd.s32 v3, v2  }
0xd0: {  	[tilespmem:s17+$0x3B30] =	vst v2;
	v2 =	vadd.s32 v7, v2  }
0xd1: {  	s15 =	simm.s32 $0x1130;
	[tilespmem:s17+$0x3C30] =	vst v2  }
0xd2: {  	v3 =	vld.idx.msk [tilespmem:v1+s15+$0x0], $0xffff;
	_ =	sdelay $0x3  }
0xd3: {  	v2 =	vmul.u32 $0x100, v6  }
0xd4: {  	v3 =	vand.u32 $0xFF, v3  }
0xd5: {  	v4 =	vor.u32 v2, v3;
	_ =	sdelay $0x3  }
0xd6: {  	s16 =	simm.s32 $0x2D30  }
0xd7: {  	s18 =	simm.s32 $0x1;
	v6 =	vld.idx.msk [tilespmem:v4+s16+$0x0], $0xffff  }
0xd8: {  	v5 =	vor.u32 s18, v0;
	s18 =	simm.s32 $0x2;
	s17 =	simm.s32 $0x1930;
	v3 =	vimm.s32 $0x1  }
.LBB2_15:
0xd9: {  	p0 =	sne.s32 s18, $0x3F;
	_ =	sdelay $0x1  }
0xda: {  	[tilespmem:v4+s16+$0x0] =	vst.idx.add.s32.msk $0xffff, v3  }
0xdb: {  	[tilespmem:v1+s17+$0x0] =	vst.idx.msk $0xffff, v6;
	v1 =	vmov v5  }
0xdc: {  	v4 =	vld.idx.msk [tilespmem:v5+s15+$0x0], $0xffff;
	_ =	sdelay $0x5  }
0xdd: {  	v4 =	vand.u32 $0xFF, v4  }
0xde: {  	v4 =	vor.u32 v2, v4;
	_ =	sdelay $0x2  }
.Ltmp7:
0xdf: {  	(pc) =	sbr.rel @p0 .LBB2_15-.Ltmp7, $3  }
0xe0: {  	_ = 	snop  }
0xe1: {  	v6 =	vld.idx.msk [tilespmem:v4+s16+$0x0], $0xffff;
	_ =	sdelay $0x1  }
0xe2: {  	v5 =	vor.u32 s18, v0;
	s18 =	sadd.s32 $0x1, s18  }
0xe3: {  	_ =	sdelay $0x3  }
0xe4: {  	[tilespmem:v4+s16+$0x0] =	vst.idx.add.s32.msk $0xffff, v3  }
0xe5: {  	[tilespmem:v1+s17+$0x0] =	vst.idx.msk $0xffff, v6  }
0xe6: {  	v0 =	vld.idx.msk [tilespmem:v5+s15+$0x0], $0xffff;
	_ =	sdelay $0x4  }
0xe7: {  	v0 =	vand.u32 $0xFF, v0  }
0xe8: {  	v0 =	vor.u32 v2, v0;
	_ =	sdelay $0x4  }
0xe9: {  	v1 =	vld.idx.msk [tilespmem:v0+s16+$0x0], $0xffff;
	_ =	sdelay $0x3  }
0xea: {  	s29 =	simm.s32 $0x400;
	[tilespmem:v0+s16+$0x0] =	vst.idx.add.s32.msk $0xffff, v3  }
0xeb: {  	s30 =	simm.s32 $0x1930;
	s31 =	simm.s32 $0x1130;
	s18 =	simm.s32 $0x1;
	[tilespmem:v5+s17+$0x0] =	vst.idx.msk $0xffff, v1  }
0xec: {  	[spmem:s12] =	stream.indirect.scatter [tilespmem:s31], [sflag:$0x1], $0x1, s30, s29, $0xb8;
	[tilespmem:$0x58B0] =	vst v63  }
0xed: {  	_ =	swait.ge [sflag:s18], $0x400  }
0xee: {  	[sflag:s18] =	ssyncset.done $0x0  }
0xef: {  	s19 =	simm.s32 $0x1530;
	[sflag:s18] =	ssyncadd.s32 $0xFFFFFC00  }
0xf0: {  	[spmem:s11] =	stream.indirect.scatter [tilespmem:s19], [sflag:$0x1], $0x1, s30, s29, $0xb8;
	[tilespmem:$0x58B0] =	vst v63  }
0xf1: {  	_ =	swait.ge [sflag:s18], $0x400  }
0xf2: {  	[sflag:s18] =	ssyncset.done $0x0  }
0xf3: {  	[sflag:s18] =	ssyncadd.s32 $0xFFFFFC00  }
0xf4: {  	s15 =	sadd.s32 s14, s12;
	[bflag:$0x0] =	sbarrier.arrive $0xFFFF  }
0xf5: {  	[tilespmem:s31], [sflag:$0x1] =	stream.linear.gather [spmem:s15], $0x400, $0x38;
	[tilespmem:$0x58B0] =	vst v63  }
0xf6: {  	_ =	swait.ge [sflag:s18], $0x400  }
0xf7: {  	[sflag:s18] =	ssyncset.done $0x0  }
0xf8: {  	s16 =	sadd.s32 s14, s11;
	[sflag:s18] =	ssyncadd.s32 $0xFFFFFC00  }
0xf9: {  	[tilespmem:s19], [sflag:$0x1] =	stream.linear.gather [spmem:s16], $0x400, $0x38;
	[tilespmem:$0x58B0] =	vst v63  }
0xfa: {  	_ =	swait.ge [sflag:s18], $0x400  }
0xfb: {  	[sflag:s18] =	ssyncset.done $0x0  }
0xfc: {  	v0 =	vimm.s32 $0x0;
	s17 =	simm.s32 $0x0;
	[sflag:s18] =	ssyncadd.s32 $0xFFFFFC00;
	s18 =	simm.s32 $0x0  }
.LBB2_17:
0xfd: {  	p0 =	sne.s32 s18, $0x3FC0  }
.Ltmp8:
0xfe: {  	_ = 	snop;
	(pc) =	sbr.rel @p0 .LBB2_17-.Ltmp8, $3  }
0xff: {  	_ =	sdelay $0x1  }
0x100: {  	s19 =	sshra.s32 s18, $0x2  }
0x101: {  	s18 =	sadd.s32 $0x40, s18;
	[tilespmem:s19+$0x1D30] =	vst v0  }
0x102: {  	v1 =	vlaneseq.u32  }
0x103: {  	v0 =	vmul.u32 $0x40, v1  }
0x104: {  	s18 =	simm.s32 $0x1130;
	v2 =	vimm.s32 $0x1;
	s19 =	simm.s32 $0x1D30;
	v1 =	vmul.u32 $0x100, v1  }
.LBB2_19:
0x105: {  	v3 =	vor.u32 s17, v0;
	_ =	sdelay $0x4  }
0x106: {  	v3 =	vld.idx.msk [tilespmem:v3+s18+$0x0], $0xffff;
	_ =	sdelay $0x4  }
0x107: {  	v3 =	vshrl.u32 v3, $0x8  }
0x108: {  	v3 =	vand.u32 $0xFF, v3  }
0x109: {  	p0 =	sne.s32 s17, $0x3F;
	v3 =	vor.u32 v1, v3  }
.Ltmp9:
0x10a: {  	_ = 	snop;
	(pc) =	sbr.rel @p0 .LBB2_19-.Ltmp9, $2  }
0x10b: {  	_ =	sdelay $0x2  }
0x10c: {  	s17 =	sadd.s32 $0x1, s17;
	[tilespmem:v3+s19+$0x0] =	vst.idx.add.s32.msk $0xffff, v2  }
0x10d: {  	s17 =	simm.s32 $0x0  }
0x10e: {  	s17 =	sand.u32 $0xF0, s17  }
0x10f: {  	v0 =	vld [tilespmem:s17+$0x1E30]  }
0x110: {  	v1 =	vld [tilespmem:s17+$0x1D30]  }
0x111: {  	v2 =	vld [tilespmem:s17+$0x1F30]  }
0x112: {  	v3 =	vld [tilespmem:s17+$0x2030]  }
0x113: {  	v4 =	vld [tilespmem:s17+$0x2130]  }
0x114: {  	v5 =	vld [tilespmem:s17+$0x2230]  }
0x115: {  	v0 =	vadd.s32 v1, v0;
	v1 =	vld [tilespmem:s17+$0x2330]  }
0x116: {  	v0 =	vadd.s32 v0, v2;
	v2 =	vld [tilespmem:s17+$0x2430]  }
0x117: {  	v0 =	vadd.s32 v0, v3;
	v3 =	vld [tilespmem:s17+$0x2530]  }
0x118: {  	v60 =	vld [tilespmem:s17+$0x2630];
	v0 =	vadd.s32 v0, v4  }
0x119: {  	v61 =	vld [tilespmem:s17+$0x2730];
	v0 =	vadd.s32 v0, v5  }
0x11a: {  	v0 =	vadd.s32 v0, v1;
	v1 =	vld [tilespmem:s17+$0x2830]  }
0x11b: {  	v0 =	vadd.s32 v0, v2;
	v2 =	vld [tilespmem:s17+$0x2930]  }
0x11c: {  	v0 =	vadd.s32 v0, v3;
	v3 =	vld [tilespmem:s17+$0x2A30]  }
0x11d: {  	v62 =	vld [tilespmem:s17+$0x2B30];
	v0 =	vadd.s32 v0, v60  }
0x11e: {  	v63 =	vld [tilespmem:s17+$0x2C30];
	v0 =	vadd.s32 v0, v61  }
0x11f: {  	v0 =	vadd.s32 v0, v1  }
0x120: {  	v0 =	vadd.s32 v0, v2  }
0x121: {  	v0 =	vadd.s32 v0, v3  }
0x122: {  	v0 =	vadd.s32 v0, v62  }
0x123: {  	s18 =	simm.s32 $0x10;
	s17 =	simm.s32 $0x4D30;
	v0 =	vadd.s32 v0, v63  }
0x124: {  	s18 =	sand.u32 $0xF0, s18;
	[tilespmem:s17+$0x0] =	vst v0  }
0x125: {  	s19 =	simm.s32 $0x20;
	v0 =	vld [tilespmem:s18+$0x1E30]  }
.LBB2_21:
0x126: {  	p0 =	sne.s32 s19, $0xF0;
	v1 =	vld [tilespmem:s18+$0x1D30]  }
0x127: {  	v2 =	vld [tilespmem:s18+$0x1F30]  }
0x128: {  	v3 =	vld [tilespmem:s18+$0x2030]  }
0x129: {  	v4 =	vld [tilespmem:s18+$0x2130]  }
0x12a: {  	v5 =	vld [tilespmem:s18+$0x2230]  }
0x12b: {  	v0 =	vadd.s32 v1, v0;
	v1 =	vld [tilespmem:s18+$0x2330]  }
0x12c: {  	v0 =	vadd.s32 v0, v2;
	v2 =	vld [tilespmem:s18+$0x2430]  }
0x12d: {  	v0 =	vadd.s32 v0, v3;
	v3 =	vld [tilespmem:s18+$0x2530]  }
0x12e: {  	v0 =	vadd.s32 v0, v4;
	v4 =	vld [tilespmem:s18+$0x2630]  }
0x12f: {  	v0 =	vadd.s32 v0, v5;
	v5 =	vld [tilespmem:s18+$0x2730]  }
0x130: {  	v0 =	vadd.s32 v0, v1;
	v1 =	vld [tilespmem:s18+$0x2830]  }
0x131: {  	v0 =	vadd.s32 v0, v2;
	v2 =	vld [tilespmem:s18+$0x2930]  }
0x132: {  	v0 =	vadd.s32 v0, v3;
	v3 =	vld [tilespmem:s18+$0x2A30]  }
0x133: {  	v0 =	vadd.s32 v0, v4;
	v4 =	vld [tilespmem:s18+$0x2B30]  }
0x134: {  	v0 =	vadd.s32 v0, v5;
	v5 =	vld [tilespmem:s18+$0x2C30]  }
0x135: {  	v0 =	vadd.s32 v0, v1  }
0x136: {  	v0 =	vadd.s32 v0, v2  }
.Ltmp10:
0x137: {  	v0 =	vadd.s32 v0, v3;
	(pc) =	sbr.rel @p0 .LBB2_21-.Ltmp10, $4  }
0x138: {  	v0 =	vadd.s32 v0, v4  }
0x139: {  	s17 =	sadd.s32 $0x10, s17;
	v0 =	vadd.s32 v0, v5  }
0x13a: {  	s18 =	sand.u32 $0xF0, s19;
	[tilespmem:s17+$0x0] =	vst v0  }
0x13b: {  	s19 =	sadd.s32 $0x10, s19;
	v0 =	vld [tilespmem:s18+$0x1E30]  }
0x13c: {  	v1 =	vld [tilespmem:s18+$0x1D30]  }
0x13d: {  	v2 =	vld [tilespmem:s18+$0x1F30]  }
0x13e: {  	v3 =	vld [tilespmem:s18+$0x2030]  }
0x13f: {  	v4 =	vld [tilespmem:s18+$0x2130]  }
0x140: {  	v5 =	vld [tilespmem:s18+$0x2230]  }
0x141: {  	v54 =	vld [tilespmem:s18+$0x2330];
	v0 =	vadd.s32 v1, v0  }
0x142: {  	v55 =	vld [tilespmem:s18+$0x2430];
	v0 =	vadd.s32 v0, v2  }
0x143: {  	v56 =	vld [tilespmem:s18+$0x2530];
	v0 =	vadd.s32 v0, v3  }
0x144: {  	v57 =	vld [tilespmem:s18+$0x2630];
	v0 =	vadd.s32 v0, v4  }
0x145: {  	v58 =	vld [tilespmem:s18+$0x2730];
	v0 =	vadd.s32 v0, v5  }
0x146: {  	v59 =	vld [tilespmem:s18+$0x2830];
	v0 =	vadd.s32 v0, v54  }
0x147: {  	v60 =	vld [tilespmem:s18+$0x2930];
	v0 =	vadd.s32 v0, v55  }
0x148: {  	v61 =	vld [tilespmem:s18+$0x2A30];
	v0 =	vadd.s32 v0, v56  }
0x149: {  	v62 =	vld [tilespmem:s18+$0x2B30];
	v0 =	vadd.s32 v0, v57  }
0x14a: {  	v63 =	vld [tilespmem:s18+$0x2C30];
	v0 =	vadd.s32 v0, v58  }
0x14b: {  	v0 =	vadd.s32 v0, v59  }
0x14c: {  	v0 =	vadd.s32 v0, v60  }
0x14d: {  	v0 =	vadd.s32 v0, v61  }
0x14e: {  	v0 =	vadd.s32 v0, v62  }
0x14f: {  	s17 =	sadd.s32 $0x10, s17;
	v0 =	vadd.s32 v0, v63  }
0x150: {  	s29 =	simm.s32 $0x4D30;
	s30 =	simm.s32 $0x1;
	[tilespmem:s17+$0x0] =	vst v0  }
0x151: {  	[spmem:s13] =	stream.linear.scatter [tilespmem:s29], [sflag:$0x1], $0x100, $0x38;
	[tilespmem:$0x58B0] =	vst v63  }
0x152: {  	_ =	swait.ge [sflag:s30], $0x100  }
0x153: {  	[sflag:s30] =	ssyncset.done $0x0  }
0x154: {  	[sflag:s30] =	ssyncadd.s32 $0xFFFFFF00  }
0x155: {  	s31 =	simm.s32 $0x3D30;
	[bflag:$0x0] =	sbarrier.arrive $0xFFFF  }
0x156: {  	[tilespmem:s31], [sflag:$0x1] =	stream.linear.gather [spmem:s10], $0x1000, $0x38;
	[tilespmem:$0x58B0] =	vst v63  }
0x157: {  	_ =	swait.ge [sflag:s30], $0x1000  }
0x158: {  	s18 =	simm.s32 $0x0;
	s19 =	simm.s32 $0x0;
	[sflag:s30] =	ssyncset.done $0x0  }
0x159: {  	s20 =	simm.s32 $0x0;
	s17 =	simm.s32 $0x0;
	[sflag:s30] =	ssyncadd.s32 $0xFFFFF000  }
.LBB2_23:
0x15a: {  	s21 =	sshll.u32 s18, $0x2;
	s22 =	sand.u32 $0x7, s17  }
0x15b: {  	s21 =	sand.u32 $0xFFFFFE00, s21;
	s22 =	sshll.u32 s22, $0x6  }
0x15c: {  	s21 =	sor.u32 s22, s21  }
0x15d: {  	s21 =	sshrl.u32 s21, $0x2  }
0x15e: {  	s31 =	sadd.s32 $0x3D30, s21  }
0x15f: {  	v2 =	vld [tilespmem:s31+$0x0];
	_ =	sdelay $0x2  }
0x160: {  	p0 =	sgt.u32 s4, $0x0;
	s23 =	simm.s32 $0x1  }
0x161: {  	v0 =	vimm.s32 $0x0;
	s23 =	simm.s32 @!p0 $0x0  }
0x162: {  	s21 =	simm.s32 $0x1;
	s22 =	sadd.s32 $0x100, s31;
	v1 =	vadd.s32 v0, v2;
	v2 =	vmul.u32 s23, v2  }
.LBB2_24:
0x163: {  	v3 =	vld [tilespmem:s22+$0x0];
	p0 =	sne.s32 s21, $0xF;
	s23 =	smov.u32 s21;
	s21 =	sadd.s32 $0x1, s21  }
.Ltmp11:
0x164: {  	v0 =	vadd.s32 v0, v2;
	(pc) =	sbr.rel @p0 .LBB2_24-.Ltmp11, $4  }
0x165: {  	_ = 	snop  }
0x166: {  	p1 =	slt.u32 s23, s4;
	s23 =	simm.s32 $0x1  }
0x167: {  	s23 =	simm.s32 @!p1 $0x0  }
0x168: {  	s22 =	sadd.s32 $0x100, s22;
	v1 =	vadd.s32 v1, v3;
	v2 =	vmul.u32 s23, v3  }
0x169: {  	(xrf0) =	vadd.scan.msk.s32 $0xffff, v1;
	_ =	sdelay $0x5  }
0x16a: {  	v3, _, _ =	vpop (xrf0)  }
0x16b: {  	(v2sf) =	vpush v3, $0xF;
	_ =	sdelay $0x9  }
0x16c: {  	s21 =	sshll.u32 s20, $0x4;
	s20 =	sadd.s32 $0x1, s20  }
0x16d: {  	p0 =	sne.s32 s20, $0x10  }
.Ltmp12:
0x16e: {  	_ = 	snop;
	(pc) =	sbr.rel @p0 .LBB2_23-.Ltmp12, $4  }
0x16f: {  	v63 =	vsub.s32 s19, v1;
	v0 =	vadd.s32 v0, v2  }
0x170: {  	v0 =	vadd.s32 v0, v63  }
0x171: {  	s21 =	sand.u32 $0x3FFFFFF0, s21;
	v0 =	vadd.s32 v3, v0;
	s22 =	spop (v2sf)  }
0x172: {  	s18 =	sadd.s32 $0x10, s18;
	s17 =	sadd.s32 $0x1, s17;
	[tilespmem:s21+$0x4E30] =	vst v0;
	s19 =	sadd.s32 s19, s22  }
0x173: {  	s17 =	simm.s32 $0x0  }
0x174: {  	v0 =	vld [tilespmem:s17+$0x4E30]  }
0x175: {  	v1 =	vld [tilespmem:s17+$0x1D30]  }
0x176: {  	v2 =	vld [tilespmem:s17+$0x1E30]  }
0x177: {  	v3 =	vld [tilespmem:s17+$0x1F30]  }
0x178: {  	v4 =	vld [tilespmem:s17+$0x2030]  }
0x179: {  	v5 =	vld [tilespmem:s17+$0x2130]  }
0x17a: {  	[tilespmem:s17+$0x2D30] =	vst v0;
	v0 =	vadd.s32 v0, v1;
	v1 =	vld [tilespmem:s17+$0x2230]  }
0x17b: {  	[tilespmem:s17+$0x2E30] =	vst v0;
	v0 =	vadd.s32 v2, v0;
	v2 =	vld [tilespmem:s17+$0x2330]  }
0x17c: {  	[tilespmem:s17+$0x2F30] =	vst v0;
	v0 =	vadd.s32 v3, v0;
	v3 =	vld [tilespmem:s17+$0x2430]  }
0x17d: {  	[tilespmem:s17+$0x3030] =	vst v0;
	v0 =	vadd.s32 v4, v0;
	v4 =	vld [tilespmem:s17+$0x2530]  }
0x17e: {  	[tilespmem:s17+$0x3130] =	vst v0;
	v0 =	vadd.s32 v5, v0;
	v5 =	vld [tilespmem:s17+$0x2630]  }
0x17f: {  	v6 =	vld [tilespmem:s17+$0x2730];
	[tilespmem:s17+$0x3230] =	vst v0;
	v0 =	vadd.s32 v1, v0  }
0x180: {  	v1 =	vld [tilespmem:s17+$0x2830];
	[tilespmem:s17+$0x3330] =	vst v0;
	v0 =	vadd.s32 v2, v0  }
0x181: {  	v2 =	vld [tilespmem:s17+$0x2930];
	[tilespmem:s17+$0x3430] =	vst v0;
	v0 =	vadd.s32 v3, v0  }
0x182: {  	v3 =	vld [tilespmem:s17+$0x2A30];
	[tilespmem:s17+$0x3530] =	vst v0;
	v0 =	vadd.s32 v4, v0  }
0x183: {  	s19 =	simm.s32 $0x10;
	v4 =	vld [tilespmem:s17+$0x2B30];
	[tilespmem:s17+$0x3630] =	vst v0;
	v5 =	vadd.s32 v5, v0  }
0x184: {  	s18 =	simm.s32 $0x0;
	s20 =	simm.s32 $0x80;
	v0 =	vld [tilespmem:s19+$0x4E30];
	[tilespmem:s17+$0x3730] =	vst v5;
	v5 =	vadd.s32 v6, v5  }
.LBB2_27:
0x185: {  	p0 =	sne.s32 s20, $0x3C0;
	v6 =	vld [tilespmem:s19+$0x1D30];
	[tilespmem:s17+$0x3830] =	vst v5;
	v1 =	vadd.s32 v1, v5  }
0x186: {  	v5 =	vld [tilespmem:s19+$0x1E30];
	[tilespmem:s17+$0x3930] =	vst v1;
	v1 =	vadd.s32 v2, v1  }
0x187: {  	v2 =	vld [tilespmem:s19+$0x1F30];
	[tilespmem:s17+$0x3A30] =	vst v1;
	v1 =	vadd.s32 v3, v1  }
0x188: {  	v3 =	vld [tilespmem:s19+$0x2030];
	[tilespmem:s17+$0x3B30] =	vst v1;
	v1 =	vadd.s32 v4, v1  }
0x189: {  	v4 =	vld [tilespmem:s19+$0x2130];
	[tilespmem:s17+$0x3C30] =	vst v1;
	s17 =	smov.u32 s19  }
0x18a: {  	[tilespmem:s17+$0x2D30] =	vst v0;
	v0 =	vadd.s32 v0, v6;
	v1 =	vld [tilespmem:s17+$0x2230]  }
0x18b: {  	[tilespmem:s17+$0x2E30] =	vst v0;
	v0 =	vadd.s32 v5, v0;
	v5 =	vld [tilespmem:s17+$0x2330]  }
0x18c: {  	[tilespmem:s17+$0x2F30] =	vst v0;
	v0 =	vadd.s32 v2, v0;
	v2 =	vld [tilespmem:s17+$0x2430]  }
0x18d: {  	[tilespmem:s17+$0x3030] =	vst v0;
	v0 =	vadd.s32 v3, v0;
	v3 =	vld [tilespmem:s17+$0x2530]  }
0x18e: {  	[tilespmem:s17+$0x3130] =	vst v0;
	v0 =	vadd.s32 v4, v0;
	v4 =	vld [tilespmem:s17+$0x2630]  }
0x18f: {  	[tilespmem:s17+$0x3230] =	vst v0;
	v0 =	vadd.s32 v1, v0;
	v6 =	vld [tilespmem:s17+$0x2730]  }
.Ltmp13:
0x190: {  	[tilespmem:s17+$0x3330] =	vst v0;
	v0 =	vadd.s32 v5, v0;
	v1 =	vld [tilespmem:s17+$0x2830];
	(pc) =	sbr.rel @p0 .LBB2_27-.Ltmp13, $4  }
0x191: {  	[tilespmem:s17+$0x3430] =	vst v0;
	v0 =	vadd.s32 v2, v0;
	v2 =	vld [tilespmem:s17+$0x2930]  }
0x192: {  	[tilespmem:s17+$0x3530] =	vst v0;
	v0 =	vadd.s32 v3, v0;
	v3 =	vld [tilespmem:s17+$0x2A30]  }
0x193: {  	s19 =	sshra.s32 s20, $0x2;
	[tilespmem:s17+$0x3630] =	vst v0;
	v5 =	vadd.s32 v4, v0;
	v4 =	vld [tilespmem:s17+$0x2B30]  }
0x194: {  	s20 =	sadd.s32 $0x40, s20;
	v0 =	vld [tilespmem:s19+$0x4E30];
	[tilespmem:s17+$0x3730] =	vst v5;
	v5 =	vadd.s32 v6, v5  }
0x195: {  	v6 =	vld [tilespmem:s19+$0x1D30];
	[tilespmem:s17+$0x3830] =	vst v5;
	v1 =	vadd.s32 v1, v5  }
0x196: {  	v5 =	vld [tilespmem:s19+$0x1E30];
	[tilespmem:s17+$0x3930] =	vst v1;
	v1 =	vadd.s32 v2, v1  }
0x197: {  	v2 =	vld [tilespmem:s19+$0x1F30];
	[tilespmem:s17+$0x3A30] =	vst v1;
	v1 =	vadd.s32 v3, v1  }
0x198: {  	v3 =	vld [tilespmem:s19+$0x2030];
	[tilespmem:s17+$0x3B30] =	vst v1;
	v1 =	vadd.s32 v4, v1  }
0x199: {  	v4 =	vld [tilespmem:s19+$0x2130];
	[tilespmem:s17+$0x3C30] =	vst v1  }
0x19a: {  	[tilespmem:s19+$0x2D30] =	vst v0;
	v0 =	vadd.s32 v0, v6;
	v1 =	vld [tilespmem:s19+$0x2230]  }
0x19b: {  	[tilespmem:s19+$0x2E30] =	vst v0;
	v0 =	vadd.s32 v5, v0;
	v5 =	vld [tilespmem:s19+$0x2330]  }
0x19c: {  	[tilespmem:s19+$0x2F30] =	vst v0;
	v0 =	vadd.s32 v2, v0;
	v2 =	vld [tilespmem:s19+$0x2430]  }
0x19d: {  	[tilespmem:s19+$0x3030] =	vst v0;
	v0 =	vadd.s32 v3, v0;
	v3 =	vld [tilespmem:s19+$0x2530]  }
0x19e: {  	[tilespmem:s19+$0x3130] =	vst v0;
	v0 =	vadd.s32 v4, v0;
	v4 =	vld [tilespmem:s19+$0x2630]  }
0x19f: {  	[tilespmem:s19+$0x3230] =	vst v0;
	v0 =	vadd.s32 v1, v0;
	v1 =	vld [tilespmem:s19+$0x2730]  }
0x1a0: {  	[tilespmem:s19+$0x3330] =	vst v0;
	v0 =	vadd.s32 v5, v0;
	v5 =	vld [tilespmem:s19+$0x2830]  }
0x1a1: {  	[tilespmem:s19+$0x3430] =	vst v0;
	v0 =	vadd.s32 v2, v0;
	v2 =	vld [tilespmem:s19+$0x2930]  }
0x1a2: {  	v6 =	vlaneseq.u32;
	[tilespmem:s19+$0x3530] =	vst v0;
	v0 =	vadd.s32 v3, v0;
	v3 =	vld [tilespmem:s19+$0x2A30]  }
0x1a3: {  	v7 =	vld [tilespmem:s19+$0x2B30];
	[tilespmem:s19+$0x3630] =	vst v0;
	v4 =	vadd.s32 v4, v0;
	v0 =	vmul.u32 $0x40, v6  }
0x1a4: {  	[tilespmem:s19+$0x3730] =	vst v4;
	v1 =	vadd.s32 v1, v4  }
0x1a5: {  	[tilespmem:s19+$0x3830] =	vst v1;
	v4 =	vadd.s32 v5, v1;
	v1 =	vor.u32 s18, v0  }
0x1a6: {  	[tilespmem:s19+$0x3930] =	vst v4;
	v2 =	vadd.s32 v2, v4  }
0x1a7: {  	[tilespmem:s19+$0x3A30] =	vst v2;
	v2 =	vadd.s32 v3, v2  }
0x1a8: {  	[tilespmem:s19+$0x3B30] =	vst v2;
	v2 =	vadd.s32 v7, v2  }
0x1a9: {  	s17 =	simm.s32 $0x1130;
	[tilespmem:s19+$0x3C30] =	vst v2  }
0x1aa: {  	v3 =	vld.idx.msk [tilespmem:v1+s17+$0x0], $0xffff;
	_ =	sdelay $0x4  }
0x1ab: {  	v2 =	vmul.u32 $0x100, v6;
	v3 =	vshrl.u32 v3, $0x8  }
0x1ac: {  	v3 =	vand.u32 $0xFF, v3  }
0x1ad: {  	v4 =	vor.u32 v2, v3;
	_ =	sdelay $0x3  }
0x1ae: {  	s18 =	simm.s32 $0x2D30  }
0x1af: {  	s20 =	simm.s32 $0x1;
	v6 =	vld.idx.msk [tilespmem:v4+s18+$0x0], $0xffff  }
0x1b0: {  	v5 =	vor.u32 s20, v0;
	s20 =	simm.s32 $0x2;
	s19 =	simm.s32 $0x1930;
	v3 =	vimm.s32 $0x1  }
.LBB2_29:
0x1b1: {  	p0 =	sne.s32 s20, $0x3F;
	_ =	sdelay $0x1  }
0x1b2: {  	[tilespmem:v4+s18+$0x0] =	vst.idx.add.s32.msk $0xffff, v3  }
0x1b3: {  	[tilespmem:v1+s19+$0x0] =	vst.idx.msk $0xffff, v6;
	v1 =	vmov v5  }
0x1b4: {  	v4 =	vld.idx.msk [tilespmem:v5+s17+$0x0], $0xffff;
	_ =	sdelay $0x5  }
0x1b5: {  	v4 =	vshrl.u32 v4, $0x8  }
0x1b6: {  	v4 =	vand.u32 $0xFF, v4  }
0x1b7: {  	v4 =	vor.u32 v2, v4;
	_ =	sdelay $0x2  }
.Ltmp14:
0x1b8: {  	(pc) =	sbr.rel @p0 .LBB2_29-.Ltmp14, $3  }
0x1b9: {  	_ = 	snop  }
0x1ba: {  	v6 =	vld.idx.msk [tilespmem:v4+s18+$0x0], $0xffff;
	_ =	sdelay $0x1  }
0x1bb: {  	v5 =	vor.u32 s20, v0;
	s20 =	sadd.s32 $0x1, s20  }
0x1bc: {  	_ =	sdelay $0x3  }
0x1bd: {  	[tilespmem:v4+s18+$0x0] =	vst.idx.add.s32.msk $0xffff, v3  }
0x1be: {  	[tilespmem:v1+s19+$0x0] =	vst.idx.msk $0xffff, v6  }
0x1bf: {  	v0 =	vld.idx.msk [tilespmem:v5+s17+$0x0], $0xffff;
	_ =	sdelay $0x4  }
0x1c0: {  	v0 =	vshrl.u32 v0, $0x8  }
0x1c1: {  	v0 =	vand.u32 $0xFF, v0  }
0x1c2: {  	v0 =	vor.u32 v2, v0;
	_ =	sdelay $0x4  }
0x1c3: {  	v1 =	vld.idx.msk [tilespmem:v0+s18+$0x0], $0xffff;
	_ =	sdelay $0x3  }
0x1c4: {  	s28 =	simm.s32 $0x400;
	[tilespmem:v0+s18+$0x0] =	vst.idx.add.s32.msk $0xffff, v3  }
0x1c5: {  	s29 =	simm.s32 $0x1930;
	s30 =	simm.s32 $0x1130;
	s20 =	simm.s32 $0x1;
	[tilespmem:v5+s19+$0x0] =	vst.idx.msk $0xffff, v1  }
0x1c6: {  	[spmem:s9] =	stream.indirect.scatter [tilespmem:s30], [sflag:$0x1], $0x1, s29, s28, $0xb8;
	[tilespmem:$0x58B0] =	vst v63  }
0x1c7: {  	_ =	swait.ge [sflag:s20], $0x400  }
0x1c8: {  	[sflag:s20] =	ssyncset.done $0x0  }
0x1c9: {  	s21 =	simm.s32 $0x1530;
	[sflag:s20] =	ssyncadd.s32 $0xFFFFFC00  }
0x1ca: {  	[spmem:s7] =	stream.indirect.scatter [tilespmem:s21], [sflag:$0x1], $0x1, s29, s28, $0xb8;
	[tilespmem:$0x58B0] =	vst v63  }
0x1cb: {  	_ =	swait.ge [sflag:s20], $0x400  }
0x1cc: {  	[sflag:s20] =	ssyncset.done $0x0  }
0x1cd: {  	[sflag:s20] =	ssyncadd.s32 $0xFFFFFC00  }
0x1ce: {  	s31 =	sadd.s32 s14, s9;
	[bflag:$0x0] =	sbarrier.arrive $0xFFFF  }
0x1cf: {  	[tilespmem:s30], [sflag:$0x1] =	stream.linear.gather [spmem:s31], $0x400, $0x38;
	[tilespmem:$0x58B0] =	vst v63  }
0x1d0: {  	_ =	swait.ge [sflag:s20], $0x400  }
0x1d1: {  	[sflag:s20] =	ssyncset.done $0x0  }
0x1d2: {  	s14 =	sadd.s32 s14, s7;
	[sflag:s20] =	ssyncadd.s32 $0xFFFFFC00  }
0x1d3: {  	[tilespmem:s21], [sflag:$0x1] =	stream.linear.gather [spmem:s14], $0x400, $0x38;
	[tilespmem:$0x58B0] =	vst v63  }
0x1d4: {  	_ =	swait.ge [sflag:s20], $0x400  }
0x1d5: {  	[sflag:s20] =	ssyncset.done $0x0  }
0x1d6: {  	s17 =	simm.s32 $0x0;
	v0 =	vimm.s32 $0x0;
	s18 =	simm.s32 $0x0;
	[sflag:s20] =	ssyncadd.s32 $0xFFFFFC00  }
.LBB2_31:
0x1d7: {  	p0 =	sne.s32 s18, $0x3FC0  }
.Ltmp15:
0x1d8: {  	_ = 	snop;
	(pc) =	sbr.rel @p0 .LBB2_31-.Ltmp15, $3  }
0x1d9: {  	_ =	sdelay $0x1  }
0x1da: {  	s19 =	sshra.s32 s18, $0x2  }
0x1db: {  	s18 =	sadd.s32 $0x40, s18;
	[tilespmem:s19+$0x1D30] =	vst v0  }
0x1dc: {  	v1 =	vlaneseq.u32  }
0x1dd: {  	v0 =	vmul.u32 $0x40, v1  }
0x1de: {  	s18 =	simm.s32 $0x1130;
	v2 =	vimm.s32 $0x1;
	s19 =	simm.s32 $0x1D30;
	v1 =	vmul.u32 $0x100, v1  }
.LBB2_33:
0x1df: {  	v3 =	vor.u32 s17, v0;
	_ =	sdelay $0x4  }
0x1e0: {  	v3 =	vld.idx.msk [tilespmem:v3+s18+$0x0], $0xffff;
	_ =	sdelay $0x4  }
0x1e1: {  	v3 =	vshrl.u32 v3, $0x10  }
0x1e2: {  	v3 =	vand.u32 $0xFF, v3  }
0x1e3: {  	p0 =	sne.s32 s17, $0x3F;
	v3 =	vor.u32 v1, v3  }
.Ltmp16:
0x1e4: {  	_ = 	snop;
	(pc) =	sbr.rel @p0 .LBB2_33-.Ltmp16, $2  }
0x1e5: {  	_ =	sdelay $0x2  }
0x1e6: {  	s17 =	sadd.s32 $0x1, s17;
	[tilespmem:v3+s19+$0x0] =	vst.idx.add.s32.msk $0xffff, v2  }
0x1e7: {  	s17 =	simm.s32 $0x0  }
0x1e8: {  	s17 =	sand.u32 $0xF0, s17  }
0x1e9: {  	v0 =	vld [tilespmem:s17+$0x1E30]  }
0x1ea: {  	v1 =	vld [tilespmem:s17+$0x1D30]  }
0x1eb: {  	v2 =	vld [tilespmem:s17+$0x1F30]  }
0x1ec: {  	v3 =	vld [tilespmem:s17+$0x2030]  }
0x1ed: {  	v4 =	vld [tilespmem:s17+$0x2130]  }
0x1ee: {  	v5 =	vld [tilespmem:s17+$0x2230]  }
0x1ef: {  	v0 =	vadd.s32 v1, v0;
	v1 =	vld [tilespmem:s17+$0x2330]  }
0x1f0: {  	v0 =	vadd.s32 v0, v2;
	v2 =	vld [tilespmem:s17+$0x2430]  }
0x1f1: {  	v0 =	vadd.s32 v0, v3;
	v3 =	vld [tilespmem:s17+$0x2530]  }
0x1f2: {  	v60 =	vld [tilespmem:s17+$0x2630];
	v0 =	vadd.s32 v0, v4  }
0x1f3: {  	v61 =	vld [tilespmem:s17+$0x2730];
	v0 =	vadd.s32 v0, v5  }
0x1f4: {  	v0 =	vadd.s32 v0, v1;
	v1 =	vld [tilespmem:s17+$0x2830]  }
0x1f5: {  	v0 =	vadd.s32 v0, v2;
	v2 =	vld [tilespmem:s17+$0x2930]  }
0x1f6: {  	v0 =	vadd.s32 v0, v3;
	v3 =	vld [tilespmem:s17+$0x2A30]  }
0x1f7: {  	v62 =	vld [tilespmem:s17+$0x2B30];
	v0 =	vadd.s32 v0, v60  }
0x1f8: {  	v63 =	vld [tilespmem:s17+$0x2C30];
	v0 =	vadd.s32 v0, v61  }
0x1f9: {  	v0 =	vadd.s32 v0, v1  }
0x1fa: {  	v0 =	vadd.s32 v0, v2  }
0x1fb: {  	v0 =	vadd.s32 v0, v3  }
0x1fc: {  	v0 =	vadd.s32 v0, v62  }
0x1fd: {  	s18 =	simm.s32 $0x10;
	s17 =	simm.s32 $0x4D30;
	v0 =	vadd.s32 v0, v63  }
0x1fe: {  	s18 =	sand.u32 $0xF0, s18;
	[tilespmem:s17+$0x0] =	vst v0  }
0x1ff: {  	s19 =	simm.s32 $0x20;
	v0 =	vld [tilespmem:s18+$0x1E30]  }
.LBB2_35:
0x200: {  	p0 =	sne.s32 s19, $0xF0;
	v1 =	vld [tilespmem:s18+$0x1D30]  }
0x201: {  	v2 =	vld [tilespmem:s18+$0x1F30]  }
0x202: {  	v3 =	vld [tilespmem:s18+$0x2030]  }
0x203: {  	v4 =	vld [tilespmem:s18+$0x2130]  }
0x204: {  	v5 =	vld [tilespmem:s18+$0x2230]  }
0x205: {  	v0 =	vadd.s32 v1, v0;
	v1 =	vld [tilespmem:s18+$0x2330]  }
0x206: {  	v0 =	vadd.s32 v0, v2;
	v2 =	vld [tilespmem:s18+$0x2430]  }
0x207: {  	v0 =	vadd.s32 v0, v3;
	v3 =	vld [tilespmem:s18+$0x2530]  }
0x208: {  	v0 =	vadd.s32 v0, v4;
	v4 =	vld [tilespmem:s18+$0x2630]  }
0x209: {  	v0 =	vadd.s32 v0, v5;
	v5 =	vld [tilespmem:s18+$0x2730]  }
0x20a: {  	v0 =	vadd.s32 v0, v1;
	v1 =	vld [tilespmem:s18+$0x2830]  }
0x20b: {  	v0 =	vadd.s32 v0, v2;
	v2 =	vld [tilespmem:s18+$0x2930]  }
0x20c: {  	v0 =	vadd.s32 v0, v3;
	v3 =	vld [tilespmem:s18+$0x2A30]  }
0x20d: {  	v0 =	vadd.s32 v0, v4;
	v4 =	vld [tilespmem:s18+$0x2B30]  }
0x20e: {  	v0 =	vadd.s32 v0, v5;
	v5 =	vld [tilespmem:s18+$0x2C30]  }
0x20f: {  	v0 =	vadd.s32 v0, v1  }
0x210: {  	v0 =	vadd.s32 v0, v2  }
.Ltmp17:
0x211: {  	v0 =	vadd.s32 v0, v3;
	(pc) =	sbr.rel @p0 .LBB2_35-.Ltmp17, $4  }
0x212: {  	v0 =	vadd.s32 v0, v4  }
0x213: {  	s17 =	sadd.s32 $0x10, s17;
	v0 =	vadd.s32 v0, v5  }
0x214: {  	s18 =	sand.u32 $0xF0, s19;
	[tilespmem:s17+$0x0] =	vst v0  }
0x215: {  	s19 =	sadd.s32 $0x10, s19;
	v0 =	vld [tilespmem:s18+$0x1E30]  }
0x216: {  	v1 =	vld [tilespmem:s18+$0x1D30]  }
0x217: {  	v2 =	vld [tilespmem:s18+$0x1F30]  }
0x218: {  	v3 =	vld [tilespmem:s18+$0x2030]  }
0x219: {  	v4 =	vld [tilespmem:s18+$0x2130]  }
0x21a: {  	v5 =	vld [tilespmem:s18+$0x2230]  }
0x21b: {  	v54 =	vld [tilespmem:s18+$0x2330];
	v0 =	vadd.s32 v1, v0  }
0x21c: {  	v55 =	vld [tilespmem:s18+$0x2430];
	v0 =	vadd.s32 v0, v2  }
0x21d: {  	v56 =	vld [tilespmem:s18+$0x2530];
	v0 =	vadd.s32 v0, v3  }
0x21e: {  	v57 =	vld [tilespmem:s18+$0x2630];
	v0 =	vadd.s32 v0, v4  }
0x21f: {  	v58 =	vld [tilespmem:s18+$0x2730];
	v0 =	vadd.s32 v0, v5  }
0x220: {  	v59 =	vld [tilespmem:s18+$0x2830];
	v0 =	vadd.s32 v0, v54  }
0x221: {  	v60 =	vld [tilespmem:s18+$0x2930];
	v0 =	vadd.s32 v0, v55  }
0x222: {  	v61 =	vld [tilespmem:s18+$0x2A30];
	v0 =	vadd.s32 v0, v56  }
0x223: {  	v62 =	vld [tilespmem:s18+$0x2B30];
	v0 =	vadd.s32 v0, v57  }
0x224: {  	v63 =	vld [tilespmem:s18+$0x2C30];
	v0 =	vadd.s32 v0, v58  }
0x225: {  	v0 =	vadd.s32 v0, v59  }
0x226: {  	v0 =	vadd.s32 v0, v60  }
0x227: {  	v0 =	vadd.s32 v0, v61  }
0x228: {  	v0 =	vadd.s32 v0, v62  }
0x229: {  	s17 =	sadd.s32 $0x10, s17;
	v0 =	vadd.s32 v0, v63  }
0x22a: {  	s29 =	simm.s32 $0x4D30;
	s30 =	simm.s32 $0x1;
	[tilespmem:s17+$0x0] =	vst v0  }
0x22b: {  	[spmem:s13] =	stream.linear.scatter [tilespmem:s29], [sflag:$0x1], $0x100, $0x38;
	[tilespmem:$0x58B0] =	vst v63  }
0x22c: {  	_ =	swait.ge [sflag:s30], $0x100  }
0x22d: {  	[sflag:s30] =	ssyncset.done $0x0  }
0x22e: {  	[sflag:s30] =	ssyncadd.s32 $0xFFFFFF00  }
0x22f: {  	s31 =	simm.s32 $0x3D30;
	[bflag:$0x0] =	sbarrier.arrive $0xFFFF  }
0x230: {  	[tilespmem:s31], [sflag:$0x1] =	stream.linear.gather [spmem:s10], $0x1000, $0x38;
	[tilespmem:$0x58B0] =	vst v63  }
0x231: {  	_ =	swait.ge [sflag:s30], $0x1000  }
0x232: {  	s18 =	simm.s32 $0x0;
	s19 =	simm.s32 $0x0;
	[sflag:s30] =	ssyncset.done $0x0  }
0x233: {  	s20 =	simm.s32 $0x0;
	s17 =	simm.s32 $0x0;
	[sflag:s30] =	ssyncadd.s32 $0xFFFFF000  }
.LBB2_37:
0x234: {  	s21 =	sshll.u32 s18, $0x2;
	s22 =	sand.u32 $0x7, s17  }
0x235: {  	s21 =	sand.u32 $0xFFFFFE00, s21;
	s22 =	sshll.u32 s22, $0x6  }
0x236: {  	s21 =	sor.u32 s22, s21  }
0x237: {  	s21 =	sshrl.u32 s21, $0x2  }
0x238: {  	s31 =	sadd.s32 $0x3D30, s21  }
0x239: {  	v2 =	vld [tilespmem:s31+$0x0];
	_ =	sdelay $0x2  }
0x23a: {  	p0 =	sgt.u32 s4, $0x0;
	s23 =	simm.s32 $0x1  }
0x23b: {  	v0 =	vimm.s32 $0x0;
	s23 =	simm.s32 @!p0 $0x0  }
0x23c: {  	s21 =	simm.s32 $0x1;
	s22 =	sadd.s32 $0x100, s31;
	v1 =	vadd.s32 v0, v2;
	v2 =	vmul.u32 s23, v2  }
.LBB2_38:
0x23d: {  	v3 =	vld [tilespmem:s22+$0x0];
	p0 =	sne.s32 s21, $0xF;
	s23 =	smov.u32 s21;
	s21 =	sadd.s32 $0x1, s21  }
.Ltmp18:
0x23e: {  	v0 =	vadd.s32 v0, v2;
	(pc) =	sbr.rel @p0 .LBB2_38-.Ltmp18, $4  }
0x23f: {  	_ = 	snop  }
0x240: {  	p1 =	slt.u32 s23, s4;
	s23 =	simm.s32 $0x1  }
0x241: {  	s23 =	simm.s32 @!p1 $0x0  }
0x242: {  	s22 =	sadd.s32 $0x100, s22;
	v1 =	vadd.s32 v1, v3;
	v2 =	vmul.u32 s23, v3  }
0x243: {  	(xrf0) =	vadd.scan.msk.s32 $0xffff, v1;
	_ =	sdelay $0x5  }
0x244: {  	v3, _, _ =	vpop (xrf0)  }
0x245: {  	(v2sf) =	vpush v3, $0xF;
	_ =	sdelay $0x9  }
0x246: {  	s21 =	sshll.u32 s20, $0x4;
	s20 =	sadd.s32 $0x1, s20  }
0x247: {  	p0 =	sne.s32 s20, $0x10  }
.Ltmp19:
0x248: {  	_ = 	snop;
	(pc) =	sbr.rel @p0 .LBB2_37-.Ltmp19, $4  }
0x249: {  	v63 =	vsub.s32 s19, v1;
	v0 =	vadd.s32 v0, v2  }
0x24a: {  	v0 =	vadd.s32 v0, v63  }
0x24b: {  	s21 =	sand.u32 $0x3FFFFFF0, s21;
	v0 =	vadd.s32 v3, v0;
	s22 =	spop (v2sf)  }
0x24c: {  	s18 =	sadd.s32 $0x10, s18;
	s17 =	sadd.s32 $0x1, s17;
	[tilespmem:s21+$0x4E30] =	vst v0;
	s19 =	sadd.s32 s19, s22  }
0x24d: {  	s17 =	simm.s32 $0x0  }
0x24e: {  	v0 =	vld [tilespmem:s17+$0x4E30]  }
0x24f: {  	v1 =	vld [tilespmem:s17+$0x1D30]  }
0x250: {  	v2 =	vld [tilespmem:s17+$0x1E30]  }
0x251: {  	v3 =	vld [tilespmem:s17+$0x1F30]  }
0x252: {  	v4 =	vld [tilespmem:s17+$0x2030]  }
0x253: {  	v5 =	vld [tilespmem:s17+$0x2130]  }
0x254: {  	[tilespmem:s17+$0x2D30] =	vst v0;
	v0 =	vadd.s32 v0, v1;
	v1 =	vld [tilespmem:s17+$0x2230]  }
0x255: {  	[tilespmem:s17+$0x2E30] =	vst v0;
	v0 =	vadd.s32 v2, v0;
	v2 =	vld [tilespmem:s17+$0x2330]  }
0x256: {  	[tilespmem:s17+$0x2F30] =	vst v0;
	v0 =	vadd.s32 v3, v0;
	v3 =	vld [tilespmem:s17+$0x2430]  }
0x257: {  	[tilespmem:s17+$0x3030] =	vst v0;
	v0 =	vadd.s32 v4, v0;
	v4 =	vld [tilespmem:s17+$0x2530]  }
0x258: {  	[tilespmem:s17+$0x3130] =	vst v0;
	v0 =	vadd.s32 v5, v0;
	v5 =	vld [tilespmem:s17+$0x2630]  }
0x259: {  	v6 =	vld [tilespmem:s17+$0x2730];
	[tilespmem:s17+$0x3230] =	vst v0;
	v0 =	vadd.s32 v1, v0  }
0x25a: {  	v1 =	vld [tilespmem:s17+$0x2830];
	[tilespmem:s17+$0x3330] =	vst v0;
	v0 =	vadd.s32 v2, v0  }
0x25b: {  	v2 =	vld [tilespmem:s17+$0x2930];
	[tilespmem:s17+$0x3430] =	vst v0;
	v0 =	vadd.s32 v3, v0  }
0x25c: {  	v3 =	vld [tilespmem:s17+$0x2A30];
	[tilespmem:s17+$0x3530] =	vst v0;
	v0 =	vadd.s32 v4, v0  }
0x25d: {  	s19 =	simm.s32 $0x10;
	v4 =	vld [tilespmem:s17+$0x2B30];
	[tilespmem:s17+$0x3630] =	vst v0;
	v5 =	vadd.s32 v5, v0  }
0x25e: {  	s18 =	simm.s32 $0x0;
	s20 =	simm.s32 $0x80;
	v0 =	vld [tilespmem:s19+$0x4E30];
	[tilespmem:s17+$0x3730] =	vst v5;
	v5 =	vadd.s32 v6, v5  }
.LBB2_41:
0x25f: {  	p0 =	sne.s32 s20, $0x3C0;
	v6 =	vld [tilespmem:s19+$0x1D30];
	[tilespmem:s17+$0x3830] =	vst v5;
	v1 =	vadd.s32 v1, v5  }
0x260: {  	v5 =	vld [tilespmem:s19+$0x1E30];
	[tilespmem:s17+$0x3930] =	vst v1;
	v1 =	vadd.s32 v2, v1  }
0x261: {  	v2 =	vld [tilespmem:s19+$0x1F30];
	[tilespmem:s17+$0x3A30] =	vst v1;
	v1 =	vadd.s32 v3, v1  }
0x262: {  	v3 =	vld [tilespmem:s19+$0x2030];
	[tilespmem:s17+$0x3B30] =	vst v1;
	v1 =	vadd.s32 v4, v1  }
0x263: {  	v4 =	vld [tilespmem:s19+$0x2130];
	[tilespmem:s17+$0x3C30] =	vst v1;
	s17 =	smov.u32 s19  }
0x264: {  	[tilespmem:s17+$0x2D30] =	vst v0;
	v0 =	vadd.s32 v0, v6;
	v1 =	vld [tilespmem:s17+$0x2230]  }
0x265: {  	[tilespmem:s17+$0x2E30] =	vst v0;
	v0 =	vadd.s32 v5, v0;
	v5 =	vld [tilespmem:s17+$0x2330]  }
0x266: {  	[tilespmem:s17+$0x2F30] =	vst v0;
	v0 =	vadd.s32 v2, v0;
	v2 =	vld [tilespmem:s17+$0x2430]  }
0x267: {  	[tilespmem:s17+$0x3030] =	vst v0;
	v0 =	vadd.s32 v3, v0;
	v3 =	vld [tilespmem:s17+$0x2530]  }
0x268: {  	[tilespmem:s17+$0x3130] =	vst v0;
	v0 =	vadd.s32 v4, v0;
	v4 =	vld [tilespmem:s17+$0x2630]  }
0x269: {  	[tilespmem:s17+$0x3230] =	vst v0;
	v0 =	vadd.s32 v1, v0;
	v6 =	vld [tilespmem:s17+$0x2730]  }
.Ltmp20:
0x26a: {  	[tilespmem:s17+$0x3330] =	vst v0;
	v0 =	vadd.s32 v5, v0;
	v1 =	vld [tilespmem:s17+$0x2830];
	(pc) =	sbr.rel @p0 .LBB2_41-.Ltmp20, $4  }
0x26b: {  	[tilespmem:s17+$0x3430] =	vst v0;
	v0 =	vadd.s32 v2, v0;
	v2 =	vld [tilespmem:s17+$0x2930]  }
0x26c: {  	[tilespmem:s17+$0x3530] =	vst v0;
	v0 =	vadd.s32 v3, v0;
	v3 =	vld [tilespmem:s17+$0x2A30]  }
0x26d: {  	s19 =	sshra.s32 s20, $0x2;
	[tilespmem:s17+$0x3630] =	vst v0;
	v5 =	vadd.s32 v4, v0;
	v4 =	vld [tilespmem:s17+$0x2B30]  }
0x26e: {  	s20 =	sadd.s32 $0x40, s20;
	v0 =	vld [tilespmem:s19+$0x4E30];
	[tilespmem:s17+$0x3730] =	vst v5;
	v5 =	vadd.s32 v6, v5  }
0x26f: {  	v6 =	vld [tilespmem:s19+$0x1D30];
	[tilespmem:s17+$0x3830] =	vst v5;
	v1 =	vadd.s32 v1, v5  }
0x270: {  	v5 =	vld [tilespmem:s19+$0x1E30];
	[tilespmem:s17+$0x3930] =	vst v1;
	v1 =	vadd.s32 v2, v1  }
0x271: {  	v2 =	vld [tilespmem:s19+$0x1F30];
	[tilespmem:s17+$0x3A30] =	vst v1;
	v1 =	vadd.s32 v3, v1  }
0x272: {  	v3 =	vld [tilespmem:s19+$0x2030];
	[tilespmem:s17+$0x3B30] =	vst v1;
	v1 =	vadd.s32 v4, v1  }
0x273: {  	v4 =	vld [tilespmem:s19+$0x2130];
	[tilespmem:s17+$0x3C30] =	vst v1  }
0x274: {  	[tilespmem:s19+$0x2D30] =	vst v0;
	v0 =	vadd.s32 v0, v6;
	v1 =	vld [tilespmem:s19+$0x2230]  }
0x275: {  	[tilespmem:s19+$0x2E30] =	vst v0;
	v0 =	vadd.s32 v5, v0;
	v5 =	vld [tilespmem:s19+$0x2330]  }
0x276: {  	[tilespmem:s19+$0x2F30] =	vst v0;
	v0 =	vadd.s32 v2, v0;
	v2 =	vld [tilespmem:s19+$0x2430]  }
0x277: {  	[tilespmem:s19+$0x3030] =	vst v0;
	v0 =	vadd.s32 v3, v0;
	v3 =	vld [tilespmem:s19+$0x2530]  }
0x278: {  	[tilespmem:s19+$0x3130] =	vst v0;
	v0 =	vadd.s32 v4, v0;
	v4 =	vld [tilespmem:s19+$0x2630]  }
0x279: {  	[tilespmem:s19+$0x3230] =	vst v0;
	v0 =	vadd.s32 v1, v0;
	v1 =	vld [tilespmem:s19+$0x2730]  }
0x27a: {  	[tilespmem:s19+$0x3330] =	vst v0;
	v0 =	vadd.s32 v5, v0;
	v5 =	vld [tilespmem:s19+$0x2830]  }
0x27b: {  	[tilespmem:s19+$0x3430] =	vst v0;
	v0 =	vadd.s32 v2, v0;
	v2 =	vld [tilespmem:s19+$0x2930]  }
0x27c: {  	v6 =	vlaneseq.u32;
	[tilespmem:s19+$0x3530] =	vst v0;
	v0 =	vadd.s32 v3, v0;
	v3 =	vld [tilespmem:s19+$0x2A30]  }
0x27d: {  	v7 =	vld [tilespmem:s19+$0x2B30];
	[tilespmem:s19+$0x3630] =	vst v0;
	v4 =	vadd.s32 v4, v0;
	v0 =	vmul.u32 $0x40, v6  }
0x27e: {  	[tilespmem:s19+$0x3730] =	vst v4;
	v1 =	vadd.s32 v1, v4  }
0x27f: {  	[tilespmem:s19+$0x3830] =	vst v1;
	v4 =	vadd.s32 v5, v1;
	v1 =	vor.u32 s18, v0  }
0x280: {  	[tilespmem:s19+$0x3930] =	vst v4;
	v2 =	vadd.s32 v2, v4  }
0x281: {  	[tilespmem:s19+$0x3A30] =	vst v2;
	v2 =	vadd.s32 v3, v2  }
0x282: {  	[tilespmem:s19+$0x3B30] =	vst v2;
	v2 =	vadd.s32 v7, v2  }
0x283: {  	s17 =	simm.s32 $0x1130;
	[tilespmem:s19+$0x3C30] =	vst v2  }
0x284: {  	v3 =	vld.idx.msk [tilespmem:v1+s17+$0x0], $0xffff;
	_ =	sdelay $0x4  }
0x285: {  	v2 =	vmul.u32 $0x100, v6;
	v3 =	vshrl.u32 v3, $0x10  }
0x286: {  	v3 =	vand.u32 $0xFF, v3  }
0x287: {  	v4 =	vor.u32 v2, v3;
	_ =	sdelay $0x3  }
0x288: {  	s18 =	simm.s32 $0x2D30  }
0x289: {  	s20 =	simm.s32 $0x1;
	v6 =	vld.idx.msk [tilespmem:v4+s18+$0x0], $0xffff  }
0x28a: {  	v5 =	vor.u32 s20, v0;
	s20 =	simm.s32 $0x2;
	s19 =	simm.s32 $0x1930;
	v3 =	vimm.s32 $0x1  }
.LBB2_43:
0x28b: {  	p0 =	sne.s32 s20, $0x3F;
	_ =	sdelay $0x1  }
0x28c: {  	[tilespmem:v4+s18+$0x0] =	vst.idx.add.s32.msk $0xffff, v3  }
0x28d: {  	[tilespmem:v1+s19+$0x0] =	vst.idx.msk $0xffff, v6;
	v1 =	vmov v5  }
0x28e: {  	v4 =	vld.idx.msk [tilespmem:v5+s17+$0x0], $0xffff;
	_ =	sdelay $0x5  }
0x28f: {  	v4 =	vshrl.u32 v4, $0x10  }
0x290: {  	v4 =	vand.u32 $0xFF, v4  }
0x291: {  	v4 =	vor.u32 v2, v4;
	_ =	sdelay $0x2  }
.Ltmp21:
0x292: {  	(pc) =	sbr.rel @p0 .LBB2_43-.Ltmp21, $3  }
0x293: {  	_ = 	snop  }
0x294: {  	v6 =	vld.idx.msk [tilespmem:v4+s18+$0x0], $0xffff;
	_ =	sdelay $0x1  }
0x295: {  	v5 =	vor.u32 s20, v0;
	s20 =	sadd.s32 $0x1, s20  }
0x296: {  	_ =	sdelay $0x3  }
0x297: {  	[tilespmem:v4+s18+$0x0] =	vst.idx.add.s32.msk $0xffff, v3  }
0x298: {  	[tilespmem:v1+s19+$0x0] =	vst.idx.msk $0xffff, v6  }
0x299: {  	v0 =	vld.idx.msk [tilespmem:v5+s17+$0x0], $0xffff;
	_ =	sdelay $0x4  }
0x29a: {  	v0 =	vshrl.u32 v0, $0x10  }
0x29b: {  	v0 =	vand.u32 $0xFF, v0  }
0x29c: {  	v0 =	vor.u32 v2, v0;
	_ =	sdelay $0x4  }
0x29d: {  	v1 =	vld.idx.msk [tilespmem:v0+s18+$0x0], $0xffff;
	_ =	sdelay $0x3  }
0x29e: {  	s28 =	simm.s32 $0x400;
	[tilespmem:v0+s18+$0x0] =	vst.idx.add.s32.msk $0xffff, v3  }
0x29f: {  	s29 =	simm.s32 $0x1930;
	s30 =	simm.s32 $0x1130;
	s31 =	simm.s32 $0x1;
	[tilespmem:v5+s19+$0x0] =	vst.idx.msk $0xffff, v1  }
0x2a0: {  	[spmem:s12] =	stream.indirect.scatter [tilespmem:s30], [sflag:$0x1], $0x1, s29, s28, $0xb8;
	[tilespmem:$0x58B0] =	vst v63  }
0x2a1: {  	_ =	swait.ge [sflag:s31], $0x400  }
0x2a2: {  	[sflag:s31] =	ssyncset.done $0x0  }
0x2a3: {  	s20 =	simm.s32 $0x1530;
	[sflag:s31] =	ssyncadd.s32 $0xFFFFFC00  }
0x2a4: {  	[spmem:s11] =	stream.indirect.scatter [tilespmem:s20], [sflag:$0x1], $0x1, s29, s28, $0xb8;
	[tilespmem:$0x58B0] =	vst v63  }
0x2a5: {  	_ =	swait.ge [sflag:s31], $0x400  }
0x2a6: {  	[sflag:s31] =	ssyncset.done $0x0  }
0x2a7: {  	[sflag:s31] =	ssyncadd.s32 $0xFFFFFC00  }
0x2a8: {  	[bflag:$0x0] =	sbarrier.arrive $0xFFFF  }
0x2a9: {  	[tilespmem:s30], [sflag:$0x1] =	stream.linear.gather [spmem:s15], $0x400, $0x38;
	[tilespmem:$0x58B0] =	vst v63  }
0x2aa: {  	_ =	swait.ge [sflag:s31], $0x400  }
0x2ab: {  	[sflag:s31] =	ssyncset.done $0x0  }
0x2ac: {  	[sflag:s31] =	ssyncadd.s32 $0xFFFFFC00  }
0x2ad: {  	[tilespmem:s20], [sflag:$0x1] =	stream.linear.gather [spmem:s16], $0x400, $0x38;
	[tilespmem:$0x58B0] =	vst v63  }
0x2ae: {  	_ =	swait.ge [sflag:s31], $0x400  }
0x2af: {  	[sflag:s31] =	ssyncset.done $0x0  }
0x2b0: {  	v0 =	vimm.s32 $0x0;
	s12 =	simm.s32 $0x0;
	s11 =	simm.s32 $0x0;
	[sflag:s31] =	ssyncadd.s32 $0xFFFFFC00  }
.LBB2_45:
0x2b1: {  	p0 =	sne.s32 s12, $0x3FC0  }
.Ltmp22:
0x2b2: {  	_ = 	snop;
	(pc) =	sbr.rel @p0 .LBB2_45-.Ltmp22, $3  }
0x2b3: {  	_ =	sdelay $0x1  }
0x2b4: {  	s15 =	sshra.s32 s12, $0x2  }
0x2b5: {  	s12 =	sadd.s32 $0x40, s12;
	[tilespmem:s15+$0x1D30] =	vst v0  }
0x2b6: {  	v1 =	vlaneseq.u32  }
0x2b7: {  	v0 =	vmul.u32 $0x40, v1  }
0x2b8: {  	s12 =	simm.s32 $0x1130;
	v2 =	vimm.s32 $0x1;
	s15 =	simm.s32 $0x1D30;
	v1 =	vmul.u32 $0x100, v1  }
.LBB2_47:
0x2b9: {  	v3 =	vor.u32 s11, v0;
	_ =	sdelay $0x4  }
0x2ba: {  	v3 =	vld.idx.msk [tilespmem:v3+s12+$0x0], $0xffff;
	_ =	sdelay $0x4  }
0x2bb: {  	v3 =	vshrl.u32 v3, $0x18  }
0x2bc: {  	v4 =	vand.u32 $0x80, v3  }
0x2bd: {  	v3 =	vand.u32 $0x7F, v3;
	v4 =	vor.u32 v1, v4  }
0x2be: {  	p0 =	sne.s32 s11, $0x3F;
	v3 =	vor.u32 v3, v4  }
.Ltmp23:
0x2bf: {  	_ = 	snop;
	(pc) =	sbr.rel @p0 .LBB2_47-.Ltmp23, $2  }
0x2c0: {  	_ =	sdelay $0x2  }
0x2c1: {  	s11 =	sadd.s32 $0x1, s11;
	[tilespmem:v3+s15+$0x0] =	vst.idx.add.s32.msk $0xffff, v2  }
0x2c2: {  	s11 =	simm.s32 $0x0  }
0x2c3: {  	s11 =	sand.u32 $0xF0, s11  }
0x2c4: {  	v0 =	vld [tilespmem:s11+$0x1E30]  }
0x2c5: {  	v1 =	vld [tilespmem:s11+$0x1D30]  }
0x2c6: {  	v2 =	vld [tilespmem:s11+$0x1F30]  }
0x2c7: {  	v3 =	vld [tilespmem:s11+$0x2030]  }
0x2c8: {  	v4 =	vld [tilespmem:s11+$0x2130]  }
0x2c9: {  	v5 =	vld [tilespmem:s11+$0x2230]  }
0x2ca: {  	v0 =	vadd.s32 v1, v0;
	v1 =	vld [tilespmem:s11+$0x2330]  }
0x2cb: {  	v0 =	vadd.s32 v0, v2;
	v2 =	vld [tilespmem:s11+$0x2430]  }
0x2cc: {  	v0 =	vadd.s32 v0, v3;
	v3 =	vld [tilespmem:s11+$0x2530]  }
0x2cd: {  	v60 =	vld [tilespmem:s11+$0x2630];
	v0 =	vadd.s32 v0, v4  }
0x2ce: {  	v61 =	vld [tilespmem:s11+$0x2730];
	v0 =	vadd.s32 v0, v5  }
0x2cf: {  	v0 =	vadd.s32 v0, v1;
	v1 =	vld [tilespmem:s11+$0x2830]  }
0x2d0: {  	v0 =	vadd.s32 v0, v2;
	v2 =	vld [tilespmem:s11+$0x2930]  }
0x2d1: {  	v0 =	vadd.s32 v0, v3;
	v3 =	vld [tilespmem:s11+$0x2A30]  }
0x2d2: {  	v62 =	vld [tilespmem:s11+$0x2B30];
	v0 =	vadd.s32 v0, v60  }
0x2d3: {  	v63 =	vld [tilespmem:s11+$0x2C30];
	v0 =	vadd.s32 v0, v61  }
0x2d4: {  	v0 =	vadd.s32 v0, v1  }
0x2d5: {  	v0 =	vadd.s32 v0, v2  }
0x2d6: {  	v0 =	vadd.s32 v0, v3  }
0x2d7: {  	v0 =	vadd.s32 v0, v62  }
0x2d8: {  	s12 =	simm.s32 $0x10;
	s11 =	simm.s32 $0x4D30;
	v0 =	vadd.s32 v0, v63  }
0x2d9: {  	s12 =	sand.u32 $0xF0, s12;
	[tilespmem:s11+$0x0] =	vst v0  }
0x2da: {  	s15 =	simm.s32 $0x20;
	v0 =	vld [tilespmem:s12+$0x1E30]  }
.LBB2_49:
0x2db: {  	p0 =	sne.s32 s15, $0xF0;
	v1 =	vld [tilespmem:s12+$0x1D30]  }
0x2dc: {  	v2 =	vld [tilespmem:s12+$0x1F30]  }
0x2dd: {  	v3 =	vld [tilespmem:s12+$0x2030]  }
0x2de: {  	v4 =	vld [tilespmem:s12+$0x2130]  }
0x2df: {  	v5 =	vld [tilespmem:s12+$0x2230]  }
0x2e0: {  	v0 =	vadd.s32 v1, v0;
	v1 =	vld [tilespmem:s12+$0x2330]  }
0x2e1: {  	v0 =	vadd.s32 v0, v2;
	v2 =	vld [tilespmem:s12+$0x2430]  }
0x2e2: {  	v0 =	vadd.s32 v0, v3;
	v3 =	vld [tilespmem:s12+$0x2530]  }
0x2e3: {  	v0 =	vadd.s32 v0, v4;
	v4 =	vld [tilespmem:s12+$0x2630]  }
0x2e4: {  	v0 =	vadd.s32 v0, v5;
	v5 =	vld [tilespmem:s12+$0x2730]  }
0x2e5: {  	v0 =	vadd.s32 v0, v1;
	v1 =	vld [tilespmem:s12+$0x2830]  }
0x2e6: {  	v0 =	vadd.s32 v0, v2;
	v2 =	vld [tilespmem:s12+$0x2930]  }
0x2e7: {  	v0 =	vadd.s32 v0, v3;
	v3 =	vld [tilespmem:s12+$0x2A30]  }
0x2e8: {  	v0 =	vadd.s32 v0, v4;
	v4 =	vld [tilespmem:s12+$0x2B30]  }
0x2e9: {  	v0 =	vadd.s32 v0, v5;
	v5 =	vld [tilespmem:s12+$0x2C30]  }
0x2ea: {  	v0 =	vadd.s32 v0, v1  }
0x2eb: {  	v0 =	vadd.s32 v0, v2  }
.Ltmp24:
0x2ec: {  	v0 =	vadd.s32 v0, v3;
	(pc) =	sbr.rel @p0 .LBB2_49-.Ltmp24, $4  }
0x2ed: {  	v0 =	vadd.s32 v0, v4  }
0x2ee: {  	s11 =	sadd.s32 $0x10, s11;
	v0 =	vadd.s32 v0, v5  }
0x2ef: {  	s12 =	sand.u32 $0xF0, s15;
	[tilespmem:s11+$0x0] =	vst v0  }
0x2f0: {  	s15 =	sadd.s32 $0x10, s15;
	v0 =	vld [tilespmem:s12+$0x1E30]  }
0x2f1: {  	v1 =	vld [tilespmem:s12+$0x1D30]  }
0x2f2: {  	v2 =	vld [tilespmem:s12+$0x1F30]  }
0x2f3: {  	v3 =	vld [tilespmem:s12+$0x2030]  }
0x2f4: {  	v4 =	vld [tilespmem:s12+$0x2130]  }
0x2f5: {  	v5 =	vld [tilespmem:s12+$0x2230]  }
0x2f6: {  	v54 =	vld [tilespmem:s12+$0x2330];
	v0 =	vadd.s32 v1, v0  }
0x2f7: {  	v55 =	vld [tilespmem:s12+$0x2430];
	v0 =	vadd.s32 v0, v2  }
0x2f8: {  	v56 =	vld [tilespmem:s12+$0x2530];
	v0 =	vadd.s32 v0, v3  }
0x2f9: {  	v57 =	vld [tilespmem:s12+$0x2630];
	v0 =	vadd.s32 v0, v4  }
0x2fa: {  	v58 =	vld [tilespmem:s12+$0x2730];
	v0 =	vadd.s32 v0, v5  }
0x2fb: {  	v59 =	vld [tilespmem:s12+$0x2830];
	v0 =	vadd.s32 v0, v54  }
0x2fc: {  	v60 =	vld [tilespmem:s12+$0x2930];
	v0 =	vadd.s32 v0, v55  }
0x2fd: {  	v61 =	vld [tilespmem:s12+$0x2A30];
	v0 =	vadd.s32 v0, v56  }
0x2fe: {  	v62 =	vld [tilespmem:s12+$0x2B30];
	v0 =	vadd.s32 v0, v57  }
0x2ff: {  	v63 =	vld [tilespmem:s12+$0x2C30];
	v0 =	vadd.s32 v0, v58  }
0x300: {  	v0 =	vadd.s32 v0, v59  }
0x301: {  	v0 =	vadd.s32 v0, v60  }
0x302: {  	v0 =	vadd.s32 v0, v61  }
0x303: {  	v0 =	vadd.s32 v0, v62  }
0x304: {  	s11 =	sadd.s32 $0x10, s11;
	v0 =	vadd.s32 v0, v63  }
0x305: {  	s29 =	simm.s32 $0x4D30;
	s30 =	simm.s32 $0x1;
	[tilespmem:s11+$0x0] =	vst v0  }
0x306: {  	[spmem:s13] =	stream.linear.scatter [tilespmem:s29], [sflag:$0x1], $0x100, $0x38;
	[tilespmem:$0x58B0] =	vst v63  }
0x307: {  	_ =	swait.ge [sflag:s30], $0x100  }
0x308: {  	[sflag:s30] =	ssyncset.done $0x0  }
0x309: {  	[sflag:s30] =	ssyncadd.s32 $0xFFFFFF00  }
0x30a: {  	s31 =	simm.s32 $0x3D30;
	[bflag:$0x0] =	sbarrier.arrive $0xFFFF  }
0x30b: {  	[tilespmem:s31], [sflag:$0x1] =	stream.linear.gather [spmem:s10], $0x1000, $0x38;
	[tilespmem:$0x58B0] =	vst v63  }
0x30c: {  	_ =	swait.ge [sflag:s30], $0x1000  }
0x30d: {  	s12 =	simm.s32 $0x0;
	s11 =	simm.s32 $0x0;
	[sflag:s30] =	ssyncset.done $0x0  }
0x30e: {  	s13 =	simm.s32 $0x0;
	s10 =	simm.s32 $0x0;
	[sflag:s30] =	ssyncadd.s32 $0xFFFFF000  }
.LBB2_51:
0x30f: {  	s15 =	sshll.u32 s11, $0x2;
	s16 =	sand.u32 $0x7, s10  }
0x310: {  	s15 =	sand.u32 $0xFFFFFE00, s15;
	s16 =	sshll.u32 s16, $0x6  }
0x311: {  	s15 =	sor.u32 s16, s15  }
0x312: {  	s15 =	sshrl.u32 s15, $0x2  }
0x313: {  	s31 =	sadd.s32 $0x3D30, s15  }
0x314: {  	v2 =	vld [tilespmem:s31+$0x0];
	_ =	sdelay $0x2  }
0x315: {  	p0 =	sgt.u32 s4, $0x0;
	s17 =	simm.s32 $0x1  }
0x316: {  	v0 =	vimm.s32 $0x0;
	s17 =	simm.s32 @!p0 $0x0  }
0x317: {  	s15 =	simm.s32 $0x1;
	s16 =	sadd.s32 $0x100, s31;
	v1 =	vadd.s32 v0, v2;
	v2 =	vmul.u32 s17, v2  }
.LBB2_52:
0x318: {  	v3 =	vld [tilespmem:s16+$0x0];
	p0 =	sne.s32 s15, $0xF;
	s17 =	smov.u32 s15;
	s15 =	sadd.s32 $0x1, s15  }
.Ltmp25:
0x319: {  	v0 =	vadd.s32 v0, v2;
	(pc) =	sbr.rel @p0 .LBB2_52-.Ltmp25, $4  }
0x31a: {  	_ = 	snop  }
0x31b: {  	p1 =	slt.u32 s17, s4;
	s17 =	simm.s32 $0x1  }
0x31c: {  	s17 =	simm.s32 @!p1 $0x0  }
0x31d: {  	s16 =	sadd.s32 $0x100, s16;
	v1 =	vadd.s32 v1, v3;
	v2 =	vmul.u32 s17, v3  }
0x31e: {  	(xrf0) =	vadd.scan.msk.s32 $0xffff, v1;
	_ =	sdelay $0x5  }
0x31f: {  	v3, _, _ =	vpop (xrf0)  }
0x320: {  	(v2sf) =	vpush v3, $0xF;
	_ =	sdelay $0x9  }
0x321: {  	s15 =	sshll.u32 s13, $0x4;
	s13 =	sadd.s32 $0x1, s13  }
0x322: {  	p0 =	sne.s32 s13, $0x10  }
.Ltmp26:
0x323: {  	_ = 	snop;
	(pc) =	sbr.rel @p0 .LBB2_51-.Ltmp26, $4  }
0x324: {  	v63 =	vsub.s32 s12, v1;
	v0 =	vadd.s32 v0, v2  }
0x325: {  	v0 =	vadd.s32 v0, v63  }
0x326: {  	s15 =	sand.u32 $0x3FFFFFF0, s15;
	v0 =	vadd.s32 v3, v0;
	s16 =	spop (v2sf)  }
0x327: {  	s11 =	sadd.s32 $0x10, s11;
	s10 =	sadd.s32 $0x1, s10;
	[tilespmem:s15+$0x4E30] =	vst v0;
	s12 =	sadd.s32 s12, s16  }
0x328: {  	s10 =	simm.s32 $0x0  }
0x329: {  	v0 =	vld [tilespmem:s10+$0x4E30]  }
0x32a: {  	v1 =	vld [tilespmem:s10+$0x1D30]  }
0x32b: {  	v2 =	vld [tilespmem:s10+$0x1E30]  }
0x32c: {  	v3 =	vld [tilespmem:s10+$0x1F30]  }
0x32d: {  	v4 =	vld [tilespmem:s10+$0x2030]  }
0x32e: {  	v5 =	vld [tilespmem:s10+$0x2130]  }
0x32f: {  	[tilespmem:s10+$0x2D30] =	vst v0;
	v0 =	vadd.s32 v0, v1;
	v1 =	vld [tilespmem:s10+$0x2230]  }
0x330: {  	[tilespmem:s10+$0x2E30] =	vst v0;
	v0 =	vadd.s32 v2, v0;
	v2 =	vld [tilespmem:s10+$0x2330]  }
0x331: {  	[tilespmem:s10+$0x2F30] =	vst v0;
	v0 =	vadd.s32 v3, v0;
	v3 =	vld [tilespmem:s10+$0x2430]  }
0x332: {  	[tilespmem:s10+$0x3030] =	vst v0;
	v0 =	vadd.s32 v4, v0;
	v4 =	vld [tilespmem:s10+$0x2530]  }
0x333: {  	[tilespmem:s10+$0x3130] =	vst v0;
	v0 =	vadd.s32 v5, v0;
	v5 =	vld [tilespmem:s10+$0x2630]  }
0x334: {  	v6 =	vld [tilespmem:s10+$0x2730];
	[tilespmem:s10+$0x3230] =	vst v0;
	v0 =	vadd.s32 v1, v0  }
0x335: {  	v1 =	vld [tilespmem:s10+$0x2830];
	[tilespmem:s10+$0x3330] =	vst v0;
	v0 =	vadd.s32 v2, v0  }
0x336: {  	v2 =	vld [tilespmem:s10+$0x2930];
	[tilespmem:s10+$0x3430] =	vst v0;
	v0 =	vadd.s32 v3, v0  }
0x337: {  	v3 =	vld [tilespmem:s10+$0x2A30];
	[tilespmem:s10+$0x3530] =	vst v0;
	v0 =	vadd.s32 v4, v0  }
0x338: {  	s12 =	simm.s32 $0x10;
	v4 =	vld [tilespmem:s10+$0x2B30];
	[tilespmem:s10+$0x3630] =	vst v0;
	v5 =	vadd.s32 v5, v0  }
0x339: {  	s11 =	simm.s32 $0x0;
	s13 =	simm.s32 $0x80;
	v0 =	vld [tilespmem:s12+$0x4E30];
	[tilespmem:s10+$0x3730] =	vst v5;
	v5 =	vadd.s32 v6, v5  }
.LBB2_55:
0x33a: {  	p0 =	sne.s32 s13, $0x3C0;
	v6 =	vld [tilespmem:s12+$0x1D30];
	[tilespmem:s10+$0x3830] =	vst v5;
	v1 =	vadd.s32 v1, v5  }
0x33b: {  	v5 =	vld [tilespmem:s12+$0x1E30];
	[tilespmem:s10+$0x3930] =	vst v1;
	v1 =	vadd.s32 v2, v1  }
0x33c: {  	v2 =	vld [tilespmem:s12+$0x1F30];
	[tilespmem:s10+$0x3A30] =	vst v1;
	v1 =	vadd.s32 v3, v1  }
0x33d: {  	v3 =	vld [tilespmem:s12+$0x2030];
	[tilespmem:s10+$0x3B30] =	vst v1;
	v1 =	vadd.s32 v4, v1  }
0x33e: {  	v4 =	vld [tilespmem:s12+$0x2130];
	[tilespmem:s10+$0x3C30] =	vst v1;
	s10 =	smov.u32 s12  }
0x33f: {  	[tilespmem:s10+$0x2D30] =	vst v0;
	v0 =	vadd.s32 v0, v6;
	v1 =	vld [tilespmem:s10+$0x2230]  }
0x340: {  	[tilespmem:s10+$0x2E30] =	vst v0;
	v0 =	vadd.s32 v5, v0;
	v5 =	vld [tilespmem:s10+$0x2330]  }
0x341: {  	[tilespmem:s10+$0x2F30] =	vst v0;
	v0 =	vadd.s32 v2, v0;
	v2 =	vld [tilespmem:s10+$0x2430]  }
0x342: {  	[tilespmem:s10+$0x3030] =	vst v0;
	v0 =	vadd.s32 v3, v0;
	v3 =	vld [tilespmem:s10+$0x2530]  }
0x343: {  	[tilespmem:s10+$0x3130] =	vst v0;
	v0 =	vadd.s32 v4, v0;
	v4 =	vld [tilespmem:s10+$0x2630]  }
0x344: {  	[tilespmem:s10+$0x3230] =	vst v0;
	v0 =	vadd.s32 v1, v0;
	v6 =	vld [tilespmem:s10+$0x2730]  }
.Ltmp27:
0x345: {  	[tilespmem:s10+$0x3330] =	vst v0;
	v0 =	vadd.s32 v5, v0;
	v1 =	vld [tilespmem:s10+$0x2830];
	(pc) =	sbr.rel @p0 .LBB2_55-.Ltmp27, $4  }
0x346: {  	[tilespmem:s10+$0x3430] =	vst v0;
	v0 =	vadd.s32 v2, v0;
	v2 =	vld [tilespmem:s10+$0x2930]  }
0x347: {  	[tilespmem:s10+$0x3530] =	vst v0;
	v0 =	vadd.s32 v3, v0;
	v3 =	vld [tilespmem:s10+$0x2A30]  }
0x348: {  	s12 =	sshra.s32 s13, $0x2;
	[tilespmem:s10+$0x3630] =	vst v0;
	v5 =	vadd.s32 v4, v0;
	v4 =	vld [tilespmem:s10+$0x2B30]  }
0x349: {  	s13 =	sadd.s32 $0x40, s13;
	v0 =	vld [tilespmem:s12+$0x4E30];
	[tilespmem:s10+$0x3730] =	vst v5;
	v5 =	vadd.s32 v6, v5  }
0x34a: {  	v6 =	vld [tilespmem:s12+$0x1D30];
	[tilespmem:s10+$0x3830] =	vst v5;
	v1 =	vadd.s32 v1, v5  }
0x34b: {  	v5 =	vld [tilespmem:s12+$0x1E30];
	[tilespmem:s10+$0x3930] =	vst v1;
	v1 =	vadd.s32 v2, v1  }
0x34c: {  	v2 =	vld [tilespmem:s12+$0x1F30];
	[tilespmem:s10+$0x3A30] =	vst v1;
	v1 =	vadd.s32 v3, v1  }
0x34d: {  	v3 =	vld [tilespmem:s12+$0x2030];
	[tilespmem:s10+$0x3B30] =	vst v1;
	v1 =	vadd.s32 v4, v1  }
0x34e: {  	v4 =	vld [tilespmem:s12+$0x2130];
	[tilespmem:s10+$0x3C30] =	vst v1  }
0x34f: {  	[tilespmem:s12+$0x2D30] =	vst v0;
	v0 =	vadd.s32 v0, v6;
	v1 =	vld [tilespmem:s12+$0x2230]  }
0x350: {  	[tilespmem:s12+$0x2E30] =	vst v0;
	v0 =	vadd.s32 v5, v0;
	v5 =	vld [tilespmem:s12+$0x2330]  }
0x351: {  	[tilespmem:s12+$0x2F30] =	vst v0;
	v0 =	vadd.s32 v2, v0;
	v2 =	vld [tilespmem:s12+$0x2430]  }
0x352: {  	[tilespmem:s12+$0x3030] =	vst v0;
	v0 =	vadd.s32 v3, v0;
	v3 =	vld [tilespmem:s12+$0x2530]  }
0x353: {  	[tilespmem:s12+$0x3130] =	vst v0;
	v0 =	vadd.s32 v4, v0;
	v4 =	vld [tilespmem:s12+$0x2630]  }
0x354: {  	[tilespmem:s12+$0x3230] =	vst v0;
	v0 =	vadd.s32 v1, v0;
	v1 =	vld [tilespmem:s12+$0x2730]  }
0x355: {  	[tilespmem:s12+$0x3330] =	vst v0;
	v0 =	vadd.s32 v5, v0;
	v5 =	vld [tilespmem:s12+$0x2830]  }
0x356: {  	[tilespmem:s12+$0x3430] =	vst v0;
	v0 =	vadd.s32 v2, v0;
	v2 =	vld [tilespmem:s12+$0x2930]  }
0x357: {  	v6 =	vlaneseq.u32;
	[tilespmem:s12+$0x3530] =	vst v0;
	v0 =	vadd.s32 v3, v0;
	v3 =	vld [tilespmem:s12+$0x2A30]  }
0x358: {  	v7 =	vld [tilespmem:s12+$0x2B30];
	[tilespmem:s12+$0x3630] =	vst v0;
	v4 =	vadd.s32 v4, v0;
	v0 =	vmul.u32 $0x40, v6  }
0x359: {  	[tilespmem:s12+$0x3730] =	vst v4;
	v1 =	vadd.s32 v1, v4  }
0x35a: {  	[tilespmem:s12+$0x3830] =	vst v1;
	v4 =	vadd.s32 v5, v1;
	v1 =	vor.u32 s11, v0  }
0x35b: {  	[tilespmem:s12+$0x3930] =	vst v4;
	v2 =	vadd.s32 v2, v4  }
0x35c: {  	[tilespmem:s12+$0x3A30] =	vst v2;
	v2 =	vadd.s32 v3, v2  }
0x35d: {  	[tilespmem:s12+$0x3B30] =	vst v2;
	v2 =	vadd.s32 v7, v2  }
0x35e: {  	s10 =	simm.s32 $0x1130;
	[tilespmem:s12+$0x3C30] =	vst v2  }
0x35f: {  	v3 =	vld.idx.msk [tilespmem:v1+s10+$0x0], $0xffff;
	_ =	sdelay $0x4  }
0x360: {  	v2 =	vmul.u32 $0x100, v6;
	v3 =	vshrl.u32 v3, $0x18  }
0x361: {  	v4 =	vand.u32 $0x80, v3  }
0x362: {  	v3 =	vand.u32 $0x7F, v3;
	v4 =	vor.u32 v2, v4  }
0x363: {  	v4 =	vor.u32 v3, v4;
	_ =	sdelay $0x3  }
0x364: {  	s11 =	simm.s32 $0x2D30  }
0x365: {  	s13 =	simm.s32 $0x1;
	v6 =	vld.idx.msk [tilespmem:v4+s11+$0x0], $0xffff  }
0x366: {  	v5 =	vor.u32 s13, v0;
	s13 =	simm.s32 $0x2;
	s12 =	simm.s32 $0x1930;
	v3 =	vimm.s32 $0x1  }
.LBB2_57:
0x367: {  	p0 =	sne.s32 s13, $0x3F;
	_ =	sdelay $0x1  }
0x368: {  	[tilespmem:v4+s11+$0x0] =	vst.idx.add.s32.msk $0xffff, v3  }
0x369: {  	[tilespmem:v1+s12+$0x0] =	vst.idx.msk $0xffff, v6;
	v1 =	vmov v5  }
0x36a: {  	v4 =	vld.idx.msk [tilespmem:v5+s10+$0x0], $0xffff;
	_ =	sdelay $0x5  }
0x36b: {  	v4 =	vshrl.u32 v4, $0x18  }
0x36c: {  	v5 =	vand.u32 $0x80, v4  }
0x36d: {  	v4 =	vand.u32 $0x7F, v4;
	v5 =	vor.u32 v2, v5  }
0x36e: {  	v4 =	vor.u32 v4, v5;
	_ =	sdelay $0x2  }
.Ltmp28:
0x36f: {  	(pc) =	sbr.rel @p0 .LBB2_57-.Ltmp28, $3  }
0x370: {  	_ = 	snop  }
0x371: {  	v6 =	vld.idx.msk [tilespmem:v4+s11+$0x0], $0xffff;
	_ =	sdelay $0x1  }
0x372: {  	v5 =	vor.u32 s13, v0;
	s13 =	sadd.s32 $0x1, s13  }
0x373: {  	_ =	sdelay $0x3  }
0x374: {  	[tilespmem:v4+s11+$0x0] =	vst.idx.add.s32.msk $0xffff, v3  }
0x375: {  	[tilespmem:v1+s12+$0x0] =	vst.idx.msk $0xffff, v6  }
0x376: {  	v0 =	vld.idx.msk [tilespmem:v5+s10+$0x0], $0xffff;
	_ =	sdelay $0x4  }
0x377: {  	v0 =	vshrl.u32 v0, $0x18  }
0x378: {  	v1 =	vand.u32 $0x80, v0  }
0x379: {  	v0 =	vand.u32 $0x7F, v0;
	v1 =	vor.u32 v2, v1  }
0x37a: {  	v0 =	vor.u32 v0, v1;
	_ =	sdelay $0x4  }
0x37b: {  	v1 =	vld.idx.msk [tilespmem:v0+s11+$0x0], $0xffff;
	_ =	sdelay $0x3  }
0x37c: {  	s24 =	simm.s32 $0x400;
	[tilespmem:v0+s11+$0x0] =	vst.idx.add.s32.msk $0xffff, v3  }
0x37d: {  	s25 =	simm.s32 $0x1930;
	s26 =	simm.s32 $0x1130;
	s28 =	simm.s32 $0x1;
	[tilespmem:v5+s12+$0x0] =	vst.idx.msk $0xffff, v1  }
0x37e: {  	[spmem:s9] =	stream.indirect.scatter [tilespmem:s26], [sflag:$0x1], $0x1, s25, s24, $0xb8;
	[tilespmem:$0x58B0] =	vst v63  }
0x37f: {  	_ =	swait.ge [sflag:s28], $0x400  }
0x380: {  	[sflag:s28] =	ssyncset.done $0x0  }
0x381: {  	s29 =	simm.s32 $0x1530;
	[sflag:s28] =	ssyncadd.s32 $0xFFFFFC00  }
0x382: {  	[spmem:s7] =	stream.indirect.scatter [tilespmem:s29], [sflag:$0x1], $0x1, s25, s24, $0xb8;
	[tilespmem:$0x58B0] =	vst v63  }
0x383: {  	_ =	swait.ge [sflag:s28], $0x400  }
0x384: {  	[sflag:s28] =	ssyncset.done $0x0  }
0x385: {  	[sflag:s28] =	ssyncadd.s32 $0xFFFFFC00  }
0x386: {  	[bflag:$0x0] =	sbarrier.arrive $0xFFFF  }
0x387: {  	[tilespmem:s29], [sflag:$0x1] =	stream.linear.gather [spmem:s14], $0x400, $0x38;
	[tilespmem:$0x58B0] =	vst v63  }
0x388: {  	_ =	swait.ge [sflag:s28], $0x400  }
0x389: {  	s6 =	sadd.s32 s6, s8;
	[sflag:s28] =	ssyncset.done $0x0  }
0x38a: {  	s30 =	simm.s32 $0x0;
	s31 =	simm.s32 $0x5330;
	[sflag:s28] =	ssyncadd.s32 $0xFFFFFC00  }
0x38b: {  	[tilespmem:s31], [sflag:$0x1] =	stream.linear.gather [hbm4b:s6+s30], $0x400, $0x38;
	[tilespmem:$0x58B0] =	vst v63  }
0x38c: {  	_ =	swait.ge [sflag:s28], $0x400  }
0x38d: {  	[sflag:s28] =	ssyncset.done $0x0  }
0x38e: {  	s7 =	simm.s32 $0x0;
	[sflag:s28] =	ssyncadd.s32 $0xFFFFFC00  }
0x38f: {  	v0 =	vld [tilespmem:s7+$0x1530]  }
0x390: {  	s6 =	simm.s32 $0x10  }
0x391: {  	s8 =	simm.s32 $0x20;
	v1 =	vld [tilespmem:s6+$0x1530]  }
0x392: {  	v2 =	vld [tilespmem:s8+$0x1530];
	_ =	sdelay $0x1  }
0x393: {  	v0 =	vmul.f32 $1.442695020e+00, v0;
	_ =	sdelay $0x1  }
0x394: {  	v1 =	vmul.f32 $1.442695020e+00, v1;
	(erf) = vpow2.f32 v0  }
0x395: {  	v0 =	vmul.f32 $1.442695020e+00, v2  }
0x396: {  	(erf) = vpow2.f32 v1  }
0x397: {  	(erf) = vpow2.f32 v0;
	_ =	sdelay $0x5  }
0x398: {  	v2 =	vpop (erf)  }
0x399: {  	s9 =	simm.s32 $0x30;
	(xrf2) =	vadd.scan.msk.f32 $0xffff, v2  }
0x39a: {  	v0 =	vld [tilespmem:s9+$0x1530];
	v2 =	vpop (erf)  }
0x39b: {  	s10 =	simm.s32 $0x40;
	(xrf2) =	vadd.scan.msk.f32 $0xffff, v2;
	v2 =	vpop (erf)  }
0x39c: {  	v1 =	vld [tilespmem:s10+$0x1530];
	(xrf2) =	vadd.scan.msk.f32 $0xffff, v2;
	_ =	sdelay $0x2  }
0x39d: {  	v0 =	vmul.f32 $1.442695020e+00, v0  }
0x39e: {  	s11 =	simm.s32 $0x50  }
0x39f: {  	(erf) = vpow2.f32 v0;
	v0 =	vmul.f32 $1.442695020e+00, v1;
	v1 =	vld [tilespmem:s11+$0x1530];
	_ =	sdelay $0x1  }
0x3a0: {  	v2, _, _ =	vpop (xrf2)  }
0x3a1: {  	(v2sf) =	vpush v2, $0xF  }
0x3a2: {  	(erf) = vpow2.f32 v0;
	v0, _, _ =	vpop (xrf2)  }
0x3a3: {  	v4 =	vmul.f32 $1.442695020e+00, v1;
	(v2sf) =	vpush v0, $0xF;
	v1, _, _ =	vpop (xrf2)  }
0x3a4: {  	(v2sf) =	vpush v1, $0xF;
	_ =	sdelay $0x2  }
0x3a5: {  	v3 =	vpop (erf)  }
0x3a6: {  	s12 =	simm.s32 $0x60;
	(xrf2) =	vadd.scan.msk.f32 $0xffff, v3  }
0x3a7: {  	v3 =	vld [tilespmem:s12+$0x1530]  }
0x3a8: {  	(erf) = vpow2.f32 v4;
	_ =	sdelay $0x1  }
0x3a9: {  	s13 =	simm.f32 $0.0e+00  }
0x3aa: {  	s14 =	simm.s32 $0x1C0;
	v4 =	vpop (erf);
	v2 =	vadd.f32 s13, v2  }
.LBB2_59:
0x3ab: {  	s15 =	sshra.s32 s14, $0x2;
	p0 =	sne.s32 s14, $0xFC0;
	s14 =	sadd.s32 $0x40, s14;
	v5 =	vmul.f32 $1.442695020e+00, v3;
	(xrf2) =	vadd.scan.msk.f32 $0xffff, v4;
	v6 =	vmov v1  }
.Ltmp29:
0x3ac: {  	v3 =	vld [tilespmem:s15+$0x1530];
	[tilespmem:s7+$0x4F30] =	vst v2;
	s7 =	smov.u32 s6;
	s6 =	smov.u32 s8;
	(pc) =	sbr.rel @p0 .LBB2_59-.Ltmp29, $4  }
0x3ad: {  	s8 =	smov.u32 s9;
	s9 =	smov.u32 s10;
	(erf) = vpow2.f32 v5;
	s16 =	spop (v2sf)  }
0x3ae: {  	s10 =	smov.u32 s11;
	s11 =	smov.u32 s12;
	s13 =	sadd.f32 s16, s13  }
0x3af: {  	s12 =	smov.u32 s15;
	v1, _, _ =	vpop (xrf2)  }
0x3b0: {  	v4 =	vpop (erf);
	(v2sf) =	vpush v1, $0xF;
	v2 =	vadd.f32 s13, v0;
	v0 =	vmov v6  }
0x3b1: {  	v3 =	vmul.f32 $1.442695020e+00, v3;
	_ =	sdelay $0x1  }
0x3b2: {  	(erf) = vpow2.f32 v3;
	_ =	sdelay $0x5  }
0x3b3: {  	(xrf2) =	vadd.scan.msk.f32 $0xffff, v4  }
0x3b4: {  	v3 =	vpop (erf)  }
0x3b5: {  	(xrf2) =	vadd.scan.msk.f32 $0xffff, v3  }
0x3b6: {  	v3 =	vpop (erf)  }
0x3b7: {  	(xrf2) =	vadd.scan.msk.f32 $0xffff, v3;
	_ =	sdelay $0x3  }
0x3b8: {  	v3, _, _ =	vpop (xrf2)  }
0x3b9: {  	(v2sf) =	vpush v3, $0xF  }
0x3ba: {  	v4, _, _ =	vpop (xrf2)  }
0x3bb: {  	(v2sf) =	vpush v4, $0xF  }
0x3bc: {  	v5, _, _ =	vpop (xrf2)  }
0x3bd: {  	(v2sf) =	vpush v5, $0xF  }
0x3be: {  	v6, _, _ =	vpop (xrf2)  }
0x3bf: {  	(v2sf) =	vpush v6, $0xF;
	_ =	sdelay $0x2  }
0x3c0: {  	s14 =	spop (v2sf)  }
0x3c1: {  	s13 =	sadd.f32 s14, s13  }
0x3c2: {  	s24 =	spop (v2sf)  }
0x3c3: {  	s14 =	sadd.f32 s24, s13  }
0x3c4: {  	s15 =	spop (v2sf)  }
0x3c5: {  	s15 =	sadd.f32 s15, s14  }
0x3c6: {  	s16 =	spop (v2sf)  }
0x3c7: {  	s16 =	sadd.f32 s16, s15  }
0x3c8: {  	s17 =	spop (v2sf)  }
0x3c9: {  	s17 =	sadd.f32 s17, s16  }
0x3ca: {  	s18 =	spop (v2sf)  }
0x3cb: {  	s18 =	sadd.f32 s18, s17  }
0x3cc: {  	v0 =	vadd.f32 s13, v0;
	s25 =	spop (v2sf)  }
0x3cd: {  	[tilespmem:s7+$0x4F30] =	vst v2;
	v1 =	vadd.f32 s14, v1;
	s26 =	sadd.f32 s25, s18  }
0x3ce: {  	[tilespmem:s6+$0x4F30] =	vst v0;
	v0 =	vadd.f32 s15, v3  }
0x3cf: {  	[tilespmem:s8+$0x4F30] =	vst v1;
	v1 =	vadd.f32 s16, v4;
	v2 =	vmov s26  }
0x3d0: {  	[tilespmem:s9+$0x4F30] =	vst v0;
	v0 =	vadd.f32 s17, v5;
	v2 =	vadd.f32 $0.0e+00, v2  }
0x3d1: {  	[tilespmem:s10+$0x4F30] =	vst v1;
	v1 =	vadd.f32 s18, v6  }
0x3d2: {  	[tilespmem:s11+$0x4F30] =	vst v0;
	v0 =	vbroadcast v2, $0x0  }
0x3d3: {  	s6 =	sshll.u32 s4, $0x4;
	[tilespmem:s12+$0x4F30] =	vst v1  }
0x3d4: {  	s29 =	simm.s32 $0x5830;
	s30 =	simm.s32 $0x1;
	s28 =	sadd.s32 s6, s5;
	[tilespmem:$0x5830] =	vst v0  }
0x3d5: {  	[spmem:s28] =	stream.linear.scatter [tilespmem:s29], [sflag:$0x1], $0x10, $0x38;
	[tilespmem:$0x58B0] =	vst v63  }
0x3d6: {  	_ =	swait.ge [sflag:s30], $0x10  }
0x3d7: {  	[sflag:s30] =	ssyncset.done $0x0  }
0x3d8: {  	[sflag:s30] =	ssyncadd.s32 $0xFFFFFFF0  }
0x3d9: {  	s31 =	simm.s32 $0x5730;
	[bflag:$0x0] =	sbarrier.arrive $0xFFFF  }
0x3da: {  	[tilespmem:s31], [sflag:$0x1] =	stream.linear.gather [spmem:s5], $0x100, $0x38;
	[tilespmem:$0x58B0] =	vst v63  }
0x3db: {  	_ =	swait.ge [sflag:s30], $0x100  }
0x3dc: {  	[sflag:s30] =	ssyncset.done $0x0  }
0x3dd: {  	[sflag:s30] =	ssyncadd.s32 $0xFFFFFF00  }
0x3de: {  	v1 =	vld [tilespmem:s31+$0x0];
	_ =	sdelay $0x2  }
0x3df: {  	p0 =	sgt.u32 s4, $0x0;
	s7 =	simm.f32 $1.000000000e+00  }
0x3e0: {  	s7 =	simm.s32 @!p0 $0x0  }
0x3e1: {  	v0 =	vimm.f32 $0.0e+00;
	s5 =	simm.s32 $0x1;
	v2 =	vmul.f32 s7, v1;
	s7 =	simm.s32 $0x5740;
	v1 =	vimm.f32 $0.0e+00  }
.LBB2_61:
0x3e2: {  	v3 =	vld [tilespmem:s7+$0x0];
	p0 =	sne.s32 s5, $0xF;
	s8 =	smov.u32 s5;
	s5 =	sadd.s32 $0x1, s5  }
.Ltmp30:
0x3e3: {  	v1 =	vadd.f32 v2, v1;
	(pc) =	sbr.rel @p0 .LBB2_61-.Ltmp30, $4  }
0x3e4: {  	_ = 	snop  }
0x3e5: {  	p1 =	slt.u32 s8, s4;
	s8 =	simm.f32 $1.000000000e+00  }
0x3e6: {  	s8 =	simm.s32 @!p1 $0x0  }
0x3e7: {  	s7 =	sadd.s32 $0x10, s7;
	v2 =	vmul.f32 s8, v3  }
0x3e8: {  	s10 =	simm.s32 $0x0  }
0x3e9: {  	v3 =	vld [tilespmem:s10+$0x4F30];
	_ =	sdelay $0x2  }
0x3ea: {  	v5 =	vadd.f32 v2, v1;
	_ =	sdelay $0x1  }
0x3eb: {  	v1 =	vadd.f32 v3, v5;
	_ =	sdelay $0x1  }
0x3ec: {  	v8 =	vadd.f32 $9.999999930e-09, v1;
	_ =	sdelay $0x1  }
0x3ed: {  	v1 =	vand.u32 $0x7FFFFF, v8  }
0x3ee: {  	s8 =	simm.s32 $0x10;
	v1 =	vor.u32 $0x3F800000, v1  }
0x3ef: {  	v2 =	vld [tilespmem:s8+$0x4F30];
	v3 =	vmul.f32 $5.000000000e-01, v1  }
0x3f0: {  	vm0 =	vgt.f32 v1, $1.414213540e+00  }
0x3f1: {  	v1 =	vsel vm0, v3, v1  }
0x3f2: {  	v3 =	vadd.f32 $1.000000000e+00, v1;
	_ =	sdelay $0x1  }
0x3f3: {  	v2 =	vadd.f32 v2, v5;
	(erf) = vrcp.f32 v3;
	_ =	sdelay $0x1  }
0x3f4: {  	v4 =	vadd.f32 $9.999999930e-09, v2;
	_ =	sdelay $0x1  }
0x3f5: {  	v2 =	vand.u32 $0x7FFFFF, v4  }
0x3f6: {  	v2 =	vor.u32 $0x3F800000, v2  }
0x3f7: {  	s5 =	simm.s32 $0x20;
	v3 =	vmul.f32 $5.000000000e-01, v2  }
0x3f8: {  	v7 =	vld [tilespmem:s5+$0x4F30];
	vm1 =	vgt.f32 v2, $1.414213540e+00  }
0x3f9: {  	v1 =	vadd.f32 $-1.000000000e+00, v1;
	v3 =	vsel vm1, v3, v2  }
0x3fa: {  	v2 =	vadd.f32 $1.000000000e+00, v3;
	v6 =	vpop (erf)  }
0x3fb: {  	v6 =	vmul.f32 v6, v1  }
0x3fc: {  	(erf) = vrcp.f32 v2  }
0x3fd: {  	v1 =	vadd.f32 v7, v5;
	v11 =	vmul.f32 v6, v6  }
0x3fe: {  	s7 =	simm.s32 $0x30  }
0x3ff: {  	v7 =	vld [tilespmem:s7+$0x4F30];
	v2 =	vadd.f32 $9.999999930e-09, v1;
	v9 =	vmul.f32 $2.222222240e-01, v11;
	_ =	sdelay $0x1  }
0x400: {  	v10 =	vand.u32 $0x7FFFFF, v2;
	v9 =	vadd.f32 $2.857142980e-01, v9  }
0x401: {  	v10 =	vor.u32 $0x3F800000, v10  }
0x402: {  	vm2 =	vmmov vm0;
	v12 =	vmul.f32 $5.000000000e-01, v10;
	v9 =	vmul.f32 v9, v11  }
0x403: {  	v13 =	vadd.f32 $-1.000000000e+00, v3;
	v7 =	vadd.f32 v7, v5;
	vm0 =	vgt.f32 v10, $1.414213540e+00  }
0x404: {  	v8 =	vshrl.u32 v8, $0x17;
	v14 =	vpop (erf);
	v10 =	vsel vm0, v12, v10;
	v9 =	vadd.f32 $4.000000060e-01, v9  }
0x405: {  	v3 =	vadd.f32 $9.999999930e-09, v7;
	v7 =	vmul.f32 v14, v13;
	v12 =	vadd.f32 $1.000000000e+00, v10  }
0x406: {  	vm2 =	vmmov vm2;
	v1 =	vimm.s32 $0x0;
	v13 =	vmul.f32 v9, v11  }
0x407: {  	v14 =	vand.u32 $0x7FFFFF, v3;
	(erf) = vrcp.f32 v12;
	v9 =	vmul.f32 v7, v7  }
0x408: {  	s9 =	simm.s32 $0x40;
	v17 =	vsel vm2, $0x1, v1;
	v12 =	vor.u32 $0x3F800000, v14;
	v14 =	vadd.f32 $6.666666860e-01, v13  }
0x409: {  	v8 =	vadd.s32 v17, v8;
	v16 =	vmul.f32 $2.222222240e-01, v9;
	v13 =	vld [tilespmem:s9+$0x4F30]  }
0x40a: {  	vm1 =	vmmov vm1;
	v17 =	vadd.s32 $0xFFFFFF81, v8;
	v14 =	vmul.f32 v14, v11  }
0x40b: {  	s11 =	simm.s32 $0x140;
	v8 =	vimm.f32 $0.0e+00;
	v15 =	vmul.f32 $5.000000000e-01, v12;
	v11 =	vld [tilespmem:s10+$0x5330];
	v16 =	vadd.f32 $2.857142980e-01, v16  }
.LBB2_63:
0x40c: {  	v17 =	vcvt.s32.f32 v17;
	v14 =	vadd.f32 $2.000000000e+00, v14  }
0x40d: {  	p0 =	sne.s32 s11, $0xFC0;
	vm2 =	vmmov vm1;
	vm1 =	vmmov vm0;
	vm0 =	vgt.f32 v12, $1.414213540e+00  }
0x40e: {  	v13 =	vadd.f32 v13, v5;
	v12 =	vsel vm0, v15, v12;
	v15 =	vmul.f32 v16, v9;
	v16 =	vld [tilespmem:s10+$0x1530];
	s10 =	smov.u32 s8;
	s8 =	smov.u32 s5;
	s5 =	smov.u32 s7  }
0x40f: {  	v18 =	vadd.f32 $-1.000000000e+00, v10;
	s7 =	smov.u32 s9;
	v17 =	vmul.f32 $6.931471820e-01, v17;
	v14 =	vmul.f32 v14, v6;
	v10 =	vmovc v12;
	v6 =	vmovc v7  }
0x410: {  	v12 =	vadd.f32 $1.000000000e+00, v10;
	v7 =	vpop (erf);
	v15 =	vadd.f32 $4.000000060e-01, v15;
	v11 =	vcvt.s32.f32 v11  }
0x411: {  	v19 =	vadd.f32 $9.999999930e-09, v13;
	v7 =	vmul.f32 v7, v18;
	v13 =	vadd.f32 v14, v17  }
0x412: {  	(erf) = vrcp.f32 v12;
	v14 =	vmul.f32 v15, v9;
	v0 =	vadd.f32 v11, v0  }
.Ltmp31:
0x413: {  	s9 =	sshra.s32 s11, $0x2;
	v12 =	vand.u32 $0x7FFFFF, v19;
	v17 =	vmul.f32 v7, v7;
	v15 =	vsub.f32 v16, v13;
	(pc) =	sbr.rel @p0 .LBB2_63-.Ltmp31, $4  }
0x414: {  	v12 =	vor.u32 $0x3F800000, v12;
	v16 =	vshrl.u32 v4, $0x17;
	v4 =	vmovc v2;
	v2 =	vmovc v3;
	v13 =	vld [tilespmem:s9+$0x4F30];
	v14 =	vadd.f32 $6.666666860e-01, v14  }
0x415: {  	v20 =	vsel vm2, $0x1, v1;
	v3 =	vmovc v19;
	v18 =	vmul.f32 $2.222222240e-01, v17;
	v21 =	vmul.f32 v11, v15  }
0x416: {  	v19 =	vadd.s32 v20, v16;
	v15 =	vmul.f32 $5.000000000e-01, v12;
	v14 =	vmul.f32 v14, v9;
	v11 =	vld [tilespmem:s10+$0x5330];
	v9 =	vmovc v17  }
0x417: {  	s11 =	sadd.s32 $0x40, s11;
	v17 =	vadd.s32 $0xFFFFFF81, v19;
	v16 =	vadd.f32 $2.857142980e-01, v18;
	v8 =	vadd.f32 v21, v8  }
0x418: {  	_ = 	snop  }
0x419: {  	v5 =	vadd.f32 v13, v5;
	_ =	sdelay $0x1  }
0x41a: {  	v5 =	vadd.f32 $9.999999930e-09, v5;
	_ =	sdelay $0x1  }
0x41b: {  	v31 =	vand.u32 $0x7FFFFF, v5  }
0x41c: {  	vm3 =	vgt.f32 v12, $1.414213540e+00;
	v13 =	vor.u32 $0x3F800000, v31  }
0x41d: {  	v12 =	vsel vm3, v15, v12;
	v18 =	vmul.f32 $5.000000000e-01, v13  }
0x41e: {  	v15 =	vadd.f32 $1.000000000e+00, v12;
	vm2 =	vgt.f32 v13, $1.414213540e+00  }
0x41f: {  	v13 =	vsel vm2, v18, v13  }
0x420: {  	(erf) = vrcp.f32 v15;
	v32 =	vadd.f32 $1.000000000e+00, v13;
	_ =	sdelay $0x1  }
0x421: {  	v10 =	vadd.f32 $-1.000000000e+00, v10;
	v17 =	vcvt.s32.f32 v17;
	v33 =	vpop (erf);
	(erf) = vrcp.f32 v32  }
0x422: {  	v14 =	vadd.f32 $2.000000000e+00, v14;
	vm1 =	vmmov vm1;
	v4 =	vshrl.u32 v4, $0x17  }
0x423: {  	vm0 =	vmmov vm0;
	v2 =	vshrl.u32 v2, $0x17;
	v3 =	vshrl.u32 v3, $0x17  }
0x424: {  	v16 =	vmul.f32 v16, v9;
	v36 =	vsel vm1, $0x1, v1;
	v10 =	vmul.f32 v33, v10  }
0x425: {  	vm0 =	vmmov vm0;
	vm12 =	vmmov vm3;
	v34 =	vmul.f32 $6.931471820e-01, v17  }
0x426: {  	v6 =	vmul.f32 v14, v6;
	v12 =	vadd.f32 $-1.000000000e+00, v12;
	v35 =	vmul.f32 v10, v10  }
0x427: {  	v4 =	vadd.s32 v36, v4;
	v48 =	vsel vm0, $0x1, v1;
	vm13 =	vmmov vm12  }
0x428: {  	v16 =	vadd.f32 $4.000000060e-01, v16;
	v11 =	vcvt.s32.f32 v11;
	v38 =	vmul.f32 $2.222222240e-01, v35;
	v40 =	vpop (erf)  }
0x429: {  	v4 =	vadd.s32 $0xFFFFFF81, v4;
	v13 =	vadd.f32 $-1.000000000e+00, v13;
	v12 =	vmul.f32 v40, v12  }
0x42a: {  	v2 =	vadd.s32 v48, v2;
	v4 =	vcvt.s32.f32 v4;
	v15 =	vadd.f32 $2.857142980e-01, v38;
	v43 =	vpop (erf)  }
0x42b: {  	v52 =	vsel vm13, $0x1, v1;
	v42 =	vmul.f32 v12, v12;
	v13 =	vmul.f32 v43, v13  }
0x42c: {  	v37 =	vld [tilespmem:s10+$0x1530];
	v6 =	vadd.f32 v6, v34;
	v16 =	vmul.f32 v16, v9;
	v15 =	vmul.f32 v15, v35  }
0x42d: {  	v53 =	vld [tilespmem:s5+$0x5330];
	v2 =	vadd.s32 $0xFFFFFF81, v2;
	v44 =	vmul.f32 $2.222222240e-01, v42;
	v45 =	vmul.f32 v13, v13  }
0x42e: {  	v3 =	vadd.s32 v52, v3;
	v2 =	vcvt.s32.f32 v2;
	v16 =	vadd.f32 $6.666666860e-01, v16  }
0x42f: {  	v15 =	vadd.f32 $4.000000060e-01, v15;
	v17 =	vadd.f32 $2.857142980e-01, v44;
	v47 =	vmul.f32 $2.222222240e-01, v45  }
0x430: {  	v3 =	vadd.s32 $0xFFFFFF81, v3;
	v5 =	vshrl.u32 v5, $0x17;
	v39 =	vmul.f32 v16, v9  }
0x431: {  	v15 =	vmul.f32 v15, v35;
	v17 =	vmul.f32 v17, v42;
	v16 =	vadd.f32 $2.857142980e-01, v47  }
0x432: {  	v60 =	vcvt.s32.f32 v53;
	v6 =	vsub.f32 v37, v6;
	v4 =	vmul.f32 $6.931471820e-01, v4  }
0x433: {  	v15 =	vadd.f32 $6.666666860e-01, v15;
	v17 =	vadd.f32 $4.000000060e-01, v17;
	v49 =	vmul.f32 v16, v45  }
0x434: {  	v3 =	vcvt.s32.f32 v3;
	v2 =	vmul.f32 $6.931471820e-01, v2;
	vm14 =	vmmov vm2  }
0x435: {  	v14 =	vmul.f32 v15, v35;
	v50 =	vmul.f32 v17, v42;
	v15 =	vadd.f32 $4.000000060e-01, v49  }
0x436: {  	v41 =	vld [tilespmem:s8+$0x1530];
	v6 =	vmul.f32 v11, v6;
	vm15 =	vmmov vm14;
	v9 =	vadd.f32 $2.000000000e+00, v39  }
0x437: {  	v46 =	vld [tilespmem:s8+$0x5330];
	v55 =	vsel vm15, $0x1, v1;
	v51 =	vadd.f32 $6.666666860e-01, v50;
	v15 =	vmul.f32 v15, v45  }
0x438: {  	v3 =	vmul.f32 $6.931471820e-01, v3;
	v1 =	vadd.s32 v55, v5;
	v7 =	vmul.f32 v9, v7  }
0x439: {  	v14 =	vadd.f32 $2.000000000e+00, v14;
	v9 =	vmul.f32 v51, v42;
	v15 =	vadd.f32 $6.666666860e-01, v15  }
0x43a: {  	v54 =	vld [tilespmem:s5+$0x1530];
	v6 =	vadd.f32 v6, v8;
	v1 =	vadd.s32 $0xFFFFFF81, v1;
	v4 =	vadd.f32 v7, v4  }
0x43b: {  	v56 =	vld [tilespmem:s7+$0x5330];
	v10 =	vmul.f32 v14, v10;
	v9 =	vadd.f32 $2.000000000e+00, v9;
	v57 =	vmul.f32 v15, v45  }
0x43c: {  	v58 =	vld [tilespmem:s7+$0x1530];
	v8 =	vcvt.s32.f32 v46;
	v1 =	vcvt.s32.f32 v1;
	v4 =	vsub.f32 v41, v4  }
0x43d: {  	v59 =	vld [tilespmem:s9+$0x5330];
	v2 =	vadd.f32 v10, v2;
	v9 =	vmul.f32 v9, v12;
	v5 =	vadd.f32 $2.000000000e+00, v57  }
0x43e: {  	v61 =	vld [tilespmem:s9+$0x1530];
	v1 =	vmul.f32 $6.931471820e-01, v1;
	v4 =	vmul.f32 v8, v4  }
0x43f: {  	v2 =	vsub.f32 v54, v2;
	v3 =	vadd.f32 v9, v3;
	v5 =	vmul.f32 v5, v13  }
0x440: {  	v62 =	vcvt.s32.f32 v56;
	v4 =	vadd.f32 v4, v6  }
0x441: {  	v2 =	vmul.f32 v60, v2;
	v3 =	vsub.f32 v58, v3;
	v1 =	vadd.f32 v5, v1  }
0x442: {  	v63 =	vcvt.s32.f32 v59  }
0x443: {  	v2 =	vadd.f32 v2, v4;
	v3 =	vmul.f32 v62, v3;
	v1 =	vsub.f32 v61, v1  }
0x444: {  	v0 =	vadd.f32 v11, v0  }
0x445: {  	v2 =	vadd.f32 v3, v2;
	v1 =	vmul.f32 v63, v1  }
0x446: {  	v0 =	vadd.f32 v8, v0  }
0x447: {  	v1 =	vadd.f32 v1, v2  }
0x448: {  	v0 =	vadd.f32 v60, v0  }
0x449: {  	s30 =	sadd.s32 s6, s3;
	s5 =	simm.s32 $0x5830;
	s7 =	simm.s32 $0x1;
	[tilespmem:$0x5830] =	vst v1  }
0x44a: {  	v0 =	vadd.f32 v62, v0;
	[spmem:s30] =	stream.linear.scatter [tilespmem:s5], [sflag:$0x1], $0x10, $0x38;
	[tilespmem:$0x58B0] =	vst v63  }
0x44b: {  	_ =	swait.ge [sflag:s7], $0x10  }
0x44c: {  	v0 =	vadd.f32 v63, v0;
	[sflag:s7] =	ssyncset.done $0x0  }
0x44d: {  	[sflag:s7] =	ssyncadd.s32 $0xFFFFFFF0  }
0x44e: {  	s31 =	sadd.s32 s6, s2;
	[tilespmem:$0x5830] =	vst v0  }
0x44f: {  	[spmem:s31] =	stream.linear.scatter [tilespmem:s5], [sflag:$0x1], $0x10, $0x38;
	[tilespmem:$0x58B0] =	vst v63  }
0x450: {  	_ =	swait.ge [sflag:s7], $0x10  }
0x451: {  	[sflag:s7] =	ssyncset.done $0x0  }
0x452: {  	[sflag:s7] =	ssyncadd.s32 $0xFFFFFFF0  }
0x453: {  	p0 =	sne.s32 s4, $0x0;
	[bflag:$0x0] =	sbarrier.arrive $0xFFFF  }
0x454: {  	_ =	sfence.sel @p0 $0x180000  }
0x455: {  	[bflag:$0x0] =	sbarrier.arrive @p0 $0xFFFF  }
0x456: {  	_ =	strace @p0 $0x90000047  }
0x457: {  	[bflag:$0x2] =	sbarrier.arrive @p0 $0xFFFF  }
0x458: {  	_ =	shalt @p0  }
.LBB2_65:
0x459: {  	s4 =	simm.s32 $0x5730  }
0x45a: {  	[tilespmem:s4], [sflag:$0x1] =	stream.linear.gather [spmem:s3], $0x100, $0x38;
	[tilespmem:$0x58B0] =	vst v63  }
0x45b: {  	_ =	swait.ge [sflag:s7], $0x100  }
0x45c: {  	[sflag:s7] =	ssyncset.done $0x0  }
0x45d: {  	[sflag:s7] =	ssyncadd.s32 $0xFFFFFF00  }
0x45e: {  	v0 =	vld [tilespmem:$0x5730]  }
0x45f: {  	v1 =	vld [tilespmem:$0x5740]  }
0x460: {  	v2 =	vld [tilespmem:$0x5750]  }
0x461: {  	v3 =	vld [tilespmem:$0x5760]  }
0x462: {  	v4 =	vld [tilespmem:$0x5770]  }
0x463: {  	v5 =	vld [tilespmem:$0x5780]  }
0x464: {  	v6 =	vld [tilespmem:$0x5790]  }
0x465: {  	v7 =	vld [tilespmem:$0x57A0]  }
0x466: {  	v8 =	vld [tilespmem:$0x57B0]  }
0x467: {  	v9 =	vld [tilespmem:$0x57C0]  }
0x468: {  	v10 =	vld [tilespmem:$0x57D0]  }
0x469: {  	v11 =	vld [tilespmem:$0x57E0]  }
0x46a: {  	v12 =	vld [tilespmem:$0x57F0]  }
0x46b: {  	v13 =	vld [tilespmem:$0x5800]  }
0x46c: {  	v14 =	vld [tilespmem:$0x5810]  }
0x46d: {  	v15 =	vld [tilespmem:$0x5820];
	[tilespmem:s4], [sflag:$0x1] =	stream.linear.gather [spmem:s2], $0x100, $0x38  }
0x46e: {  	_ =	swait.ge [sflag:s7], $0x100  }
0x46f: {  	[sflag:s7] =	ssyncset.done $0x0  }
0x470: {  	[sflag:s7] =	ssyncadd.s32 $0xFFFFFF00  }
0x471: {  	v16 =	vld [tilespmem:$0x5730];
	_ =	sdelay $0x1  }
0x472: {  	v17 =	vld [tilespmem:$0x5740];
	_ =	sdelay $0x1  }
0x473: {  	v18 =	vld [tilespmem:$0x5750];
	v0 =	vadd.f32 $0.0e+00, v0  }
0x474: {  	v16 =	vadd.f32 $0.0e+00, v16  }
0x475: {  	v50 =	vld [tilespmem:$0x5760];
	v0 =	vadd.f32 v1, v0  }
0x476: {  	v16 =	vadd.f32 v17, v16  }
0x477: {  	v51 =	vld [tilespmem:$0x5770];
	v0 =	vadd.f32 v2, v0  }
0x478: {  	v16 =	vadd.f32 v18, v16  }
0x479: {  	v52 =	vld [tilespmem:$0x5780];
	v0 =	vadd.f32 v3, v0  }
0x47a: {  	v1 =	vadd.f32 v50, v16  }
0x47b: {  	v53 =	vld [tilespmem:$0x5790];
	v0 =	vadd.f32 v4, v0  }
0x47c: {  	v1 =	vadd.f32 v51, v1  }
0x47d: {  	v54 =	vld [tilespmem:$0x57A0];
	v0 =	vadd.f32 v5, v0  }
0x47e: {  	v1 =	vadd.f32 v52, v1  }
0x47f: {  	v55 =	vld [tilespmem:$0x57B0];
	v0 =	vadd.f32 v6, v0  }
0x480: {  	v1 =	vadd.f32 v53, v1  }
0x481: {  	v56 =	vld [tilespmem:$0x57C0];
	v0 =	vadd.f32 v7, v0  }
0x482: {  	v1 =	vadd.f32 v54, v1  }
0x483: {  	v57 =	vld [tilespmem:$0x57D0];
	v0 =	vadd.f32 v8, v0  }
0x484: {  	v1 =	vadd.f32 v55, v1  }
0x485: {  	v58 =	vld [tilespmem:$0x57E0];
	v0 =	vadd.f32 v9, v0  }
0x486: {  	v1 =	vadd.f32 v56, v1  }
0x487: {  	v59 =	vld [tilespmem:$0x57F0];
	v0 =	vadd.f32 v10, v0  }
0x488: {  	v1 =	vadd.f32 v57, v1  }
0x489: {  	v60 =	vld [tilespmem:$0x5800];
	v0 =	vadd.f32 v11, v0  }
0x48a: {  	v1 =	vadd.f32 v58, v1  }
0x48b: {  	v61 =	vld [tilespmem:$0x5810];
	v0 =	vadd.f32 v12, v0  }
0x48c: {  	v1 =	vadd.f32 v59, v1  }
0x48d: {  	v62 =	vld [tilespmem:$0x5820];
	v0 =	vadd.f32 v13, v0  }
0x48e: {  	v1 =	vadd.f32 v60, v1  }
0x48f: {  	v0 =	vadd.f32 v14, v0  }
0x490: {  	v1 =	vadd.f32 v61, v1  }
0x491: {  	v0 =	vadd.f32 v15, v0  }
0x492: {  	v1 =	vadd.f32 v62, v1  }
0x493: {  	(xrf2) =	vadd.scan.msk.f32 $0xffff, v0  }
0x494: {  	(xrf2) =	vadd.scan.msk.f32 $0xffff, v1;
	_ =	sdelay $0x8  }
0x495: {  	v0, _, _ =	vpop (xrf2)  }
0x496: {  	v1, _, _ =	vpop (xrf2)  }
0x497: {  	v1 =	vadd.f32 $0.0e+00, v1;
	_ =	sdelay $0x1  }
0x498: {  	v1 =	vbroadcast v1, $0xF;
	_ =	sdelay $0x1  }
0x499: {  	v63 =	vmax.f32 v1, $1.000000000e+00  }
0x49a: {  	(erf) = vrcp.f32 v63;
	_ =	sdelay $0x5  }
0x49b: {  	v0 =	vadd.f32 $0.0e+00, v0;
	_ =	sdelay $0x1  }
0x49c: {  	v0 =	vbroadcast v0, $0xF  }
0x49d: {  	v2 =	vpop (erf)  }
0x49e: {  	v0 =	vmul.f32 v2, v0;
	_ =	sdelay $0x1  }
0x49f: {  	v0 =	vsub.f32 $0.0e+00, v0  }
0x4a0: {  	vm0 =	veq.f32 v1, $0.0e+00  }
0x4a1: {  	v0 =	vsel vm0, $0x0, v0  }
0x4a2: {  	s30 =	simm.s32 $0x0;
	[tilespmem:$0x5830] =	vst v0  }
0x4a3: {  	[hbm4b:s0+s30] =	stream.linear.scatter [tilespmem:s5], [sflag:$0x1], $0x80, $0x38;
	[tilespmem:$0x58B0] =	vst v63  }
0x4a4: {  	_ =	swait.ge [sflag:s7], $0x80  }
0x4a5: {  	[sflag:s7] =	ssyncset.done $0x0  }
0x4a6: {  	[sflag:s7] =	ssyncadd.s32 $0xFFFFFF80  }
0x4a7: {  	_ =	sfence.sel $0x180000  }
0x4a8: {  	[bflag:$0x0] =	sbarrier.arrive $0xFFFF  }
0x4a9: {  	_ =	strace $0x90000047  }
0x4aa: {  	s31 =	sadd.s32 $0x100000, s1;
	[bflag:$0x2] =	sbarrier.arrive $0xFFFF  }
0x4ab: {  	[sflag:s31] =	ssyncadd.tile.s32 $0x1;
	_ =	shalt  }
.Lfunc_end2:
_tile_overlayer_lowered:
.L_overlay_start_2:
0x4ac: {  	(tag) =	ssettag $0x2  }
0x4ad: {  	s0 =	rddreg [dreg:$0x0];
	s2 =	stileid.u32  }
0x4ae: {  	s1 =	rddreg [dreg:$0x1];
	p0 =	sne.s32 s2, $0x0  }
0x4af: {  	s3 =	rddreg [dreg:$0x2];
	[bflag:$0x3] =	sbarrier.arrive $0xFFFF;
	s2 =	simm.s32 @!p0 $0x1C01  }
0x4b0: {  	[timem:s3], [sflag:s2] =	dma.local @!p0 [hbm:s0], s1  }
0x4b1: {  	s0 =	simm.s32 @!p0 $0x1  }
0x4b2: {  	_ =	swait.ge @!p0 [sflag:s0], s1  }
0x4b3: {  	s1 =	ssub.s32 @!p0 $0x0, s1;
	[sflag:s0] =	ssyncset.done @!p0 $0x0  }
0x4b4: {  	[sflag:s0] =	ssyncadd.s32 @!p0 s1  }
0x4b5: {  	[bflag:$0x3] =	sbarrier.arrive $0xFFFF  }
0x4b6: {  	_ =	shalt  }

</sc_bundles>
